<compile_context>
chip_gen: v7x
topology: tpu7x:2x2x1
jax: 0.10.2.dev20260603
libtpu: 0.0.44.dev20260713+nightly
codegen_flags: <defaults>
</compile_context>

<pallas_src>
import functools

import numpy as np
import jax
import jax.numpy as jnp
from jax import lax
from jax.experimental import pallas as pl
from jax.experimental.pallas import tpu as pltpu
from jax.experimental.pallas import tpu_sc as plsc

NUM_EMB = 1_000_000
D = 64
N_SEQ = 4096
S_LEN = 200
B = N_SEQ * S_LEN
NW = 32
ROWS_PER_W = B // NW
CHUNK = 256
CHUNKS_PER_W = ROWS_PER_W // CHUNK
LANES = 16
TPAD = CHUNK + 1


def _pe_table() -> np.ndarray:
    position = np.arange(S_LEN)[:, None].astype(np.float32)
    div_term = np.exp(np.arange(0, D, 2).astype(np.float32) * (-np.log(10000.0) / D))
    pe = np.zeros((S_LEN, D), dtype=np.float32)
    pe[:, 0::2] = np.sin(position * div_term)
    pe[:, 1::2] = np.cos(position * div_term)
    return pe


_PE = _pe_table()

_mesh = plsc.VectorSubcoreMesh(core_axis_name="c", subcore_axis_name="s")


@functools.partial(
    pl.kernel,
    out_type=jax.ShapeDtypeStruct((S_LEN, D, N_SEQ), jnp.float32),
    mesh=_mesh,
    scratch_types=[
        pltpu.VMEM((ROWS_PER_W,), jnp.int32),
        pltpu.VMEM((S_LEN, D), jnp.float32),
        pltpu.VMEM((CHUNK, D), jnp.float32),
        pltpu.VMEM((CHUNK, D), jnp.float32),
        pltpu.VMEM((D, TPAD), jnp.float32),
        pltpu.VMEM((D, TPAD), jnp.float32),
        pltpu.SemaphoreType.DMA,
        pltpu.SemaphoreType.DMA,
        pltpu.SemaphoreType.DMA,
        pltpu.SemaphoreType.DMA,
    ],
    compiler_params=pltpu.CompilerParams(
        use_tc_tiling_on_sc=False, needs_layout_passes=False,
        disable_bounds_checks=True),
)
def _embed_sc(table_hbm, idx_hbm, pe_hbm, out_hbm, idx_v, pe_v,
              buf0, buf1, tb0, tb1, gs0, gs1, ss0, ss1):
    bufs = (buf0, buf1)
    tbs = (tb0, tb1)
    gsems = (gs0, gs1)
    ssems = (ss0, ss1)
    wid = lax.axis_index("s") * 2 + lax.axis_index("c")
    base = wid * ROWS_PER_W
    pltpu.sync_copy(idx_hbm.at[wid], idx_v)
    pltpu.sync_copy(pe_hbm, pe_v)

    iota = lax.iota(jnp.int32, LANES)
    dvec = [iota + j * LANES for j in range(D // LANES)]

    def gather(ci, k):
        off = pl.multiple_of(ci * CHUNK, 8)
        return pltpu.make_async_copy(
            table_hbm.at[idx_v.at[pl.ds(off, CHUNK)]], bufs[k], gsems[k])

    def store(ci, k):
        t0 = base + ci * CHUNK
        s = t0 // N_SEQ
        n0 = pl.multiple_of(lax.rem(t0, N_SEQ), CHUNK)
        return pltpu.make_async_copy(
            tbs[k].at[:, pl.ds(0, CHUNK)],
            out_hbm.at[s, :, pl.ds(n0, CHUNK)], ssems[k])

    def transpose_add(ci, k):
        buf, tb = bufs[k], tbs[k]
        s = (base + ci * CHUNK) // N_SEQ
        pe_regs = [pe_v[s, pl.ds(j * LANES, LANES)] for j in range(D // LANES)]

        @plsc.parallel_loop(0, CHUNK, unroll=4)
        def row_body(r):
            rvec = jnp.broadcast_to(r, (LANES,))
            for j in range(D // LANES):
                v = buf[r, pl.ds(j * LANES, LANES)] + pe_regs[j]
                plsc.store_scatter(tb, [dvec[j], rvec], v)

    gather(0, 0).start()
    gather(1, 1).start()

    def group_body(g, carry):
        for k in range(2):
            ci = 2 * g + k
            gather(ci, k).wait()

            @pl.when(ci >= 2)
            def _():
                store(ci - 2, k).wait()

            transpose_add(ci, k)
            store(ci, k).start()

            @pl.when(ci <= CHUNKS_PER_W - 3)
            def _():
                gather(ci + 2, k).start()
        return carry

    lax.fori_loop(0, CHUNKS_PER_W // 2, group_body, 0)
    store(CHUNKS_PER_W - 2, 0).wait()
    store(CHUNKS_PER_W - 1, 1).wait()


TCH = 400
TCHUNKS = NUM_EMB // TCH
TROUNDS = TCHUNKS // NW
TBPAD = 65


@functools.partial(
    pl.kernel,
    out_type=jax.ShapeDtypeStruct((NUM_EMB, D), jnp.float32),
    mesh=_mesh,
    scratch_types=[
        pltpu.VMEM((D, TCH), jnp.float32),
        pltpu.VMEM((TCH, TBPAD), jnp.float32),
    ],
    compiler_params=pltpu.CompilerParams(
        use_tc_tiling_on_sc=False, needs_layout_passes=False,
        disable_bounds_checks=True),
)
def _transpose_sc(tt_hbm, out_hbm, bufa, bufb):
    wid = lax.axis_index("s") * 2 + lax.axis_index("c")
    iota = lax.iota(jnp.int32, LANES)
    rvecs = [iota + rb * LANES for rb in range(TCH // LANES)]

    def do_chunk(c):
        r0 = pl.multiple_of(c * TCH, 8)
        pltpu.sync_copy(tt_hbm.at[:, pl.ds(r0, TCH)], bufa)

        @plsc.parallel_loop(0, D, unroll=2)
        def col_body(d):
            dvec2 = jnp.broadcast_to(d, (LANES,))
            for rb in range(TCH // LANES):
                v = bufa[d, pl.ds(rb * LANES, LANES)]
                plsc.store_scatter(bufb, [rvecs[rb], dvec2], v)

        pltpu.sync_copy(bufb.at[:, pl.ds(0, D)], out_hbm.at[pl.ds(r0, TCH)])

    def round_body(k, carry):
        do_chunk(wid + k * NW)
        return carry

    lax.fori_loop(0, TROUNDS, round_body, 0)

    @pl.when(wid < TCHUNKS - TROUNDS * NW)
    def _():
        do_chunk(TROUNDS * NW + wid)


def kernel(pre_embedding, preembed_mask, embed_table):
    idx_t = pre_embedding.astype(jnp.int32).T.reshape(NW, ROWS_PER_W)
    pe = jnp.asarray(_PE)
    table_rm = _transpose_sc(embed_table.T)
    out_t = _embed_sc(table_rm, idx_t, pe)
    return jnp.transpose(out_t, (2, 0, 1)), preembed_mask

# --- scband reference (transcript-rebuilt; emitter-appended) ---
"""Pipeline reference for scband-discrete-input-pos-embedder-2688649527395 (READ-ONLY COPY).

The authoritative reference and input builder live on the scoring server;
editing this copy changes nothing except your own understanding.
"""

import jax, jax.numpy as jnp
import numpy as np

NUM_EMBEDDINGS = 1000000
EMBEDDING_DIM = 64
MAX_LEN = 5000

def _positional_encoding_table(d_model, max_len):
    position = np.arange(max_len)[:, None].astype(np.float32)
    div_term = np.exp(np.arange(0, d_model, 2).astype(np.float32) * (-np.log(10000.0) / d_model))
    pe = np.zeros((max_len, d_model), dtype=np.float32)
    pe[:, 0::2] = np.sin(position * div_term)
    pe[:, 1::2] = np.cos(position * div_term)
    return jnp.asarray(pe)

def setup_inputs(seed: int = 0) -> dict:
    key = jax.random.key(seed)
    k1, k2 = jax.random.split(key)
    pre_embedding = jax.random.randint(k1, (4096, 200), 0, NUM_EMBEDDINGS, dtype=jnp.int64 if jax.config.jax_enable_x64 else jnp.int32)
    preembed_mask = jnp.ones((4096, 200), dtype=jnp.bool_)
    embed_table = jax.random.normal(k2, (NUM_EMBEDDINGS, EMBEDDING_DIM), dtype=jnp.float32)
    return {"pre_embedding": pre_embedding, "preembed_mask": preembed_mask, "embed_table": embed_table}

def reference(pre_embedding, preembed_mask, embed_table):
    # nn.Embedding lookup -> gather rows of the table
    emb = jnp.take(embed_table, pre_embedding, axis=0)  # (N, S, E)
    # PositionalEncoding: add sinusoidal PE over the sequence dimension.
    # Dropout is identity at inference (eval mode).
    S = emb.shape[1]
    pe = _positional_encoding_table(EMBEDDING_DIM, MAX_LEN)[:S]  # (S, E)
    out = emb + pe[None, :, :]
    return (out, preembed_mask)

if __name__ == "__main__":
    import jax
    _d = setup_inputs()
    print(jax.jit(kernel)(*tuple(_d.values())))

</pallas_src>

<mosaic_0001>
#map = affine_map<(d0, d1) -> (0, 0)>
#map1 = affine_map<(d0, d1) -> (0, 0, 0)>
module attributes {stable_mosaic.version = 14 : i64} {
  func.func @_embed_sc(%arg0: i32, %arg1: i32, %arg2: memref<1000000x64xf32, #tpu.memory_space<hbm>>, %arg3: memref<32x25600xi32, #tpu.memory_space<hbm>>, %arg4: memref<200x64xf32, #tpu.memory_space<hbm>>, %arg5: memref<200x64x4096xf32, #tpu.memory_space<hbm>>, %arg6: memref<25600xi32, #tpu.memory_space<vmem>>, %arg7: memref<200x64xf32, #tpu.memory_space<vmem>>, %arg8: memref<256x64xf32, #tpu.memory_space<vmem>>, %arg9: memref<256x64xf32, #tpu.memory_space<vmem>>, %arg10: memref<64x257xf32, #tpu.memory_space<vmem>>, %arg11: memref<64x257xf32, #tpu.memory_space<vmem>>, %arg12: memref<!tpu.dma_semaphore, #tpu.memory_space<semaphore_mem>>, %arg13: memref<!tpu.dma_semaphore, #tpu.memory_space<semaphore_mem>>, %arg14: memref<!tpu.dma_semaphore, #tpu.memory_space<semaphore_mem>>, %arg15: memref<!tpu.dma_semaphore, #tpu.memory_space<semaphore_mem>>) attributes {dimension_semantics = [#tpu.dimension_semantics<core_parallel>, #tpu.dimension_semantics<subcore_parallel>], iteration_bounds = array<i64: 2, 16>, scalar_prefetch = 0 : i64, scratch_operands = 10 : i64, tpu.core_type = #tpu.core_type<sc_vector_subcore>, window_params = [{transform_indices = #map}, {transform_indices = #map}, {transform_indices = #map}, {transform_indices = #map1}]} {
    %mul3A = arith.constant 2 : i32
    %mul3A_0 = arith.muli %arg1, %mul3A : i32
    %add3A = arith.addi %mul3A_0, %arg0 : i32
    %mul3A_1 = arith.constant 25600 : i32
    %mul3A_2 = arith.muli %add3A, %mul3A_1 : i32
    "tpu.region"() ({
      %run_scoped3A = tpu.sem_alloc : memref<!tpu.dma_semaphore, #tpu.memory_space<semaphore_mem>>
      %dma_start3A_103 = arith.constant 0 : i32
      %dma_start3A_104 = tpu.memref_slice %arg3[%add3A, %dma_start3A_103] : memref<32x25600xi32, #tpu.memory_space<hbm>> -> memref<1x25600xi32, #tpu.memory_space<hbm>>
      %dma_start3A_105 = tpu.memref_squeeze %dma_start3A_104 : memref<1x25600xi32, #tpu.memory_space<hbm>> -> memref<25600xi32, #tpu.memory_space<hbm>>
      %dma_start3A_106 = arith.constant 0 : i32
      %dma_start3A_107 = tpu.memref_slice %arg3[%add3A, %dma_start3A_106] : memref<32x25600xi32, #tpu.memory_space<hbm>> -> memref<1x25600xi32, #tpu.memory_space<hbm>>
      %dma_start3A_108 = tpu.memref_squeeze %dma_start3A_107 : memref<1x25600xi32, #tpu.memory_space<hbm>> -> memref<25600xi32, #tpu.memory_space<hbm>>
      tpu.enqueue_dma source(%dma_start3A_108 : memref<25600xi32, #tpu.memory_space<hbm>>) target(%arg6 : memref<25600xi32, #tpu.memory_space<vmem>>) target_semaphore(%run_scoped3A : memref<!tpu.dma_semaphore, #tpu.memory_space<semaphore_mem>>)
      %dma_wait3A_109 = arith.constant 0 : i32
      %dma_wait3A_110 = tpu.memref_slice %arg3[%add3A, %dma_wait3A_109] : memref<32x25600xi32, #tpu.memory_space<hbm>> -> memref<1x25600xi32, #tpu.memory_space<hbm>>
      %dma_wait3A_111 = tpu.memref_squeeze %dma_wait3A_110 : memref<1x25600xi32, #tpu.memory_space<hbm>> -> memref<25600xi32, #tpu.memory_space<hbm>>
      %dma_wait3A_112 = arith.constant 0 : i32
      %dma_wait3A_113 = tpu.memref_slice %arg3[%add3A, %dma_wait3A_112] : memref<32x25600xi32, #tpu.memory_space<hbm>> -> memref<1x25600xi32, #tpu.memory_space<hbm>>
      %dma_wait3A_114 = tpu.memref_squeeze %dma_wait3A_113 : memref<1x25600xi32, #tpu.memory_space<hbm>> -> memref<25600xi32, #tpu.memory_space<hbm>>
      tpu.wait_dma2 semaphore(%run_scoped3A : memref<!tpu.dma_semaphore, #tpu.memory_space<semaphore_mem>>) src(%dma_wait3A_114 : memref<25600xi32, #tpu.memory_space<hbm>>) dst(%arg6 : memref<25600xi32, #tpu.memory_space<vmem>>)
      tpu.yield
    }) : () -> ()
    "tpu.region"() ({
      %run_scoped3A = tpu.sem_alloc : memref<!tpu.dma_semaphore, #tpu.memory_space<semaphore_mem>>
      tpu.enqueue_dma source(%arg4 : memref<200x64xf32, #tpu.memory_space<hbm>>) target(%arg7 : memref<200x64xf32, #tpu.memory_space<vmem>>) target_semaphore(%run_scoped3A : memref<!tpu.dma_semaphore, #tpu.memory_space<semaphore_mem>>)
      tpu.wait_dma2 semaphore(%run_scoped3A : memref<!tpu.dma_semaphore, #tpu.memory_space<semaphore_mem>>) src(%arg4 : memref<200x64xf32, #tpu.memory_space<hbm>>) dst(%arg7 : memref<200x64xf32, #tpu.memory_space<vmem>>)
      tpu.yield
    }) : () -> ()
    %iota3A = tpu.iota {dimensions = array<i32: 0>} : vector<16xi32>
    %add3A_3 = arith.constant 0 : i32
    %add3A_4 = vector.broadcast %add3A_3 : i32 to vector<16xi32>
    %add3A_5 = arith.addi %iota3A, %add3A_4 : vector<16xi32>
    %add3A_6 = arith.constant 16 : i32
    %add3A_7 = vector.broadcast %add3A_6 : i32 to vector<16xi32>
    %add3A_8 = arith.addi %iota3A, %add3A_7 : vector<16xi32>
    %add3A_9 = arith.constant 32 : i32
    %add3A_10 = vector.broadcast %add3A_9 : i32 to vector<16xi32>
    %add3A_11 = arith.addi %iota3A, %add3A_10 : vector<16xi32>
    %add3A_12 = arith.constant 48 : i32
    %add3A_13 = vector.broadcast %add3A_12 : i32 to vector<16xi32>
    %add3A_14 = arith.addi %iota3A, %add3A_13 : vector<16xi32>
    %multiple_of3A = arith.constant 0 : i32
    %multiple_of3A_15 = tpu.assume_multiple %multiple_of3A, 8 : i32
    %dma_start3A = tpu.memref_slice %arg6[%multiple_of3A_15] : memref<25600xi32, #tpu.memory_space<vmem>> -> memref<256xi32, #tpu.memory_space<vmem>>
    %dma_start3A_16 = arith.constant 0 : i32
    %dma_start3A_17 = arith.constant 0 : i32
    %dma_start3A_18 = tpu.memref_slice %arg2[%dma_start3A_16, %dma_start3A_17] : memref<1000000x64xf32, #tpu.memory_space<hbm>> -> memref<1000000x64xf32, #tpu.memory_space<hbm>>
    tpu.enqueue_indirect_dma source(%dma_start3A_18 : memref<1000000x64xf32, #tpu.memory_space<hbm>>) target(%arg8 : memref<256x64xf32, #tpu.memory_space<vmem>>) offsets(%dma_start3A : memref<256xi32, #tpu.memory_space<vmem>>) semaphore(%arg12 : memref<!tpu.dma_semaphore, #tpu.memory_space<semaphore_mem>>)
    %multiple_of3A_19 = arith.constant 256 : i32
    %multiple_of3A_20 = tpu.assume_multiple %multiple_of3A_19, 8 : i32
    %dma_start3A_21 = tpu.memref_slice %arg6[%multiple_of3A_20] : memref<25600xi32, #tpu.memory_space<vmem>> -> memref<256xi32, #tpu.memory_space<vmem>>
    %dma_start3A_22 = arith.constant 0 : i32
    %dma_start3A_23 = arith.constant 0 : i32
    %dma_start3A_24 = tpu.memref_slice %arg2[%dma_start3A_22, %dma_start3A_23] : memref<1000000x64xf32, #tpu.memory_space<hbm>> -> memref<1000000x64xf32, #tpu.memory_space<hbm>>
    tpu.enqueue_indirect_dma source(%dma_start3A_24 : memref<1000000x64xf32, #tpu.memory_space<hbm>>) target(%arg9 : memref<256x64xf32, #tpu.memory_space<vmem>>) offsets(%dma_start3A_21 : memref<256xi32, #tpu.memory_space<vmem>>) semaphore(%arg13 : memref<!tpu.dma_semaphore, #tpu.memory_space<semaphore_mem>>)
    %scan3A = arith.constant 0 : i32
    %scan3A_25 = arith.constant 0 : i32
    %scan3A_26 = arith.constant 50 : i32
    %scan3A_27 = arith.addi %scan3A_25, %scan3A_26 : i32
    %scan3A_28 = arith.constant 1 : i32
    scf.for %scan3A_103 = %scan3A_25 to %scan3A_27 step %scan3A_28  : i32 {
      %mul3A_104 = arith.constant 2 : i32
      %mul3A_105 = arith.muli %mul3A_104, %scan3A_103 : i32
      %add3A_106 = arith.constant 0 : i32
      %add3A_107 = arith.addi %mul3A_105, %add3A_106 : i32
      %mul3A_108 = arith.constant 256 : i32
      %mul3A_109 = arith.muli %add3A_107, %mul3A_108 : i32
      %multiple_of3A_110 = tpu.assume_multiple %mul3A_109, 8 : i32
      %dma_wait3A_111 = tpu.memref_slice %arg6[%multiple_of3A_110] : memref<25600xi32, #tpu.memory_space<vmem>> -> memref<256xi32, #tpu.memory_space<vmem>>
      %dma_wait3A_112 = arith.constant 0 : i32
      %dma_wait3A_113 = arith.constant 0 : i32
      %dma_wait3A_114 = tpu.memref_slice %arg2[%dma_wait3A_112, %dma_wait3A_113] : memref<1000000x64xf32, #tpu.memory_space<hbm>> -> memref<1000000x64xf32, #tpu.memory_space<hbm>>
      tpu.wait_indirect_dma semaphore(%arg12 : memref<!tpu.dma_semaphore, #tpu.memory_space<semaphore_mem>>) src(%dma_wait3A_114 : memref<1000000x64xf32, #tpu.memory_space<hbm>>) dst(%arg8 : memref<256x64xf32, #tpu.memory_space<vmem>>)
      %ge3A = arith.constant 2 : i32
      %ge3A_115 = arith.cmpi sge, %add3A_107, %ge3A : i32
      %convert_element_type3A = arith.extui %ge3A_115 : i1 to i32
      %cond3A = arith.constant 0 : i32
      %cond3A_116 = arith.cmpi ne, %convert_element_type3A, %cond3A : i32
      scf.if %cond3A_116 {
        %sub3A_308 = arith.constant 2 : i32
        %sub3A_309 = arith.subi %add3A_107, %sub3A_308 : i32
        %mul3A_310 = arith.constant 256 : i32
        %mul3A_311 = arith.muli %sub3A_309, %mul3A_310 : i32
        %add3A_312 = arith.addi %mul3A_2, %mul3A_311 : i32
        %jit3A_313 = arith.constant 4096 : i32
        %div3A_314 = arith.divsi %add3A_312, %jit3A_313 : i32
        %sign3A_315 = arith.constant 0 : i32
        %sign3A_316 = arith.cmpi sgt, %add3A_312, %sign3A_315 : i32
        %sign3A_317 = arith.extui %sign3A_316 : i1 to i32
        %sign3A_318 = arith.constant 0 : i32
        %sign3A_319 = arith.cmpi slt, %add3A_312, %sign3A_318 : i32
        %sign3A_320 = arith.extui %sign3A_319 : i1 to i32
        %sign3A_321 = arith.subi %sign3A_317, %sign3A_320 : i32
        %sign3A_322 = arith.constant 0 : i32
        %sign3A_323 = arith.cmpi sgt, %jit3A_313, %sign3A_322 : i32
        %sign3A_324 = arith.extui %sign3A_323 : i1 to i32
        %sign3A_325 = arith.constant 0 : i32
        %sign3A_326 = arith.cmpi slt, %jit3A_313, %sign3A_325 : i32
        %sign3A_327 = arith.extui %sign3A_326 : i1 to i32
        %sign3A_328 = arith.subi %sign3A_324, %sign3A_327 : i32
        %ne3A_329 = arith.cmpi ne, %sign3A_321, %sign3A_328 : i32
        %rem3A_330 = arith.remsi %add3A_312, %jit3A_313 : i32
        %ne3A_331 = arith.constant 0 : i32
        %ne3A_332 = arith.cmpi ne, %rem3A_330, %ne3A_331 : i32
        %and3A_333 = arith.andi %ne3A_329, %ne3A_332 : i1
        %sub3A_334 = arith.constant 1 : i32
        %sub3A_335 = arith.subi %div3A_314, %sub3A_334 : i32
        %select_n3A_336 = arith.select %and3A_333, %sub3A_335, %div3A_314 : i32
        %rem3A_337 = arith.constant 4096 : i32
        %rem3A_338 = arith.remsi %add3A_312, %rem3A_337 : i32
        %multiple_of3A_339 = tpu.assume_multiple %rem3A_338, 256 : i32
        %dma_wait3A_340 = arith.constant 0 : i32
        %dma_wait3A_341 = arith.constant 0 : i32
        %dma_wait3A_342 = tpu.memref_slice %arg10[%dma_wait3A_340, %dma_wait3A_341] : memref<64x257xf32, #tpu.memory_space<vmem>> -> memref<64x256xf32, #tpu.memory_space<vmem>>
        %dma_wait3A_343 = arith.constant 0 : i32
        %dma_wait3A_344 = tpu.memref_slice %arg5[%select_n3A_336, %dma_wait3A_343, %multiple_of3A_339] : memref<200x64x4096xf32, #tpu.memory_space<hbm>> -> memref<1x64x256xf32, #tpu.memory_space<hbm>>
        %dma_wait3A_345 = tpu.memref_squeeze %dma_wait3A_344 : memref<1x64x256xf32, #tpu.memory_space<hbm>> -> memref<64x256xf32, #tpu.memory_space<hbm>>
        %dma_wait3A_346 = arith.constant 0 : i32
        %dma_wait3A_347 = tpu.memref_slice %arg5[%select_n3A_336, %dma_wait3A_346, %multiple_of3A_339] : memref<200x64x4096xf32, #tpu.memory_space<hbm>> -> memref<1x64x256xf32, #tpu.memory_space<hbm>>
        %dma_wait3A_348 = tpu.memref_squeeze %dma_wait3A_347 : memref<1x64x256xf32, #tpu.memory_space<hbm>> -> memref<64x256xf32, #tpu.memory_space<hbm>>
        %dma_wait3A_349 = arith.constant 0 : i32
        %dma_wait3A_350 = arith.constant 0 : i32
        %dma_wait3A_351 = tpu.memref_slice %arg10[%dma_wait3A_349, %dma_wait3A_350] : memref<64x257xf32, #tpu.memory_space<vmem>> -> memref<64x256xf32, #tpu.memory_space<vmem>>
        tpu.wait_dma2 semaphore(%arg14 : memref<!tpu.dma_semaphore, #tpu.memory_space<semaphore_mem>>) src(%dma_wait3A_351 : memref<64x256xf32, #tpu.memory_space<vmem>>) dst(%dma_wait3A_348 : memref<64x256xf32, #tpu.memory_space<hbm>>)
      } else {
      }
      %mul3A_117 = arith.constant 256 : i32
      %mul3A_118 = arith.muli %add3A_107, %mul3A_117 : i32
      %add3A_119 = arith.addi %mul3A_2, %mul3A_118 : i32
      %jit3A_120 = arith.constant 4096 : i32
      %div3A_121 = arith.divsi %add3A_119, %jit3A_120 : i32
      %sign3A_122 = arith.constant 0 : i32
      %sign3A_123 = arith.cmpi sgt, %add3A_119, %sign3A_122 : i32
      %sign3A_124 = arith.extui %sign3A_123 : i1 to i32
      %sign3A_125 = arith.constant 0 : i32
      %sign3A_126 = arith.cmpi slt, %add3A_119, %sign3A_125 : i32
      %sign3A_127 = arith.extui %sign3A_126 : i1 to i32
      %sign3A_128 = arith.subi %sign3A_124, %sign3A_127 : i32
      %sign3A_129 = arith.constant 0 : i32
      %sign3A_130 = arith.cmpi sgt, %jit3A_120, %sign3A_129 : i32
      %sign3A_131 = arith.extui %sign3A_130 : i1 to i32
      %sign3A_132 = arith.constant 0 : i32
      %sign3A_133 = arith.cmpi slt, %jit3A_120, %sign3A_132 : i32
      %sign3A_134 = arith.extui %sign3A_133 : i1 to i32
      %sign3A_135 = arith.subi %sign3A_131, %sign3A_134 : i32
      %ne3A_136 = arith.cmpi ne, %sign3A_128, %sign3A_135 : i32
      %rem3A_137 = arith.remsi %add3A_119, %jit3A_120 : i32
      %ne3A_138 = arith.constant 0 : i32
      %ne3A_139 = arith.cmpi ne, %rem3A_137, %ne3A_138 : i32
      %and3A_140 = arith.andi %ne3A_136, %ne3A_139 : i1
      %sub3A_141 = arith.constant 1 : i32
      %sub3A_142 = arith.subi %div3A_121, %sub3A_141 : i32
      %select_n3A_143 = arith.select %and3A_140, %sub3A_142, %div3A_121 : i32
      %get3A = arith.index_cast %select_n3A_143 : i32 to index
      %get3A_144 = arith.constant 0 : index
      %get3A_145 = tpu.vector_load %arg7[%get3A, %get3A_144] {strides = array<i32>} : memref<200x64xf32, #tpu.memory_space<vmem>>, vector<16xf32>,
      %get3A_146 = arith.index_cast %select_n3A_143 : i32 to index
      %get3A_147 = arith.constant 16 : index
      %get3A_148 = tpu.vector_load %arg7[%get3A_146, %get3A_147] {strides = array<i32>} : memref<200x64xf32, #tpu.memory_space<vmem>>, vector<16xf32>,
      %get3A_149 = arith.index_cast %select_n3A_143 : i32 to index
      %get3A_150 = arith.constant 32 : index
      %get3A_151 = tpu.vector_load %arg7[%get3A_149, %get3A_150] {strides = array<i32>} : memref<200x64xf32, #tpu.memory_space<vmem>>, vector<16xf32>,
      %get3A_152 = arith.index_cast %select_n3A_143 : i32 to index
      %get3A_153 = arith.constant 48 : index
      %get3A_154 = tpu.vector_load %arg7[%get3A_152, %get3A_153] {strides = array<i32>} : memref<200x64xf32, #tpu.memory_space<vmem>>, vector<16xf32>,
      %parallel_loop3A = arith.constant 0 : i32
      %parallel_loop3A_155 = arith.constant 256 : i32
      %parallel_loop3A_156 = arith.constant 1 : i32
      scf.for %parallel_loop3A_308 = %parallel_loop3A to %parallel_loop3A_155 step %parallel_loop3A_156  : i32 {
        %parallel_loop3A_309 = vector.broadcast %parallel_loop3A_308 : i32 to vector<16xi32>
        %parallel_loop3A_310 = arith.index_cast %parallel_loop3A_308 : i32 to index
        %parallel_loop3A_311 = arith.constant 0 : index
        %parallel_loop3A_312 = tpu.vector_load %arg8[%parallel_loop3A_310, %parallel_loop3A_311] {strides = array<i32>} : memref<256x64xf32, #tpu.memory_space<vmem>>, vector<16xf32>,
        %parallel_loop3A_313 = arith.addf %parallel_loop3A_312, %get3A_145 : vector<16xf32>
        tpu.vector_store_idx %arg10[%add3A_5, %parallel_loop3A_309], %parallel_loop3A_313 : memref<64x257xf32, #tpu.memory_space<vmem>>[vector<16xi32>, vector<16xi32>], vector<16xf32>,
        %parallel_loop3A_314 = arith.index_cast %parallel_loop3A_308 : i32 to index
        %parallel_loop3A_315 = arith.constant 16 : index
        %parallel_loop3A_316 = tpu.vector_load %arg8[%parallel_loop3A_314, %parallel_loop3A_315] {strides = array<i32>} : memref<256x64xf32, #tpu.memory_space<vmem>>, vector<16xf32>,
        %parallel_loop3A_317 = arith.addf %parallel_loop3A_316, %get3A_148 : vector<16xf32>
        tpu.vector_store_idx %arg10[%add3A_8, %parallel_loop3A_309], %parallel_loop3A_317 : memref<64x257xf32, #tpu.memory_space<vmem>>[vector<16xi32>, vector<16xi32>], vector<16xf32>,
        %parallel_loop3A_318 = arith.index_cast %parallel_loop3A_308 : i32 to index
        %parallel_loop3A_319 = arith.constant 32 : index
        %parallel_loop3A_320 = tpu.vector_load %arg8[%parallel_loop3A_318, %parallel_loop3A_319] {strides = array<i32>} : memref<256x64xf32, #tpu.memory_space<vmem>>, vector<16xf32>,
        %parallel_loop3A_321 = arith.addf %parallel_loop3A_320, %get3A_151 : vector<16xf32>
        tpu.vector_store_idx %arg10[%add3A_11, %parallel_loop3A_309], %parallel_loop3A_321 : memref<64x257xf32, #tpu.memory_space<vmem>>[vector<16xi32>, vector<16xi32>], vector<16xf32>,
        %parallel_loop3A_322 = arith.index_cast %parallel_loop3A_308 : i32 to index
        %parallel_loop3A_323 = arith.constant 48 : index
        %parallel_loop3A_324 = tpu.vector_load %arg8[%parallel_loop3A_322, %parallel_loop3A_323] {strides = array<i32>} : memref<256x64xf32, #tpu.memory_space<vmem>>, vector<16xf32>,
        %parallel_loop3A_325 = arith.addf %parallel_loop3A_324, %get3A_154 : vector<16xf32>
        tpu.vector_store_idx %arg10[%add3A_14, %parallel_loop3A_309], %parallel_loop3A_325 : memref<64x257xf32, #tpu.memory_space<vmem>>[vector<16xi32>, vector<16xi32>], vector<16xf32>,
      } {sc.loop_unroll_factor = 4 : i64, sc.parallel_access}
      %mul3A_157 = arith.constant 256 : i32
      %mul3A_158 = arith.muli %add3A_107, %mul3A_157 : i32
      %add3A_159 = arith.addi %mul3A_2, %mul3A_158 : i32
      %jit3A_160 = arith.constant 4096 : i32
      %div3A_161 = arith.divsi %add3A_159, %jit3A_160 : i32
      %sign3A_162 = arith.constant 0 : i32
      %sign3A_163 = arith.cmpi sgt, %add3A_159, %sign3A_162 : i32
      %sign3A_164 = arith.extui %sign3A_163 : i1 to i32
      %sign3A_165 = arith.constant 0 : i32
      %sign3A_166 = arith.cmpi slt, %add3A_159, %sign3A_165 : i32
      %sign3A_167 = arith.extui %sign3A_166 : i1 to i32
      %sign3A_168 = arith.subi %sign3A_164, %sign3A_167 : i32
      %sign3A_169 = arith.constant 0 : i32
      %sign3A_170 = arith.cmpi sgt, %jit3A_160, %sign3A_169 : i32
      %sign3A_171 = arith.extui %sign3A_170 : i1 to i32
      %sign3A_172 = arith.constant 0 : i32
      %sign3A_173 = arith.cmpi slt, %jit3A_160, %sign3A_172 : i32
      %sign3A_174 = arith.extui %sign3A_173 : i1 to i32
      %sign3A_175 = arith.subi %sign3A_171, %sign3A_174 : i32
      %ne3A_176 = arith.cmpi ne, %sign3A_168, %sign3A_175 : i32
      %rem3A_177 = arith.remsi %add3A_159, %jit3A_160 : i32
      %ne3A_178 = arith.constant 0 : i32
      %ne3A_179 = arith.cmpi ne, %rem3A_177, %ne3A_178 : i32
      %and3A_180 = arith.andi %ne3A_176, %ne3A_179 : i1
      %sub3A_181 = arith.constant 1 : i32
      %sub3A_182 = arith.subi %div3A_161, %sub3A_181 : i32
      %select_n3A_183 = arith.select %and3A_180, %sub3A_182, %div3A_161 : i32
      %rem3A_184 = arith.constant 4096 : i32
      %rem3A_185 = arith.remsi %add3A_159, %rem3A_184 : i32
      %multiple_of3A_186 = tpu.assume_multiple %rem3A_185, 256 : i32
      %dma_start3A_187 = arith.constant 0 : i32
      %dma_start3A_188 = arith.constant 0 : i32
      %dma_start3A_189 = tpu.memref_slice %arg10[%dma_start3A_187, %dma_start3A_188] : memref<64x257xf32, #tpu.memory_space<vmem>> -> memref<64x256xf32, #tpu.memory_space<vmem>>
      %dma_start3A_190 = arith.constant 0 : i32
      %dma_start3A_191 = tpu.memref_slice %arg5[%select_n3A_183, %dma_start3A_190, %multiple_of3A_186] : memref<200x64x4096xf32, #tpu.memory_space<hbm>> -> memref<1x64x256xf32, #tpu.memory_space<hbm>>
      %dma_start3A_192 = tpu.memref_squeeze %dma_start3A_191 : memref<1x64x256xf32, #tpu.memory_space<hbm>> -> memref<64x256xf32, #tpu.memory_space<hbm>>
      %dma_start3A_193 = arith.constant 0 : i32
      %dma_start3A_194 = tpu.memref_slice %arg5[%select_n3A_183, %dma_start3A_193, %multiple_of3A_186] : memref<200x64x4096xf32, #tpu.memory_space<hbm>> -> memref<1x64x256xf32, #tpu.memory_space<hbm>>
      %dma_start3A_195 = tpu.memref_squeeze %dma_start3A_194 : memref<1x64x256xf32, #tpu.memory_space<hbm>> -> memref<64x256xf32, #tpu.memory_space<hbm>>
      %dma_start3A_196 = arith.constant 0 : i32
      %dma_start3A_197 = arith.constant 0 : i32
      %dma_start3A_198 = tpu.memref_slice %arg10[%dma_start3A_196, %dma_start3A_197] : memref<64x257xf32, #tpu.memory_space<vmem>> -> memref<64x256xf32, #tpu.memory_space<vmem>>
      tpu.enqueue_dma source(%dma_start3A_198 : memref<64x256xf32, #tpu.memory_space<vmem>>) target(%dma_start3A_195 : memref<64x256xf32, #tpu.memory_space<hbm>>) target_semaphore(%arg14 : memref<!tpu.dma_semaphore, #tpu.memory_space<semaphore_mem>>)
      %le3A = arith.constant 97 : i32
      %le3A_199 = arith.cmpi sle, %add3A_107, %le3A : i32
      %convert_element_type3A_200 = arith.extui %le3A_199 : i1 to i32
      %cond3A_201 = arith.constant 0 : i32
      %cond3A_202 = arith.cmpi ne, %convert_element_type3A_200, %cond3A_201 : i32
      scf.if %cond3A_202 {
        %add3A_308 = arith.constant 2 : i32
        %add3A_309 = arith.addi %add3A_107, %add3A_308 : i32
        %mul3A_310 = arith.constant 256 : i32
        %mul3A_311 = arith.muli %add3A_309, %mul3A_310 : i32
        %multiple_of3A_312 = tpu.assume_multiple %mul3A_311, 8 : i32
        %dma_start3A_313 = tpu.memref_slice %arg6[%multiple_of3A_312] : memref<25600xi32, #tpu.memory_space<vmem>> -> memref<256xi32, #tpu.memory_space<vmem>>
        %dma_start3A_314 = arith.constant 0 : i32
        %dma_start3A_315 = arith.constant 0 : i32
        %dma_start3A_316 = tpu.memref_slice %arg2[%dma_start3A_314, %dma_start3A_315] : memref<1000000x64xf32, #tpu.memory_space<hbm>> -> memref<1000000x64xf32, #tpu.memory_space<hbm>>
        tpu.enqueue_indirect_dma source(%dma_start3A_316 : memref<1000000x64xf32, #tpu.memory_space<hbm>>) target(%arg8 : memref<256x64xf32, #tpu.memory_space<vmem>>) offsets(%dma_start3A_313 : memref<256xi32, #tpu.memory_space<vmem>>) semaphore(%arg12 : memref<!tpu.dma_semaphore, #tpu.memory_space<semaphore_mem>>)
      } else {
      }
      %mul3A_203 = arith.constant 2 : i32
      %mul3A_204 = arith.muli %mul3A_203, %scan3A_103 : i32
      %add3A_205 = arith.constant 1 : i32
      %add3A_206 = arith.addi %mul3A_204, %add3A_205 : i32
      %mul3A_207 = arith.constant 256 : i32
      %mul3A_208 = arith.muli %add3A_206, %mul3A_207 : i32
      %multiple_of3A_209 = tpu.assume_multiple %mul3A_208, 8 : i32
      %dma_wait3A_210 = tpu.memref_slice %arg6[%multiple_of3A_209] : memref<25600xi32, #tpu.memory_space<vmem>> -> memref<256xi32, #tpu.memory_space<vmem>>
      %dma_wait3A_211 = arith.constant 0 : i32
      %dma_wait3A_212 = arith.constant 0 : i32
      %dma_wait3A_213 = tpu.memref_slice %arg2[%dma_wait3A_211, %dma_wait3A_212] : memref<1000000x64xf32, #tpu.memory_space<hbm>> -> memref<1000000x64xf32, #tpu.memory_space<hbm>>
      tpu.wait_indirect_dma semaphore(%arg13 : memref<!tpu.dma_semaphore, #tpu.memory_space<semaphore_mem>>) src(%dma_wait3A_213 : memref<1000000x64xf32, #tpu.memory_space<hbm>>) dst(%arg9 : memref<256x64xf32, #tpu.memory_space<vmem>>)
      %ge3A_214 = arith.constant 2 : i32
      %ge3A_215 = arith.cmpi sge, %add3A_206, %ge3A_214 : i32
      %convert_element_type3A_216 = arith.extui %ge3A_215 : i1 to i32
      %cond3A_217 = arith.constant 0 : i32
      %cond3A_218 = arith.cmpi ne, %convert_element_type3A_216, %cond3A_217 : i32
      scf.if %cond3A_218 {
        %sub3A_308 = arith.constant 2 : i32
        %sub3A_309 = arith.subi %add3A_206, %sub3A_308 : i32
        %mul3A_310 = arith.constant 256 : i32
        %mul3A_311 = arith.muli %sub3A_309, %mul3A_310 : i32
        %add3A_312 = arith.addi %mul3A_2, %mul3A_311 : i32
        %jit3A_313 = arith.constant 4096 : i32
        %div3A_314 = arith.divsi %add3A_312, %jit3A_313 : i32
        %sign3A_315 = arith.constant 0 : i32
        %sign3A_316 = arith.cmpi sgt, %add3A_312, %sign3A_315 : i32
        %sign3A_317 = arith.extui %sign3A_316 : i1 to i32
        %sign3A_318 = arith.constant 0 : i32
        %sign3A_319 = arith.cmpi slt, %add3A_312, %sign3A_318 : i32
        %sign3A_320 = arith.extui %sign3A_319 : i1 to i32
        %sign3A_321 = arith.subi %sign3A_317, %sign3A_320 : i32
        %sign3A_322 = arith.constant 0 : i32
        %sign3A_323 = arith.cmpi sgt, %jit3A_313, %sign3A_322 : i32
        %sign3A_324 = arith.extui %sign3A_323 : i1 to i32
        %sign3A_325 = arith.constant 0 : i32
        %sign3A_326 = arith.cmpi slt, %jit3A_313, %sign3A_325 : i32
        %sign3A_327 = arith.extui %sign3A_326 : i1 to i32
        %sign3A_328 = arith.subi %sign3A_324, %sign3A_327 : i32
        %ne3A_329 = arith.cmpi ne, %sign3A_321, %sign3A_328 : i32
        %rem3A_330 = arith.remsi %add3A_312, %jit3A_313 : i32
        %ne3A_331 = arith.constant 0 : i32
        %ne3A_332 = arith.cmpi ne, %rem3A_330, %ne3A_331 : i32
        %and3A_333 = arith.andi %ne3A_329, %ne3A_332 : i1
        %sub3A_334 = arith.constant 1 : i32
        %sub3A_335 = arith.subi %div3A_314, %sub3A_334 : i32
        %select_n3A_336 = arith.select %and3A_333, %sub3A_335, %div3A_314 : i32
        %rem3A_337 = arith.constant 4096 : i32
        %rem3A_338 = arith.remsi %add3A_312, %rem3A_337 : i32
        %multiple_of3A_339 = tpu.assume_multiple %rem3A_338, 256 : i32
        %dma_wait3A_340 = arith.constant 0 : i32
        %dma_wait3A_341 = arith.constant 0 : i32
        %dma_wait3A_342 = tpu.memref_slice %arg11[%dma_wait3A_340, %dma_wait3A_341] : memref<64x257xf32, #tpu.memory_space<vmem>> -> memref<64x256xf32, #tpu.memory_space<vmem>>
        %dma_wait3A_343 = arith.constant 0 : i32
        %dma_wait3A_344 = tpu.memref_slice %arg5[%select_n3A_336, %dma_wait3A_343, %multiple_of3A_339] : memref<200x64x4096xf32, #tpu.memory_space<hbm>> -> memref<1x64x256xf32, #tpu.memory_space<hbm>>
        %dma_wait3A_345 = tpu.memref_squeeze %dma_wait3A_344 : memref<1x64x256xf32, #tpu.memory_space<hbm>> -> memref<64x256xf32, #tpu.memory_space<hbm>>
        %dma_wait3A_346 = arith.constant 0 : i32
        %dma_wait3A_347 = tpu.memref_slice %arg5[%select_n3A_336, %dma_wait3A_346, %multiple_of3A_339] : memref<200x64x4096xf32, #tpu.memory_space<hbm>> -> memref<1x64x256xf32, #tpu.memory_space<hbm>>
        %dma_wait3A_348 = tpu.memref_squeeze %dma_wait3A_347 : memref<1x64x256xf32, #tpu.memory_space<hbm>> -> memref<64x256xf32, #tpu.memory_space<hbm>>
        %dma_wait3A_349 = arith.constant 0 : i32
        %dma_wait3A_350 = arith.constant 0 : i32
        %dma_wait3A_351 = tpu.memref_slice %arg11[%dma_wait3A_349, %dma_wait3A_350] : memref<64x257xf32, #tpu.memory_space<vmem>> -> memref<64x256xf32, #tpu.memory_space<vmem>>
        tpu.wait_dma2 semaphore(%arg15 : memref<!tpu.dma_semaphore, #tpu.memory_space<semaphore_mem>>) src(%dma_wait3A_351 : memref<64x256xf32, #tpu.memory_space<vmem>>) dst(%dma_wait3A_348 : memref<64x256xf32, #tpu.memory_space<hbm>>)
      } else {
      }
      %mul3A_219 = arith.constant 256 : i32
      %mul3A_220 = arith.muli %add3A_206, %mul3A_219 : i32
      %add3A_221 = arith.addi %mul3A_2, %mul3A_220 : i32
      %jit3A_222 = arith.constant 4096 : i32
      %div3A_223 = arith.divsi %add3A_221, %jit3A_222 : i32
      %sign3A_224 = arith.constant 0 : i32
      %sign3A_225 = arith.cmpi sgt, %add3A_221, %sign3A_224 : i32
      %sign3A_226 = arith.extui %sign3A_225 : i1 to i32
      %sign3A_227 = arith.constant 0 : i32
      %sign3A_228 = arith.cmpi slt, %add3A_221, %sign3A_227 : i32
      %sign3A_229 = arith.extui %sign3A_228 : i1 to i32
      %sign3A_230 = arith.subi %sign3A_226, %sign3A_229 : i32
      %sign3A_231 = arith.constant 0 : i32
      %sign3A_232 = arith.cmpi sgt, %jit3A_222, %sign3A_231 : i32
      %sign3A_233 = arith.extui %sign3A_232 : i1 to i32
      %sign3A_234 = arith.constant 0 : i32
      %sign3A_235 = arith.cmpi slt, %jit3A_222, %sign3A_234 : i32
      %sign3A_236 = arith.extui %sign3A_235 : i1 to i32
      %sign3A_237 = arith.subi %sign3A_233, %sign3A_236 : i32
      %ne3A_238 = arith.cmpi ne, %sign3A_230, %sign3A_237 : i32
      %rem3A_239 = arith.remsi %add3A_221, %jit3A_222 : i32
      %ne3A_240 = arith.constant 0 : i32
      %ne3A_241 = arith.cmpi ne, %rem3A_239, %ne3A_240 : i32
      %and3A_242 = arith.andi %ne3A_238, %ne3A_241 : i1
      %sub3A_243 = arith.constant 1 : i32
      %sub3A_244 = arith.subi %div3A_223, %sub3A_243 : i32
      %select_n3A_245 = arith.select %and3A_242, %sub3A_244, %div3A_223 : i32
      %get3A_246 = arith.index_cast %select_n3A_245 : i32 to index
      %get3A_247 = arith.constant 0 : index
      %get3A_248 = tpu.vector_load %arg7[%get3A_246, %get3A_247] {strides = array<i32>} : memref<200x64xf32, #tpu.memory_space<vmem>>, vector<16xf32>,
      %get3A_249 = arith.index_cast %select_n3A_245 : i32 to index
      %get3A_250 = arith.constant 16 : index
      %get3A_251 = tpu.vector_load %arg7[%get3A_249, %get3A_250] {strides = array<i32>} : memref<200x64xf32, #tpu.memory_space<vmem>>, vector<16xf32>,
      %get3A_252 = arith.index_cast %select_n3A_245 : i32 to index
      %get3A_253 = arith.constant 32 : index
      %get3A_254 = tpu.vector_load %arg7[%get3A_252, %get3A_253] {strides = array<i32>} : memref<200x64xf32, #tpu.memory_space<vmem>>, vector<16xf32>,
      %get3A_255 = arith.index_cast %select_n3A_245 : i32 to index
      %get3A_256 = arith.constant 48 : index
      %get3A_257 = tpu.vector_load %arg7[%get3A_255, %get3A_256] {strides = array<i32>} : memref<200x64xf32, #tpu.memory_space<vmem>>, vector<16xf32>,
      %parallel_loop3A_258 = arith.constant 0 : i32
      %parallel_loop3A_259 = arith.constant 256 : i32
      %parallel_loop3A_260 = arith.constant 1 : i32
      scf.for %parallel_loop3A_308 = %parallel_loop3A_258 to %parallel_loop3A_259 step %parallel_loop3A_260  : i32 {
        %parallel_loop3A_309 = vector.broadcast %parallel_loop3A_308 : i32 to vector<16xi32>
        %parallel_loop3A_310 = arith.index_cast %parallel_loop3A_308 : i32 to index
        %parallel_loop3A_311 = arith.constant 0 : index
        %parallel_loop3A_312 = tpu.vector_load %arg9[%parallel_loop3A_310, %parallel_loop3A_311] {strides = array<i32>} : memref<256x64xf32, #tpu.memory_space<vmem>>, vector<16xf32>,
        %parallel_loop3A_313 = arith.addf %parallel_loop3A_312, %get3A_248 : vector<16xf32>
        tpu.vector_store_idx %arg11[%add3A_5, %parallel_loop3A_309], %parallel_loop3A_313 : memref<64x257xf32, #tpu.memory_space<vmem>>[vector<16xi32>, vector<16xi32>], vector<16xf32>,
        %parallel_loop3A_314 = arith.index_cast %parallel_loop3A_308 : i32 to index
        %parallel_loop3A_315 = arith.constant 16 : index
        %parallel_loop3A_316 = tpu.vector_load %arg9[%parallel_loop3A_314, %parallel_loop3A_315] {strides = array<i32>} : memref<256x64xf32, #tpu.memory_space<vmem>>, vector<16xf32>,
        %parallel_loop3A_317 = arith.addf %parallel_loop3A_316, %get3A_251 : vector<16xf32>
        tpu.vector_store_idx %arg11[%add3A_8, %parallel_loop3A_309], %parallel_loop3A_317 : memref<64x257xf32, #tpu.memory_space<vmem>>[vector<16xi32>, vector<16xi32>], vector<16xf32>,
        %parallel_loop3A_318 = arith.index_cast %parallel_loop3A_308 : i32 to index
        %parallel_loop3A_319 = arith.constant 32 : index
        %parallel_loop3A_320 = tpu.vector_load %arg9[%parallel_loop3A_318, %parallel_loop3A_319] {strides = array<i32>} : memref<256x64xf32, #tpu.memory_space<vmem>>, vector<16xf32>,
        %parallel_loop3A_321 = arith.addf %parallel_loop3A_320, %get3A_254 : vector<16xf32>
        tpu.vector_store_idx %arg11[%add3A_11, %parallel_loop3A_309], %parallel_loop3A_321 : memref<64x257xf32, #tpu.memory_space<vmem>>[vector<16xi32>, vector<16xi32>], vector<16xf32>,
        %parallel_loop3A_322 = arith.index_cast %parallel_loop3A_308 : i32 to index
        %parallel_loop3A_323 = arith.constant 48 : index
        %parallel_loop3A_324 = tpu.vector_load %arg9[%parallel_loop3A_322, %parallel_loop3A_323] {strides = array<i32>} : memref<256x64xf32, #tpu.memory_space<vmem>>, vector<16xf32>,
        %parallel_loop3A_325 = arith.addf %parallel_loop3A_324, %get3A_257 : vector<16xf32>
        tpu.vector_store_idx %arg11[%add3A_14, %parallel_loop3A_309], %parallel_loop3A_325 : memref<64x257xf32, #tpu.memory_space<vmem>>[vector<16xi32>, vector<16xi32>], vector<16xf32>,
      } {sc.loop_unroll_factor = 4 : i64, sc.parallel_access}
      %mul3A_261 = arith.constant 256 : i32
      %mul3A_262 = arith.muli %add3A_206, %mul3A_261 : i32
      %add3A_263 = arith.addi %mul3A_2, %mul3A_262 : i32
      %jit3A_264 = arith.constant 4096 : i32
      %div3A_265 = arith.divsi %add3A_263, %jit3A_264 : i32
      %sign3A_266 = arith.constant 0 : i32
      %sign3A_267 = arith.cmpi sgt, %add3A_263, %sign3A_266 : i32
      %sign3A_268 = arith.extui %sign3A_267 : i1 to i32
      %sign3A_269 = arith.constant 0 : i32
      %sign3A_270 = arith.cmpi slt, %add3A_263, %sign3A_269 : i32
      %sign3A_271 = arith.extui %sign3A_270 : i1 to i32
      %sign3A_272 = arith.subi %sign3A_268, %sign3A_271 : i32
      %sign3A_273 = arith.constant 0 : i32
      %sign3A_274 = arith.cmpi sgt, %jit3A_264, %sign3A_273 : i32
      %sign3A_275 = arith.extui %sign3A_274 : i1 to i32
      %sign3A_276 = arith.constant 0 : i32
      %sign3A_277 = arith.cmpi slt, %jit3A_264, %sign3A_276 : i32
      %sign3A_278 = arith.extui %sign3A_277 : i1 to i32
      %sign3A_279 = arith.subi %sign3A_275, %sign3A_278 : i32
      %ne3A_280 = arith.cmpi ne, %sign3A_272, %sign3A_279 : i32
      %rem3A_281 = arith.remsi %add3A_263, %jit3A_264 : i32
      %ne3A_282 = arith.constant 0 : i32
      %ne3A_283 = arith.cmpi ne, %rem3A_281, %ne3A_282 : i32
      %and3A_284 = arith.andi %ne3A_280, %ne3A_283 : i1
      %sub3A_285 = arith.constant 1 : i32
      %sub3A_286 = arith.subi %div3A_265, %sub3A_285 : i32
      %select_n3A_287 = arith.select %and3A_284, %sub3A_286, %div3A_265 : i32
      %rem3A_288 = arith.constant 4096 : i32
      %rem3A_289 = arith.remsi %add3A_263, %rem3A_288 : i32
      %multiple_of3A_290 = tpu.assume_multiple %rem3A_289, 256 : i32
      %dma_start3A_291 = arith.constant 0 : i32
      %dma_start3A_292 = arith.constant 0 : i32
      %dma_start3A_293 = tpu.memref_slice %arg11[%dma_start3A_291, %dma_start3A_292] : memref<64x257xf32, #tpu.memory_space<vmem>> -> memref<64x256xf32, #tpu.memory_space<vmem>>
      %dma_start3A_294 = arith.constant 0 : i32
      %dma_start3A_295 = tpu.memref_slice %arg5[%select_n3A_287, %dma_start3A_294, %multiple_of3A_290] : memref<200x64x4096xf32, #tpu.memory_space<hbm>> -> memref<1x64x256xf32, #tpu.memory_space<hbm>>
      %dma_start3A_296 = tpu.memref_squeeze %dma_start3A_295 : memref<1x64x256xf32, #tpu.memory_space<hbm>> -> memref<64x256xf32, #tpu.memory_space<hbm>>
      %dma_start3A_297 = arith.constant 0 : i32
      %dma_start3A_298 = tpu.memref_slice %arg5[%select_n3A_287, %dma_start3A_297, %multiple_of3A_290] : memref<200x64x4096xf32, #tpu.memory_space<hbm>> -> memref<1x64x256xf32, #tpu.memory_space<hbm>>
      %dma_start3A_299 = tpu.memref_squeeze %dma_start3A_298 : memref<1x64x256xf32, #tpu.memory_space<hbm>> -> memref<64x256xf32, #tpu.memory_space<hbm>>
      %dma_start3A_300 = arith.constant 0 : i32
      %dma_start3A_301 = arith.constant 0 : i32
      %dma_start3A_302 = tpu.memref_slice %arg11[%dma_start3A_300, %dma_start3A_301] : memref<64x257xf32, #tpu.memory_space<vmem>> -> memref<64x256xf32, #tpu.memory_space<vmem>>
      tpu.enqueue_dma source(%dma_start3A_302 : memref<64x256xf32, #tpu.memory_space<vmem>>) target(%dma_start3A_299 : memref<64x256xf32, #tpu.memory_space<hbm>>) target_semaphore(%arg15 : memref<!tpu.dma_semaphore, #tpu.memory_space<semaphore_mem>>)
      %le3A_303 = arith.constant 97 : i32
      %le3A_304 = arith.cmpi sle, %add3A_206, %le3A_303 : i32
      %convert_element_type3A_305 = arith.extui %le3A_304 : i1 to i32
      %cond3A_306 = arith.constant 0 : i32
      %cond3A_307 = arith.cmpi ne, %convert_element_type3A_305, %cond3A_306 : i32
      scf.if %cond3A_307 {
        %add3A_308 = arith.constant 2 : i32
        %add3A_309 = arith.addi %add3A_206, %add3A_308 : i32
        %mul3A_310 = arith.constant 256 : i32
        %mul3A_311 = arith.muli %add3A_309, %mul3A_310 : i32
        %multiple_of3A_312 = tpu.assume_multiple %mul3A_311, 8 : i32
        %dma_start3A_313 = tpu.memref_slice %arg6[%multiple_of3A_312] : memref<25600xi32, #tpu.memory_space<vmem>> -> memref<256xi32, #tpu.memory_space<vmem>>
        %dma_start3A_314 = arith.constant 0 : i32
        %dma_start3A_315 = arith.constant 0 : i32
        %dma_start3A_316 = tpu.memref_slice %arg2[%dma_start3A_314, %dma_start3A_315] : memref<1000000x64xf32, #tpu.memory_space<hbm>> -> memref<1000000x64xf32, #tpu.memory_space<hbm>>
        tpu.enqueue_indirect_dma source(%dma_start3A_316 : memref<1000000x64xf32, #tpu.memory_space<hbm>>) target(%arg9 : memref<256x64xf32, #tpu.memory_space<vmem>>) offsets(%dma_start3A_313 : memref<256xi32, #tpu.memory_space<vmem>>) semaphore(%arg13 : memref<!tpu.dma_semaphore, #tpu.memory_space<semaphore_mem>>)
      } else {
      }
    }
    %scan3A_29 = arith.constant 50 : i32
    %add3A_30 = arith.constant 25088 : i32
    %add3A_31 = arith.addi %mul3A_2, %add3A_30 : i32
    %jit3A = arith.constant 4096 : i32
    %div3A = arith.divsi %add3A_31, %jit3A : i32
    %sign3A = arith.constant 0 : i32
    %sign3A_32 = arith.cmpi sgt, %add3A_31, %sign3A : i32
    %sign3A_33 = arith.extui %sign3A_32 : i1 to i32
    %sign3A_34 = arith.constant 0 : i32
    %sign3A_35 = arith.cmpi slt, %add3A_31, %sign3A_34 : i32
    %sign3A_36 = arith.extui %sign3A_35 : i1 to i32
    %sign3A_37 = arith.subi %sign3A_33, %sign3A_36 : i32
    %sign3A_38 = arith.constant 0 : i32
    %sign3A_39 = arith.cmpi sgt, %jit3A, %sign3A_38 : i32
    %sign3A_40 = arith.extui %sign3A_39 : i1 to i32
    %sign3A_41 = arith.constant 0 : i32
    %sign3A_42 = arith.cmpi slt, %jit3A, %sign3A_41 : i32
    %sign3A_43 = arith.extui %sign3A_42 : i1 to i32
    %sign3A_44 = arith.subi %sign3A_40, %sign3A_43 : i32
    %ne3A = arith.cmpi ne, %sign3A_37, %sign3A_44 : i32
    %rem3A = arith.remsi %add3A_31, %jit3A : i32
    %ne3A_45 = arith.constant 0 : i32
    %ne3A_46 = arith.cmpi ne, %rem3A, %ne3A_45 : i32
    %and3A = arith.andi %ne3A, %ne3A_46 : i1
    %sub3A = arith.constant 1 : i32
    %sub3A_47 = arith.subi %div3A, %sub3A : i32
    %select_n3A = arith.select %and3A, %sub3A_47, %div3A : i32
    %rem3A_48 = arith.constant 4096 : i32
    %rem3A_49 = arith.remsi %add3A_31, %rem3A_48 : i32
    %multiple_of3A_50 = tpu.assume_multiple %rem3A_49, 256 : i32
    %dma_wait3A = arith.constant 0 : i32
    %dma_wait3A_51 = arith.constant 0 : i32
    %dma_wait3A_52 = tpu.memref_slice %arg10[%dma_wait3A, %dma_wait3A_51] : memref<64x257xf32, #tpu.memory_space<vmem>> -> memref<64x256xf32, #tpu.memory_space<vmem>>
    %dma_wait3A_53 = arith.constant 0 : i32
    %dma_wait3A_54 = tpu.memref_slice %arg5[%select_n3A, %dma_wait3A_53, %multiple_of3A_50] : memref<200x64x4096xf32, #tpu.memory_space<hbm>> -> memref<1x64x256xf32, #tpu.memory_space<hbm>>
    %dma_wait3A_55 = tpu.memref_squeeze %dma_wait3A_54 : memref<1x64x256xf32, #tpu.memory_space<hbm>> -> memref<64x256xf32, #tpu.memory_space<hbm>>
    %dma_wait3A_56 = arith.constant 0 : i32
    %dma_wait3A_57 = tpu.memref_slice %arg5[%select_n3A, %dma_wait3A_56, %multiple_of3A_50] : memref<200x64x4096xf32, #tpu.memory_space<hbm>> -> memref<1x64x256xf32, #tpu.memory_space<hbm>>
    %dma_wait3A_58 = tpu.memref_squeeze %dma_wait3A_57 : memref<1x64x256xf32, #tpu.memory_space<hbm>> -> memref<64x256xf32, #tpu.memory_space<hbm>>
    %dma_wait3A_59 = arith.constant 0 : i32
    %dma_wait3A_60 = arith.constant 0 : i32
    %dma_wait3A_61 = tpu.memref_slice %arg10[%dma_wait3A_59, %dma_wait3A_60] : memref<64x257xf32, #tpu.memory_space<vmem>> -> memref<64x256xf32, #tpu.memory_space<vmem>>
    tpu.wait_dma2 semaphore(%arg14 : memref<!tpu.dma_semaphore, #tpu.memory_space<semaphore_mem>>) src(%dma_wait3A_61 : memref<64x256xf32, #tpu.memory_space<vmem>>) dst(%dma_wait3A_58 : memref<64x256xf32, #tpu.memory_space<hbm>>)
    %add3A_62 = arith.constant 25344 : i32
    %add3A_63 = arith.addi %mul3A_2, %add3A_62 : i32
    %jit3A_64 = arith.constant 4096 : i32
    %div3A_65 = arith.divsi %add3A_63, %jit3A_64 : i32
    %sign3A_66 = arith.constant 0 : i32
    %sign3A_67 = arith.cmpi sgt, %add3A_63, %sign3A_66 : i32
    %sign3A_68 = arith.extui %sign3A_67 : i1 to i32
    %sign3A_69 = arith.constant 0 : i32
    %sign3A_70 = arith.cmpi slt, %add3A_63, %sign3A_69 : i32
    %sign3A_71 = arith.extui %sign3A_70 : i1 to i32
    %sign3A_72 = arith.subi %sign3A_68, %sign3A_71 : i32
    %sign3A_73 = arith.constant 0 : i32
    %sign3A_74 = arith.cmpi sgt, %jit3A_64, %sign3A_73 : i32
    %sign3A_75 = arith.extui %sign3A_74 : i1 to i32
    %sign3A_76 = arith.constant 0 : i32
    %sign3A_77 = arith.cmpi slt, %jit3A_64, %sign3A_76 : i32
    %sign3A_78 = arith.extui %sign3A_77 : i1 to i32
    %sign3A_79 = arith.subi %sign3A_75, %sign3A_78 : i32
    %ne3A_80 = arith.cmpi ne, %sign3A_72, %sign3A_79 : i32
    %rem3A_81 = arith.remsi %add3A_63, %jit3A_64 : i32
    %ne3A_82 = arith.constant 0 : i32
    %ne3A_83 = arith.cmpi ne, %rem3A_81, %ne3A_82 : i32
    %and3A_84 = arith.andi %ne3A_80, %ne3A_83 : i1
    %sub3A_85 = arith.constant 1 : i32
    %sub3A_86 = arith.subi %div3A_65, %sub3A_85 : i32
    %select_n3A_87 = arith.select %and3A_84, %sub3A_86, %div3A_65 : i32
    %rem3A_88 = arith.constant 4096 : i32
    %rem3A_89 = arith.remsi %add3A_63, %rem3A_88 : i32
    %multiple_of3A_90 = tpu.assume_multiple %rem3A_89, 256 : i32
    %dma_wait3A_91 = arith.constant 0 : i32
    %dma_wait3A_92 = arith.constant 0 : i32
    %dma_wait3A_93 = tpu.memref_slice %arg11[%dma_wait3A_91, %dma_wait3A_92] : memref<64x257xf32, #tpu.memory_space<vmem>> -> memref<64x256xf32, #tpu.memory_space<vmem>>
    %dma_wait3A_94 = arith.constant 0 : i32
    %dma_wait3A_95 = tpu.memref_slice %arg5[%select_n3A_87, %dma_wait3A_94, %multiple_of3A_90] : memref<200x64x4096xf32, #tpu.memory_space<hbm>> -> memref<1x64x256xf32, #tpu.memory_space<hbm>>
    %dma_wait3A_96 = tpu.memref_squeeze %dma_wait3A_95 : memref<1x64x256xf32, #tpu.memory_space<hbm>> -> memref<64x256xf32, #tpu.memory_space<hbm>>
    %dma_wait3A_97 = arith.constant 0 : i32
    %dma_wait3A_98 = tpu.memref_slice %arg5[%select_n3A_87, %dma_wait3A_97, %multiple_of3A_90] : memref<200x64x4096xf32, #tpu.memory_space<hbm>> -> memref<1x64x256xf32, #tpu.memory_space<hbm>>
    %dma_wait3A_99 = tpu.memref_squeeze %dma_wait3A_98 : memref<1x64x256xf32, #tpu.memory_space<hbm>> -> memref<64x256xf32, #tpu.memory_space<hbm>>
    %dma_wait3A_100 = arith.constant 0 : i32
    %dma_wait3A_101 = arith.constant 0 : i32
    %dma_wait3A_102 = tpu.memref_slice %arg11[%dma_wait3A_100, %dma_wait3A_101] : memref<64x257xf32, #tpu.memory_space<vmem>> -> memref<64x256xf32, #tpu.memory_space<vmem>>
    tpu.wait_dma2 semaphore(%arg15 : memref<!tpu.dma_semaphore, #tpu.memory_space<semaphore_mem>>) src(%dma_wait3A_102 : memref<64x256xf32, #tpu.memory_space<vmem>>) dst(%dma_wait3A_99 : memref<64x256xf32, #tpu.memory_space<hbm>>)
    return
  }
}

#map = affine_map<(d0, d1) -> (0, 0)>
module attributes {stable_mosaic.version = 14 : i64} {
  func.func @_transpose_sc(%arg0: i32, %arg1: i32, %arg2: memref<64x1000000xf32, #tpu.memory_space<hbm>>, %arg3: memref<1000000x64xf32, #tpu.memory_space<hbm>>, %arg4: memref<64x400xf32, #tpu.memory_space<vmem>>, %arg5: memref<400x65xf32, #tpu.memory_space<vmem>>) attributes {dimension_semantics = [#tpu.dimension_semantics<core_parallel>, #tpu.dimension_semantics<subcore_parallel>], iteration_bounds = array<i64: 2, 16>, scalar_prefetch = 0 : i64, scratch_operands = 2 : i64, tpu.core_type = #tpu.core_type<sc_vector_subcore>, window_params = [{transform_indices = #map}, {transform_indices = #map}]} {
    %mul3A = arith.constant 2 : i32
    %mul3A_0 = arith.muli %arg1, %mul3A : i32
    %add3A = arith.addi %mul3A_0, %arg0 : i32
    %iota3A = tpu.iota {dimensions = array<i32: 0>} : vector<16xi32>
    %add3A_1 = arith.constant 0 : i32
    %add3A_2 = vector.broadcast %add3A_1 : i32 to vector<16xi32>
    %add3A_3 = arith.addi %iota3A, %add3A_2 : vector<16xi32>
    %add3A_4 = arith.constant 16 : i32
    %add3A_5 = vector.broadcast %add3A_4 : i32 to vector<16xi32>
    %add3A_6 = arith.addi %iota3A, %add3A_5 : vector<16xi32>
    %add3A_7 = arith.constant 32 : i32
    %add3A_8 = vector.broadcast %add3A_7 : i32 to vector<16xi32>
    %add3A_9 = arith.addi %iota3A, %add3A_8 : vector<16xi32>
    %add3A_10 = arith.constant 48 : i32
    %add3A_11 = vector.broadcast %add3A_10 : i32 to vector<16xi32>
    %add3A_12 = arith.addi %iota3A, %add3A_11 : vector<16xi32>
    %add3A_13 = arith.constant 64 : i32
    %add3A_14 = vector.broadcast %add3A_13 : i32 to vector<16xi32>
    %add3A_15 = arith.addi %iota3A, %add3A_14 : vector<16xi32>
    %add3A_16 = arith.constant 80 : i32
    %add3A_17 = vector.broadcast %add3A_16 : i32 to vector<16xi32>
    %add3A_18 = arith.addi %iota3A, %add3A_17 : vector<16xi32>
    %add3A_19 = arith.constant 96 : i32
    %add3A_20 = vector.broadcast %add3A_19 : i32 to vector<16xi32>
    %add3A_21 = arith.addi %iota3A, %add3A_20 : vector<16xi32>
    %add3A_22 = arith.constant 112 : i32
    %add3A_23 = vector.broadcast %add3A_22 : i32 to vector<16xi32>
    %add3A_24 = arith.addi %iota3A, %add3A_23 : vector<16xi32>
    %add3A_25 = arith.constant 128 : i32
    %add3A_26 = vector.broadcast %add3A_25 : i32 to vector<16xi32>
    %add3A_27 = arith.addi %iota3A, %add3A_26 : vector<16xi32>
    %add3A_28 = arith.constant 144 : i32
    %add3A_29 = vector.broadcast %add3A_28 : i32 to vector<16xi32>
    %add3A_30 = arith.addi %iota3A, %add3A_29 : vector<16xi32>
    %add3A_31 = arith.constant 160 : i32
    %add3A_32 = vector.broadcast %add3A_31 : i32 to vector<16xi32>
    %add3A_33 = arith.addi %iota3A, %add3A_32 : vector<16xi32>
    %add3A_34 = arith.constant 176 : i32
    %add3A_35 = vector.broadcast %add3A_34 : i32 to vector<16xi32>
    %add3A_36 = arith.addi %iota3A, %add3A_35 : vector<16xi32>
    %add3A_37 = arith.constant 192 : i32
    %add3A_38 = vector.broadcast %add3A_37 : i32 to vector<16xi32>
    %add3A_39 = arith.addi %iota3A, %add3A_38 : vector<16xi32>
    %add3A_40 = arith.constant 208 : i32
    %add3A_41 = vector.broadcast %add3A_40 : i32 to vector<16xi32>
    %add3A_42 = arith.addi %iota3A, %add3A_41 : vector<16xi32>
    %add3A_43 = arith.constant 224 : i32
    %add3A_44 = vector.broadcast %add3A_43 : i32 to vector<16xi32>
    %add3A_45 = arith.addi %iota3A, %add3A_44 : vector<16xi32>
    %add3A_46 = arith.constant 240 : i32
    %add3A_47 = vector.broadcast %add3A_46 : i32 to vector<16xi32>
    %add3A_48 = arith.addi %iota3A, %add3A_47 : vector<16xi32>
    %add3A_49 = arith.constant 256 : i32
    %add3A_50 = vector.broadcast %add3A_49 : i32 to vector<16xi32>
    %add3A_51 = arith.addi %iota3A, %add3A_50 : vector<16xi32>
    %add3A_52 = arith.constant 272 : i32
    %add3A_53 = vector.broadcast %add3A_52 : i32 to vector<16xi32>
    %add3A_54 = arith.addi %iota3A, %add3A_53 : vector<16xi32>
    %add3A_55 = arith.constant 288 : i32
    %add3A_56 = vector.broadcast %add3A_55 : i32 to vector<16xi32>
    %add3A_57 = arith.addi %iota3A, %add3A_56 : vector<16xi32>
    %add3A_58 = arith.constant 304 : i32
    %add3A_59 = vector.broadcast %add3A_58 : i32 to vector<16xi32>
    %add3A_60 = arith.addi %iota3A, %add3A_59 : vector<16xi32>
    %add3A_61 = arith.constant 320 : i32
    %add3A_62 = vector.broadcast %add3A_61 : i32 to vector<16xi32>
    %add3A_63 = arith.addi %iota3A, %add3A_62 : vector<16xi32>
    %add3A_64 = arith.constant 336 : i32
    %add3A_65 = vector.broadcast %add3A_64 : i32 to vector<16xi32>
    %add3A_66 = arith.addi %iota3A, %add3A_65 : vector<16xi32>
    %add3A_67 = arith.constant 352 : i32
    %add3A_68 = vector.broadcast %add3A_67 : i32 to vector<16xi32>
    %add3A_69 = arith.addi %iota3A, %add3A_68 : vector<16xi32>
    %add3A_70 = arith.constant 368 : i32
    %add3A_71 = vector.broadcast %add3A_70 : i32 to vector<16xi32>
    %add3A_72 = arith.addi %iota3A, %add3A_71 : vector<16xi32>
    %add3A_73 = arith.constant 384 : i32
    %add3A_74 = vector.broadcast %add3A_73 : i32 to vector<16xi32>
    %add3A_75 = arith.addi %iota3A, %add3A_74 : vector<16xi32>
    %scan3A = arith.constant 0 : i32
    %scan3A_76 = arith.constant 0 : i32
    %scan3A_77 = arith.constant 78 : i32
    %scan3A_78 = arith.addi %scan3A_76, %scan3A_77 : i32
    %scan3A_79 = arith.constant 1 : i32
    scf.for %scan3A_83 = %scan3A_76 to %scan3A_78 step %scan3A_79  : i32 {
      %mul3A_84 = arith.constant 32 : i32
      %mul3A_85 = arith.muli %scan3A_83, %mul3A_84 : i32
      %add3A_86 = arith.addi %add3A, %mul3A_85 : i32
      %mul3A_87 = arith.constant 400 : i32
      %mul3A_88 = arith.muli %add3A_86, %mul3A_87 : i32
      %multiple_of3A = tpu.assume_multiple %mul3A_88, 8 : i32
      "tpu.region"() ({
        %run_scoped3A = tpu.sem_alloc : memref<!tpu.dma_semaphore, #tpu.memory_space<semaphore_mem>>
        %dma_start3A = arith.constant 0 : i32
        %dma_start3A_91 = tpu.memref_slice %arg2[%dma_start3A, %multiple_of3A] : memref<64x1000000xf32, #tpu.memory_space<hbm>> -> memref<64x400xf32, #tpu.memory_space<hbm>>
        %dma_start3A_92 = arith.constant 0 : i32
        %dma_start3A_93 = tpu.memref_slice %arg2[%dma_start3A_92, %multiple_of3A] : memref<64x1000000xf32, #tpu.memory_space<hbm>> -> memref<64x400xf32, #tpu.memory_space<hbm>>
        tpu.enqueue_dma source(%dma_start3A_93 : memref<64x400xf32, #tpu.memory_space<hbm>>) target(%arg4 : memref<64x400xf32, #tpu.memory_space<vmem>>) target_semaphore(%run_scoped3A : memref<!tpu.dma_semaphore, #tpu.memory_space<semaphore_mem>>)
        %dma_wait3A = arith.constant 0 : i32
        %dma_wait3A_94 = tpu.memref_slice %arg2[%dma_wait3A, %multiple_of3A] : memref<64x1000000xf32, #tpu.memory_space<hbm>> -> memref<64x400xf32, #tpu.memory_space<hbm>>
        %dma_wait3A_95 = arith.constant 0 : i32
        %dma_wait3A_96 = tpu.memref_slice %arg2[%dma_wait3A_95, %multiple_of3A] : memref<64x1000000xf32, #tpu.memory_space<hbm>> -> memref<64x400xf32, #tpu.memory_space<hbm>>
        tpu.wait_dma2 semaphore(%run_scoped3A : memref<!tpu.dma_semaphore, #tpu.memory_space<semaphore_mem>>) src(%dma_wait3A_96 : memref<64x400xf32, #tpu.memory_space<hbm>>) dst(%arg4 : memref<64x400xf32, #tpu.memory_space<vmem>>)
        tpu.yield
      }) : () -> ()
      %parallel_loop3A = arith.constant 0 : i32
      %parallel_loop3A_89 = arith.constant 64 : i32
      %parallel_loop3A_90 = arith.constant 1 : i32
      scf.for %parallel_loop3A_91 = %parallel_loop3A to %parallel_loop3A_89 step %parallel_loop3A_90  : i32 {
        %parallel_loop3A_92 = vector.broadcast %parallel_loop3A_91 : i32 to vector<16xi32>
        %parallel_loop3A_93 = arith.index_cast %parallel_loop3A_91 : i32 to index
        %parallel_loop3A_94 = arith.constant 0 : index
        %parallel_loop3A_95 = tpu.vector_load %arg4[%parallel_loop3A_93, %parallel_loop3A_94] {strides = array<i32>} : memref<64x400xf32, #tpu.memory_space<vmem>>, vector<16xf32>,
        tpu.vector_store_idx %arg5[%add3A_3, %parallel_loop3A_92], %parallel_loop3A_95 : memref<400x65xf32, #tpu.memory_space<vmem>>[vector<16xi32>, vector<16xi32>], vector<16xf32>,
        %parallel_loop3A_96 = arith.index_cast %parallel_loop3A_91 : i32 to index
        %parallel_loop3A_97 = arith.constant 16 : index
        %parallel_loop3A_98 = tpu.vector_load %arg4[%parallel_loop3A_96, %parallel_loop3A_97] {strides = array<i32>} : memref<64x400xf32, #tpu.memory_space<vmem>>, vector<16xf32>,
        tpu.vector_store_idx %arg5[%add3A_6, %parallel_loop3A_92], %parallel_loop3A_98 : memref<400x65xf32, #tpu.memory_space<vmem>>[vector<16xi32>, vector<16xi32>], vector<16xf32>,
        %parallel_loop3A_99 = arith.index_cast %parallel_loop3A_91 : i32 to index
        %parallel_loop3A_100 = arith.constant 32 : index
        %parallel_loop3A_101 = tpu.vector_load %arg4[%parallel_loop3A_99, %parallel_loop3A_100] {strides = array<i32>} : memref<64x400xf32, #tpu.memory_space<vmem>>, vector<16xf32>,
        tpu.vector_store_idx %arg5[%add3A_9, %parallel_loop3A_92], %parallel_loop3A_101 : memref<400x65xf32, #tpu.memory_space<vmem>>[vector<16xi32>, vector<16xi32>], vector<16xf32>,
        %parallel_loop3A_102 = arith.index_cast %parallel_loop3A_91 : i32 to index
        %parallel_loop3A_103 = arith.constant 48 : index
        %parallel_loop3A_104 = tpu.vector_load %arg4[%parallel_loop3A_102, %parallel_loop3A_103] {strides = array<i32>} : memref<64x400xf32, #tpu.memory_space<vmem>>, vector<16xf32>,
        tpu.vector_store_idx %arg5[%add3A_12, %parallel_loop3A_92], %parallel_loop3A_104 : memref<400x65xf32, #tpu.memory_space<vmem>>[vector<16xi32>, vector<16xi32>], vector<16xf32>,
        %parallel_loop3A_105 = arith.index_cast %parallel_loop3A_91 : i32 to index
        %parallel_loop3A_106 = arith.constant 64 : index
        %parallel_loop3A_107 = tpu.vector_load %arg4[%parallel_loop3A_105, %parallel_loop3A_106] {strides = array<i32>} : memref<64x400xf32, #tpu.memory_space<vmem>>, vector<16xf32>,
        tpu.vector_store_idx %arg5[%add3A_15, %parallel_loop3A_92], %parallel_loop3A_107 : memref<400x65xf32, #tpu.memory_space<vmem>>[vector<16xi32>, vector<16xi32>], vector<16xf32>,
        %parallel_loop3A_108 = arith.index_cast %parallel_loop3A_91 : i32 to index
        %parallel_loop3A_109 = arith.constant 80 : index
        %parallel_loop3A_110 = tpu.vector_load %arg4[%parallel_loop3A_108, %parallel_loop3A_109] {strides = array<i32>} : memref<64x400xf32, #tpu.memory_space<vmem>>, vector<16xf32>,
        tpu.vector_store_idx %arg5[%add3A_18, %parallel_loop3A_92], %parallel_loop3A_110 : memref<400x65xf32, #tpu.memory_space<vmem>>[vector<16xi32>, vector<16xi32>], vector<16xf32>,
        %parallel_loop3A_111 = arith.index_cast %parallel_loop3A_91 : i32 to index
        %parallel_loop3A_112 = arith.constant 96 : index
        %parallel_loop3A_113 = tpu.vector_load %arg4[%parallel_loop3A_111, %parallel_loop3A_112] {strides = array<i32>} : memref<64x400xf32, #tpu.memory_space<vmem>>, vector<16xf32>,
        tpu.vector_store_idx %arg5[%add3A_21, %parallel_loop3A_92], %parallel_loop3A_113 : memref<400x65xf32, #tpu.memory_space<vmem>>[vector<16xi32>, vector<16xi32>], vector<16xf32>,
        %parallel_loop3A_114 = arith.index_cast %parallel_loop3A_91 : i32 to index
        %parallel_loop3A_115 = arith.constant 112 : index
        %parallel_loop3A_116 = tpu.vector_load %arg4[%parallel_loop3A_114, %parallel_loop3A_115] {strides = array<i32>} : memref<64x400xf32, #tpu.memory_space<vmem>>, vector<16xf32>,
        tpu.vector_store_idx %arg5[%add3A_24, %parallel_loop3A_92], %parallel_loop3A_116 : memref<400x65xf32, #tpu.memory_space<vmem>>[vector<16xi32>, vector<16xi32>], vector<16xf32>,
        %parallel_loop3A_117 = arith.index_cast %parallel_loop3A_91 : i32 to index
        %parallel_loop3A_118 = arith.constant 128 : index
        %parallel_loop3A_119 = tpu.vector_load %arg4[%parallel_loop3A_117, %parallel_loop3A_118] {strides = array<i32>} : memref<64x400xf32, #tpu.memory_space<vmem>>, vector<16xf32>,
        tpu.vector_store_idx %arg5[%add3A_27, %parallel_loop3A_92], %parallel_loop3A_119 : memref<400x65xf32, #tpu.memory_space<vmem>>[vector<16xi32>, vector<16xi32>], vector<16xf32>,
        %parallel_loop3A_120 = arith.index_cast %parallel_loop3A_91 : i32 to index
        %parallel_loop3A_121 = arith.constant 144 : index
        %parallel_loop3A_122 = tpu.vector_load %arg4[%parallel_loop3A_120, %parallel_loop3A_121] {strides = array<i32>} : memref<64x400xf32, #tpu.memory_space<vmem>>, vector<16xf32>,
        tpu.vector_store_idx %arg5[%add3A_30, %parallel_loop3A_92], %parallel_loop3A_122 : memref<400x65xf32, #tpu.memory_space<vmem>>[vector<16xi32>, vector<16xi32>], vector<16xf32>,
        %parallel_loop3A_123 = arith.index_cast %parallel_loop3A_91 : i32 to index
        %parallel_loop3A_124 = arith.constant 160 : index
        %parallel_loop3A_125 = tpu.vector_load %arg4[%parallel_loop3A_123, %parallel_loop3A_124] {strides = array<i32>} : memref<64x400xf32, #tpu.memory_space<vmem>>, vector<16xf32>,
        tpu.vector_store_idx %arg5[%add3A_33, %parallel_loop3A_92], %parallel_loop3A_125 : memref<400x65xf32, #tpu.memory_space<vmem>>[vector<16xi32>, vector<16xi32>], vector<16xf32>,
        %parallel_loop3A_126 = arith.index_cast %parallel_loop3A_91 : i32 to index
        %parallel_loop3A_127 = arith.constant 176 : index
        %parallel_loop3A_128 = tpu.vector_load %arg4[%parallel_loop3A_126, %parallel_loop3A_127] {strides = array<i32>} : memref<64x400xf32, #tpu.memory_space<vmem>>, vector<16xf32>,
        tpu.vector_store_idx %arg5[%add3A_36, %parallel_loop3A_92], %parallel_loop3A_128 : memref<400x65xf32, #tpu.memory_space<vmem>>[vector<16xi32>, vector<16xi32>], vector<16xf32>,
        %parallel_loop3A_129 = arith.index_cast %parallel_loop3A_91 : i32 to index
        %parallel_loop3A_130 = arith.constant 192 : index
        %parallel_loop3A_131 = tpu.vector_load %arg4[%parallel_loop3A_129, %parallel_loop3A_130] {strides = array<i32>} : memref<64x400xf32, #tpu.memory_space<vmem>>, vector<16xf32>,
        tpu.vector_store_idx %arg5[%add3A_39, %parallel_loop3A_92], %parallel_loop3A_131 : memref<400x65xf32, #tpu.memory_space<vmem>>[vector<16xi32>, vector<16xi32>], vector<16xf32>,
        %parallel_loop3A_132 = arith.index_cast %parallel_loop3A_91 : i32 to index
        %parallel_loop3A_133 = arith.constant 208 : index
        %parallel_loop3A_134 = tpu.vector_load %arg4[%parallel_loop3A_132, %parallel_loop3A_133] {strides = array<i32>} : memref<64x400xf32, #tpu.memory_space<vmem>>, vector<16xf32>,
        tpu.vector_store_idx %arg5[%add3A_42, %parallel_loop3A_92], %parallel_loop3A_134 : memref<400x65xf32, #tpu.memory_space<vmem>>[vector<16xi32>, vector<16xi32>], vector<16xf32>,
        %parallel_loop3A_135 = arith.index_cast %parallel_loop3A_91 : i32 to index
        %parallel_loop3A_136 = arith.constant 224 : index
        %parallel_loop3A_137 = tpu.vector_load %arg4[%parallel_loop3A_135, %parallel_loop3A_136] {strides = array<i32>} : memref<64x400xf32, #tpu.memory_space<vmem>>, vector<16xf32>,
        tpu.vector_store_idx %arg5[%add3A_45, %parallel_loop3A_92], %parallel_loop3A_137 : memref<400x65xf32, #tpu.memory_space<vmem>>[vector<16xi32>, vector<16xi32>], vector<16xf32>,
        %parallel_loop3A_138 = arith.index_cast %parallel_loop3A_91 : i32 to index
        %parallel_loop3A_139 = arith.constant 240 : index
        %parallel_loop3A_140 = tpu.vector_load %arg4[%parallel_loop3A_138, %parallel_loop3A_139] {strides = array<i32>} : memref<64x400xf32, #tpu.memory_space<vmem>>, vector<16xf32>,
        tpu.vector_store_idx %arg5[%add3A_48, %parallel_loop3A_92], %parallel_loop3A_140 : memref<400x65xf32, #tpu.memory_space<vmem>>[vector<16xi32>, vector<16xi32>], vector<16xf32>,
        %parallel_loop3A_141 = arith.index_cast %parallel_loop3A_91 : i32 to index
        %parallel_loop3A_142 = arith.constant 256 : index
        %parallel_loop3A_143 = tpu.vector_load %arg4[%parallel_loop3A_141, %parallel_loop3A_142] {strides = array<i32>} : memref<64x400xf32, #tpu.memory_space<vmem>>, vector<16xf32>,
        tpu.vector_store_idx %arg5[%add3A_51, %parallel_loop3A_92], %parallel_loop3A_143 : memref<400x65xf32, #tpu.memory_space<vmem>>[vector<16xi32>, vector<16xi32>], vector<16xf32>,
        %parallel_loop3A_144 = arith.index_cast %parallel_loop3A_91 : i32 to index
        %parallel_loop3A_145 = arith.constant 272 : index
        %parallel_loop3A_146 = tpu.vector_load %arg4[%parallel_loop3A_144, %parallel_loop3A_145] {strides = array<i32>} : memref<64x400xf32, #tpu.memory_space<vmem>>, vector<16xf32>,
        tpu.vector_store_idx %arg5[%add3A_54, %parallel_loop3A_92], %parallel_loop3A_146 : memref<400x65xf32, #tpu.memory_space<vmem>>[vector<16xi32>, vector<16xi32>], vector<16xf32>,
        %parallel_loop3A_147 = arith.index_cast %parallel_loop3A_91 : i32 to index
        %parallel_loop3A_148 = arith.constant 288 : index
        %parallel_loop3A_149 = tpu.vector_load %arg4[%parallel_loop3A_147, %parallel_loop3A_148] {strides = array<i32>} : memref<64x400xf32, #tpu.memory_space<vmem>>, vector<16xf32>,
        tpu.vector_store_idx %arg5[%add3A_57, %parallel_loop3A_92], %parallel_loop3A_149 : memref<400x65xf32, #tpu.memory_space<vmem>>[vector<16xi32>, vector<16xi32>], vector<16xf32>,
        %parallel_loop3A_150 = arith.index_cast %parallel_loop3A_91 : i32 to index
        %parallel_loop3A_151 = arith.constant 304 : index
        %parallel_loop3A_152 = tpu.vector_load %arg4[%parallel_loop3A_150, %parallel_loop3A_151] {strides = array<i32>} : memref<64x400xf32, #tpu.memory_space<vmem>>, vector<16xf32>,
        tpu.vector_store_idx %arg5[%add3A_60, %parallel_loop3A_92], %parallel_loop3A_152 : memref<400x65xf32, #tpu.memory_space<vmem>>[vector<16xi32>, vector<16xi32>], vector<16xf32>,
        %parallel_loop3A_153 = arith.index_cast %parallel_loop3A_91 : i32 to index
        %parallel_loop3A_154 = arith.constant 320 : index
        %parallel_loop3A_155 = tpu.vector_load %arg4[%parallel_loop3A_153, %parallel_loop3A_154] {strides = array<i32>} : memref<64x400xf32, #tpu.memory_space<vmem>>, vector<16xf32>,
        tpu.vector_store_idx %arg5[%add3A_63, %parallel_loop3A_92], %parallel_loop3A_155 : memref<400x65xf32, #tpu.memory_space<vmem>>[vector<16xi32>, vector<16xi32>], vector<16xf32>,
        %parallel_loop3A_156 = arith.index_cast %parallel_loop3A_91 : i32 to index
        %parallel_loop3A_157 = arith.constant 336 : index
        %parallel_loop3A_158 = tpu.vector_load %arg4[%parallel_loop3A_156, %parallel_loop3A_157] {strides = array<i32>} : memref<64x400xf32, #tpu.memory_space<vmem>>, vector<16xf32>,
        tpu.vector_store_idx %arg5[%add3A_66, %parallel_loop3A_92], %parallel_loop3A_158 : memref<400x65xf32, #tpu.memory_space<vmem>>[vector<16xi32>, vector<16xi32>], vector<16xf32>,
        %parallel_loop3A_159 = arith.index_cast %parallel_loop3A_91 : i32 to index
        %parallel_loop3A_160 = arith.constant 352 : index
        %parallel_loop3A_161 = tpu.vector_load %arg4[%parallel_loop3A_159, %parallel_loop3A_160] {strides = array<i32>} : memref<64x400xf32, #tpu.memory_space<vmem>>, vector<16xf32>,
        tpu.vector_store_idx %arg5[%add3A_69, %parallel_loop3A_92], %parallel_loop3A_161 : memref<400x65xf32, #tpu.memory_space<vmem>>[vector<16xi32>, vector<16xi32>], vector<16xf32>,
        %parallel_loop3A_162 = arith.index_cast %parallel_loop3A_91 : i32 to index
        %parallel_loop3A_163 = arith.constant 368 : index
        %parallel_loop3A_164 = tpu.vector_load %arg4[%parallel_loop3A_162, %parallel_loop3A_163] {strides = array<i32>} : memref<64x400xf32, #tpu.memory_space<vmem>>, vector<16xf32>,
        tpu.vector_store_idx %arg5[%add3A_72, %parallel_loop3A_92], %parallel_loop3A_164 : memref<400x65xf32, #tpu.memory_space<vmem>>[vector<16xi32>, vector<16xi32>], vector<16xf32>,
        %parallel_loop3A_165 = arith.index_cast %parallel_loop3A_91 : i32 to index
        %parallel_loop3A_166 = arith.constant 384 : index
        %parallel_loop3A_167 = tpu.vector_load %arg4[%parallel_loop3A_165, %parallel_loop3A_166] {strides = array<i32>} : memref<64x400xf32, #tpu.memory_space<vmem>>, vector<16xf32>,
        tpu.vector_store_idx %arg5[%add3A_75, %parallel_loop3A_92], %parallel_loop3A_167 : memref<400x65xf32, #tpu.memory_space<vmem>>[vector<16xi32>, vector<16xi32>], vector<16xf32>,
      } {sc.loop_unroll_factor = 2 : i64, sc.parallel_access}
      "tpu.region"() ({
        %run_scoped3A = tpu.sem_alloc : memref<!tpu.dma_semaphore, #tpu.memory_space<semaphore_mem>>
        %dma_start3A = arith.constant 0 : i32
        %dma_start3A_91 = arith.constant 0 : i32
        %dma_start3A_92 = tpu.memref_slice %arg5[%dma_start3A, %dma_start3A_91] : memref<400x65xf32, #tpu.memory_space<vmem>> -> memref<400x64xf32, #tpu.memory_space<vmem>>
        %dma_start3A_93 = arith.constant 0 : i32
        %dma_start3A_94 = tpu.memref_slice %arg3[%multiple_of3A, %dma_start3A_93] : memref<1000000x64xf32, #tpu.memory_space<hbm>> -> memref<400x64xf32, #tpu.memory_space<hbm>>
        %dma_start3A_95 = arith.constant 0 : i32
        %dma_start3A_96 = tpu.memref_slice %arg3[%multiple_of3A, %dma_start3A_95] : memref<1000000x64xf32, #tpu.memory_space<hbm>> -> memref<400x64xf32, #tpu.memory_space<hbm>>
        %dma_start3A_97 = arith.constant 0 : i32
        %dma_start3A_98 = arith.constant 0 : i32
        %dma_start3A_99 = tpu.memref_slice %arg5[%dma_start3A_97, %dma_start3A_98] : memref<400x65xf32, #tpu.memory_space<vmem>> -> memref<400x64xf32, #tpu.memory_space<vmem>>
        tpu.enqueue_dma source(%dma_start3A_99 : memref<400x64xf32, #tpu.memory_space<vmem>>) target(%dma_start3A_96 : memref<400x64xf32, #tpu.memory_space<hbm>>) target_semaphore(%run_scoped3A : memref<!tpu.dma_semaphore, #tpu.memory_space<semaphore_mem>>)
        %dma_wait3A = arith.constant 0 : i32
        %dma_wait3A_100 = arith.constant 0 : i32
        %dma_wait3A_101 = tpu.memref_slice %arg5[%dma_wait3A, %dma_wait3A_100] : memref<400x65xf32, #tpu.memory_space<vmem>> -> memref<400x64xf32, #tpu.memory_space<vmem>>
        %dma_wait3A_102 = arith.constant 0 : i32
        %dma_wait3A_103 = tpu.memref_slice %arg3[%multiple_of3A, %dma_wait3A_102] : memref<1000000x64xf32, #tpu.memory_space<hbm>> -> memref<400x64xf32, #tpu.memory_space<hbm>>
        %dma_wait3A_104 = arith.constant 0 : i32
        %dma_wait3A_105 = tpu.memref_slice %arg3[%multiple_of3A, %dma_wait3A_104] : memref<1000000x64xf32, #tpu.memory_space<hbm>> -> memref<400x64xf32, #tpu.memory_space<hbm>>
        %dma_wait3A_106 = arith.constant 0 : i32
        %dma_wait3A_107 = arith.constant 0 : i32
        %dma_wait3A_108 = tpu.memref_slice %arg5[%dma_wait3A_106, %dma_wait3A_107] : memref<400x65xf32, #tpu.memory_space<vmem>> -> memref<400x64xf32, #tpu.memory_space<vmem>>
        tpu.wait_dma2 semaphore(%run_scoped3A : memref<!tpu.dma_semaphore, #tpu.memory_space<semaphore_mem>>) src(%dma_wait3A_108 : memref<400x64xf32, #tpu.memory_space<vmem>>) dst(%dma_wait3A_105 : memref<400x64xf32, #tpu.memory_space<hbm>>)
        tpu.yield
      }) : () -> ()
    }
    %scan3A_80 = arith.constant 78 : i32
    %lt3A = arith.constant 4 : i32
    %lt3A_81 = arith.cmpi slt, %add3A, %lt3A : i32
    %convert_element_type3A = arith.extui %lt3A_81 : i1 to i32
    %cond3A = arith.constant 0 : i32
    %cond3A_82 = arith.cmpi ne, %convert_element_type3A, %cond3A : i32
    scf.if %cond3A_82 {
      %add3A_83 = arith.constant 2496 : i32
      %add3A_84 = arith.addi %add3A_83, %add3A : i32
      %mul3A_85 = arith.constant 400 : i32
      %mul3A_86 = arith.muli %add3A_84, %mul3A_85 : i32
      %multiple_of3A = tpu.assume_multiple %mul3A_86, 8 : i32
      "tpu.region"() ({
        %run_scoped3A = tpu.sem_alloc : memref<!tpu.dma_semaphore, #tpu.memory_space<semaphore_mem>>
        %dma_start3A = arith.constant 0 : i32
        %dma_start3A_89 = tpu.memref_slice %arg2[%dma_start3A, %multiple_of3A] : memref<64x1000000xf32, #tpu.memory_space<hbm>> -> memref<64x400xf32, #tpu.memory_space<hbm>>
        %dma_start3A_90 = arith.constant 0 : i32
        %dma_start3A_91 = tpu.memref_slice %arg2[%dma_start3A_90, %multiple_of3A] : memref<64x1000000xf32, #tpu.memory_space<hbm>> -> memref<64x400xf32, #tpu.memory_space<hbm>>
        tpu.enqueue_dma source(%dma_start3A_91 : memref<64x400xf32, #tpu.memory_space<hbm>>) target(%arg4 : memref<64x400xf32, #tpu.memory_space<vmem>>) target_semaphore(%run_scoped3A : memref<!tpu.dma_semaphore, #tpu.memory_space<semaphore_mem>>)
        %dma_wait3A = arith.constant 0 : i32
        %dma_wait3A_92 = tpu.memref_slice %arg2[%dma_wait3A, %multiple_of3A] : memref<64x1000000xf32, #tpu.memory_space<hbm>> -> memref<64x400xf32, #tpu.memory_space<hbm>>
        %dma_wait3A_93 = arith.constant 0 : i32
        %dma_wait3A_94 = tpu.memref_slice %arg2[%dma_wait3A_93, %multiple_of3A] : memref<64x1000000xf32, #tpu.memory_space<hbm>> -> memref<64x400xf32, #tpu.memory_space<hbm>>
        tpu.wait_dma2 semaphore(%run_scoped3A : memref<!tpu.dma_semaphore, #tpu.memory_space<semaphore_mem>>) src(%dma_wait3A_94 : memref<64x400xf32, #tpu.memory_space<hbm>>) dst(%arg4 : memref<64x400xf32, #tpu.memory_space<vmem>>)
        tpu.yield
      }) : () -> ()
      %parallel_loop3A = arith.constant 0 : i32
      %parallel_loop3A_87 = arith.constant 64 : i32
      %parallel_loop3A_88 = arith.constant 1 : i32
      scf.for %parallel_loop3A_89 = %parallel_loop3A to %parallel_loop3A_87 step %parallel_loop3A_88  : i32 {
        %parallel_loop3A_90 = vector.broadcast %parallel_loop3A_89 : i32 to vector<16xi32>
        %parallel_loop3A_91 = arith.index_cast %parallel_loop3A_89 : i32 to index
        %parallel_loop3A_92 = arith.constant 0 : index
        %parallel_loop3A_93 = tpu.vector_load %arg4[%parallel_loop3A_91, %parallel_loop3A_92] {strides = array<i32>} : memref<64x400xf32, #tpu.memory_space<vmem>>, vector<16xf32>,
        tpu.vector_store_idx %arg5[%add3A_3, %parallel_loop3A_90], %parallel_loop3A_93 : memref<400x65xf32, #tpu.memory_space<vmem>>[vector<16xi32>, vector<16xi32>], vector<16xf32>,
        %parallel_loop3A_94 = arith.index_cast %parallel_loop3A_89 : i32 to index
        %parallel_loop3A_95 = arith.constant 16 : index
        %parallel_loop3A_96 = tpu.vector_load %arg4[%parallel_loop3A_94, %parallel_loop3A_95] {strides = array<i32>} : memref<64x400xf32, #tpu.memory_space<vmem>>, vector<16xf32>,
        tpu.vector_store_idx %arg5[%add3A_6, %parallel_loop3A_90], %parallel_loop3A_96 : memref<400x65xf32, #tpu.memory_space<vmem>>[vector<16xi32>, vector<16xi32>], vector<16xf32>,
        %parallel_loop3A_97 = arith.index_cast %parallel_loop3A_89 : i32 to index
        %parallel_loop3A_98 = arith.constant 32 : index
        %parallel_loop3A_99 = tpu.vector_load %arg4[%parallel_loop3A_97, %parallel_loop3A_98] {strides = array<i32>} : memref<64x400xf32, #tpu.memory_space<vmem>>, vector<16xf32>,
        tpu.vector_store_idx %arg5[%add3A_9, %parallel_loop3A_90], %parallel_loop3A_99 : memref<400x65xf32, #tpu.memory_space<vmem>>[vector<16xi32>, vector<16xi32>], vector<16xf32>,
        %parallel_loop3A_100 = arith.index_cast %parallel_loop3A_89 : i32 to index
        %parallel_loop3A_101 = arith.constant 48 : index
        %parallel_loop3A_102 = tpu.vector_load %arg4[%parallel_loop3A_100, %parallel_loop3A_101] {strides = array<i32>} : memref<64x400xf32, #tpu.memory_space<vmem>>, vector<16xf32>,
        tpu.vector_store_idx %arg5[%add3A_12, %parallel_loop3A_90], %parallel_loop3A_102 : memref<400x65xf32, #tpu.memory_space<vmem>>[vector<16xi32>, vector<16xi32>], vector<16xf32>,
        %parallel_loop3A_103 = arith.index_cast %parallel_loop3A_89 : i32 to index
        %parallel_loop3A_104 = arith.constant 64 : index
        %parallel_loop3A_105 = tpu.vector_load %arg4[%parallel_loop3A_103, %parallel_loop3A_104] {strides = array<i32>} : memref<64x400xf32, #tpu.memory_space<vmem>>, vector<16xf32>,
        tpu.vector_store_idx %arg5[%add3A_15, %parallel_loop3A_90], %parallel_loop3A_105 : memref<400x65xf32, #tpu.memory_space<vmem>>[vector<16xi32>, vector<16xi32>], vector<16xf32>,
        %parallel_loop3A_106 = arith.index_cast %parallel_loop3A_89 : i32 to index
        %parallel_loop3A_107 = arith.constant 80 : index
        %parallel_loop3A_108 = tpu.vector_load %arg4[%parallel_loop3A_106, %parallel_loop3A_107] {strides = array<i32>} : memref<64x400xf32, #tpu.memory_space<vmem>>, vector<16xf32>,
        tpu.vector_store_idx %arg5[%add3A_18, %parallel_loop3A_90], %parallel_loop3A_108 : memref<400x65xf32, #tpu.memory_space<vmem>>[vector<16xi32>, vector<16xi32>], vector<16xf32>,
        %parallel_loop3A_109 = arith.index_cast %parallel_loop3A_89 : i32 to index
        %parallel_loop3A_110 = arith.constant 96 : index
        %parallel_loop3A_111 = tpu.vector_load %arg4[%parallel_loop3A_109, %parallel_loop3A_110] {strides = array<i32>} : memref<64x400xf32, #tpu.memory_space<vmem>>, vector<16xf32>,
        tpu.vector_store_idx %arg5[%add3A_21, %parallel_loop3A_90], %parallel_loop3A_111 : memref<400x65xf32, #tpu.memory_space<vmem>>[vector<16xi32>, vector<16xi32>], vector<16xf32>,
        %parallel_loop3A_112 = arith.index_cast %parallel_loop3A_89 : i32 to index
        %parallel_loop3A_113 = arith.constant 112 : index
        %parallel_loop3A_114 = tpu.vector_load %arg4[%parallel_loop3A_112, %parallel_loop3A_113] {strides = array<i32>} : memref<64x400xf32, #tpu.memory_space<vmem>>, vector<16xf32>,
        tpu.vector_store_idx %arg5[%add3A_24, %parallel_loop3A_90], %parallel_loop3A_114 : memref<400x65xf32, #tpu.memory_space<vmem>>[vector<16xi32>, vector<16xi32>], vector<16xf32>,
        %parallel_loop3A_115 = arith.index_cast %parallel_loop3A_89 : i32 to index
        %parallel_loop3A_116 = arith.constant 128 : index
        %parallel_loop3A_117 = tpu.vector_load %arg4[%parallel_loop3A_115, %parallel_loop3A_116] {strides = array<i32>} : memref<64x400xf32, #tpu.memory_space<vmem>>, vector<16xf32>,
        tpu.vector_store_idx %arg5[%add3A_27, %parallel_loop3A_90], %parallel_loop3A_117 : memref<400x65xf32, #tpu.memory_space<vmem>>[vector<16xi32>, vector<16xi32>], vector<16xf32>,
        %parallel_loop3A_118 = arith.index_cast %parallel_loop3A_89 : i32 to index
        %parallel_loop3A_119 = arith.constant 144 : index
        %parallel_loop3A_120 = tpu.vector_load %arg4[%parallel_loop3A_118, %parallel_loop3A_119] {strides = array<i32>} : memref<64x400xf32, #tpu.memory_space<vmem>>, vector<16xf32>,
        tpu.vector_store_idx %arg5[%add3A_30, %parallel_loop3A_90], %parallel_loop3A_120 : memref<400x65xf32, #tpu.memory_space<vmem>>[vector<16xi32>, vector<16xi32>], vector<16xf32>,
        %parallel_loop3A_121 = arith.index_cast %parallel_loop3A_89 : i32 to index
        %parallel_loop3A_122 = arith.constant 160 : index
        %parallel_loop3A_123 = tpu.vector_load %arg4[%parallel_loop3A_121, %parallel_loop3A_122] {strides = array<i32>} : memref<64x400xf32, #tpu.memory_space<vmem>>, vector<16xf32>,
        tpu.vector_store_idx %arg5[%add3A_33, %parallel_loop3A_90], %parallel_loop3A_123 : memref<400x65xf32, #tpu.memory_space<vmem>>[vector<16xi32>, vector<16xi32>], vector<16xf32>,
        %parallel_loop3A_124 = arith.index_cast %parallel_loop3A_89 : i32 to index
        %parallel_loop3A_125 = arith.constant 176 : index
        %parallel_loop3A_126 = tpu.vector_load %arg4[%parallel_loop3A_124, %parallel_loop3A_125] {strides = array<i32>} : memref<64x400xf32, #tpu.memory_space<vmem>>, vector<16xf32>,
        tpu.vector_store_idx %arg5[%add3A_36, %parallel_loop3A_90], %parallel_loop3A_126 : memref<400x65xf32, #tpu.memory_space<vmem>>[vector<16xi32>, vector<16xi32>], vector<16xf32>,
        %parallel_loop3A_127 = arith.index_cast %parallel_loop3A_89 : i32 to index
        %parallel_loop3A_128 = arith.constant 192 : index
        %parallel_loop3A_129 = tpu.vector_load %arg4[%parallel_loop3A_127, %parallel_loop3A_128] {strides = array<i32>} : memref<64x400xf32, #tpu.memory_space<vmem>>, vector<16xf32>,
        tpu.vector_store_idx %arg5[%add3A_39, %parallel_loop3A_90], %parallel_loop3A_129 : memref<400x65xf32, #tpu.memory_space<vmem>>[vector<16xi32>, vector<16xi32>], vector<16xf32>,
        %parallel_loop3A_130 = arith.index_cast %parallel_loop3A_89 : i32 to index
        %parallel_loop3A_131 = arith.constant 208 : index
        %parallel_loop3A_132 = tpu.vector_load %arg4[%parallel_loop3A_130, %parallel_loop3A_131] {strides = array<i32>} : memref<64x400xf32, #tpu.memory_space<vmem>>, vector<16xf32>,
        tpu.vector_store_idx %arg5[%add3A_42, %parallel_loop3A_90], %parallel_loop3A_132 : memref<400x65xf32, #tpu.memory_space<vmem>>[vector<16xi32>, vector<16xi32>], vector<16xf32>,
        %parallel_loop3A_133 = arith.index_cast %parallel_loop3A_89 : i32 to index
        %parallel_loop3A_134 = arith.constant 224 : index
        %parallel_loop3A_135 = tpu.vector_load %arg4[%parallel_loop3A_133, %parallel_loop3A_134] {strides = array<i32>} : memref<64x400xf32, #tpu.memory_space<vmem>>, vector<16xf32>,
        tpu.vector_store_idx %arg5[%add3A_45, %parallel_loop3A_90], %parallel_loop3A_135 : memref<400x65xf32, #tpu.memory_space<vmem>>[vector<16xi32>, vector<16xi32>], vector<16xf32>,
        %parallel_loop3A_136 = arith.index_cast %parallel_loop3A_89 : i32 to index
        %parallel_loop3A_137 = arith.constant 240 : index
        %parallel_loop3A_138 = tpu.vector_load %arg4[%parallel_loop3A_136, %parallel_loop3A_137] {strides = array<i32>} : memref<64x400xf32, #tpu.memory_space<vmem>>, vector<16xf32>,
        tpu.vector_store_idx %arg5[%add3A_48, %parallel_loop3A_90], %parallel_loop3A_138 : memref<400x65xf32, #tpu.memory_space<vmem>>[vector<16xi32>, vector<16xi32>], vector<16xf32>,
        %parallel_loop3A_139 = arith.index_cast %parallel_loop3A_89 : i32 to index
        %parallel_loop3A_140 = arith.constant 256 : index
        %parallel_loop3A_141 = tpu.vector_load %arg4[%parallel_loop3A_139, %parallel_loop3A_140] {strides = array<i32>} : memref<64x400xf32, #tpu.memory_space<vmem>>, vector<16xf32>,
        tpu.vector_store_idx %arg5[%add3A_51, %parallel_loop3A_90], %parallel_loop3A_141 : memref<400x65xf32, #tpu.memory_space<vmem>>[vector<16xi32>, vector<16xi32>], vector<16xf32>,
        %parallel_loop3A_142 = arith.index_cast %parallel_loop3A_89 : i32 to index
        %parallel_loop3A_143 = arith.constant 272 : index
        %parallel_loop3A_144 = tpu.vector_load %arg4[%parallel_loop3A_142, %parallel_loop3A_143] {strides = array<i32>} : memref<64x400xf32, #tpu.memory_space<vmem>>, vector<16xf32>,
        tpu.vector_store_idx %arg5[%add3A_54, %parallel_loop3A_90], %parallel_loop3A_144 : memref<400x65xf32, #tpu.memory_space<vmem>>[vector<16xi32>, vector<16xi32>], vector<16xf32>,
        %parallel_loop3A_145 = arith.index_cast %parallel_loop3A_89 : i32 to index
        %parallel_loop3A_146 = arith.constant 288 : index
        %parallel_loop3A_147 = tpu.vector_load %arg4[%parallel_loop3A_145, %parallel_loop3A_146] {strides = array<i32>} : memref<64x400xf32, #tpu.memory_space<vmem>>, vector<16xf32>,
        tpu.vector_store_idx %arg5[%add3A_57, %parallel_loop3A_90], %parallel_loop3A_147 : memref<400x65xf32, #tpu.memory_space<vmem>>[vector<16xi32>, vector<16xi32>], vector<16xf32>,
        %parallel_loop3A_148 = arith.index_cast %parallel_loop3A_89 : i32 to index
        %parallel_loop3A_149 = arith.constant 304 : index
        %parallel_loop3A_150 = tpu.vector_load %arg4[%parallel_loop3A_148, %parallel_loop3A_149] {strides = array<i32>} : memref<64x400xf32, #tpu.memory_space<vmem>>, vector<16xf32>,
        tpu.vector_store_idx %arg5[%add3A_60, %parallel_loop3A_90], %parallel_loop3A_150 : memref<400x65xf32, #tpu.memory_space<vmem>>[vector<16xi32>, vector<16xi32>], vector<16xf32>,
        %parallel_loop3A_151 = arith.index_cast %parallel_loop3A_89 : i32 to index
        %parallel_loop3A_152 = arith.constant 320 : index
        %parallel_loop3A_153 = tpu.vector_load %arg4[%parallel_loop3A_151, %parallel_loop3A_152] {strides = array<i32>} : memref<64x400xf32, #tpu.memory_space<vmem>>, vector<16xf32>,
        tpu.vector_store_idx %arg5[%add3A_63, %parallel_loop3A_90], %parallel_loop3A_153 : memref<400x65xf32, #tpu.memory_space<vmem>>[vector<16xi32>, vector<16xi32>], vector<16xf32>,
        %parallel_loop3A_154 = arith.index_cast %parallel_loop3A_89 : i32 to index
        %parallel_loop3A_155 = arith.constant 336 : index
        %parallel_loop3A_156 = tpu.vector_load %arg4[%parallel_loop3A_154, %parallel_loop3A_155] {strides = array<i32>} : memref<64x400xf32, #tpu.memory_space<vmem>>, vector<16xf32>,
        tpu.vector_store_idx %arg5[%add3A_66, %parallel_loop3A_90], %parallel_loop3A_156 : memref<400x65xf32, #tpu.memory_space<vmem>>[vector<16xi32>, vector<16xi32>], vector<16xf32>,
        %parallel_loop3A_157 = arith.index_cast %parallel_loop3A_89 : i32 to index
        %parallel_loop3A_158 = arith.constant 352 : index
        %parallel_loop3A_159 = tpu.vector_load %arg4[%parallel_loop3A_157, %parallel_loop3A_158] {strides = array<i32>} : memref<64x400xf32, #tpu.memory_space<vmem>>, vector<16xf32>,
        tpu.vector_store_idx %arg5[%add3A_69, %parallel_loop3A_90], %parallel_loop3A_159 : memref<400x65xf32, #tpu.memory_space<vmem>>[vector<16xi32>, vector<16xi32>], vector<16xf32>,
        %parallel_loop3A_160 = arith.index_cast %parallel_loop3A_89 : i32 to index
        %parallel_loop3A_161 = arith.constant 368 : index
        %parallel_loop3A_162 = tpu.vector_load %arg4[%parallel_loop3A_160, %parallel_loop3A_161] {strides = array<i32>} : memref<64x400xf32, #tpu.memory_space<vmem>>, vector<16xf32>,
        tpu.vector_store_idx %arg5[%add3A_72, %parallel_loop3A_90], %parallel_loop3A_162 : memref<400x65xf32, #tpu.memory_space<vmem>>[vector<16xi32>, vector<16xi32>], vector<16xf32>,
        %parallel_loop3A_163 = arith.index_cast %parallel_loop3A_89 : i32 to index
        %parallel_loop3A_164 = arith.constant 384 : index
        %parallel_loop3A_165 = tpu.vector_load %arg4[%parallel_loop3A_163, %parallel_loop3A_164] {strides = array<i32>} : memref<64x400xf32, #tpu.memory_space<vmem>>, vector<16xf32>,
        tpu.vector_store_idx %arg5[%add3A_75, %parallel_loop3A_90], %parallel_loop3A_165 : memref<400x65xf32, #tpu.memory_space<vmem>>[vector<16xi32>, vector<16xi32>], vector<16xf32>,
      } {sc.loop_unroll_factor = 2 : i64, sc.parallel_access}
      "tpu.region"() ({
        %run_scoped3A = tpu.sem_alloc : memref<!tpu.dma_semaphore, #tpu.memory_space<semaphore_mem>>
        %dma_start3A = arith.constant 0 : i32
        %dma_start3A_89 = arith.constant 0 : i32
        %dma_start3A_90 = tpu.memref_slice %arg5[%dma_start3A, %dma_start3A_89] : memref<400x65xf32, #tpu.memory_space<vmem>> -> memref<400x64xf32, #tpu.memory_space<vmem>>
        %dma_start3A_91 = arith.constant 0 : i32
        %dma_start3A_92 = tpu.memref_slice %arg3[%multiple_of3A, %dma_start3A_91] : memref<1000000x64xf32, #tpu.memory_space<hbm>> -> memref<400x64xf32, #tpu.memory_space<hbm>>
        %dma_start3A_93 = arith.constant 0 : i32
        %dma_start3A_94 = tpu.memref_slice %arg3[%multiple_of3A, %dma_start3A_93] : memref<1000000x64xf32, #tpu.memory_space<hbm>> -> memref<400x64xf32, #tpu.memory_space<hbm>>
        %dma_start3A_95 = arith.constant 0 : i32
        %dma_start3A_96 = arith.constant 0 : i32
        %dma_start3A_97 = tpu.memref_slice %arg5[%dma_start3A_95, %dma_start3A_96] : memref<400x65xf32, #tpu.memory_space<vmem>> -> memref<400x64xf32, #tpu.memory_space<vmem>>
        tpu.enqueue_dma source(%dma_start3A_97 : memref<400x64xf32, #tpu.memory_space<vmem>>) target(%dma_start3A_94 : memref<400x64xf32, #tpu.memory_space<hbm>>) target_semaphore(%run_scoped3A : memref<!tpu.dma_semaphore, #tpu.memory_space<semaphore_mem>>)
        %dma_wait3A = arith.constant 0 : i32
        %dma_wait3A_98 = arith.constant 0 : i32
        %dma_wait3A_99 = tpu.memref_slice %arg5[%dma_wait3A, %dma_wait3A_98] : memref<400x65xf32, #tpu.memory_space<vmem>> -> memref<400x64xf32, #tpu.memory_space<vmem>>
        %dma_wait3A_100 = arith.constant 0 : i32
        %dma_wait3A_101 = tpu.memref_slice %arg3[%multiple_of3A, %dma_wait3A_100] : memref<1000000x64xf32, #tpu.memory_space<hbm>> -> memref<400x64xf32, #tpu.memory_space<hbm>>
        %dma_wait3A_102 = arith.constant 0 : i32
        %dma_wait3A_103 = tpu.memref_slice %arg3[%multiple_of3A, %dma_wait3A_102] : memref<1000000x64xf32, #tpu.memory_space<hbm>> -> memref<400x64xf32, #tpu.memory_space<hbm>>
        %dma_wait3A_104 = arith.constant 0 : i32
        %dma_wait3A_105 = arith.constant 0 : i32
        %dma_wait3A_106 = tpu.memref_slice %arg5[%dma_wait3A_104, %dma_wait3A_105] : memref<400x65xf32, #tpu.memory_space<vmem>> -> memref<400x64xf32, #tpu.memory_space<vmem>>
        tpu.wait_dma2 semaphore(%run_scoped3A : memref<!tpu.dma_semaphore, #tpu.memory_space<semaphore_mem>>) src(%dma_wait3A_106 : memref<400x64xf32, #tpu.memory_space<vmem>>) dst(%dma_wait3A_103 : memref<400x64xf32, #tpu.memory_space<hbm>>)
        tpu.yield
      }) : () -> ()
    } else {
    }
    return
  }
}

</mosaic_0001>

<sc_bundles>
// kernel: kernel.4.cloned.1.call-start
scs
__scs_entry_jumppad:
0x0: {  	(pc) =	sbr.rel $0x88, $3  }
0x1: {  	(tag) =	ssettag $0x0;
	lr =	simm.s32 $0x1  }
0x2: {  	[smem:$0x3F9E] =	sst lr;
	_ =	strace $0xD0000000  }
0x3: {  	_ = 	snop  }
0x4: {  	_ = 	snop  }
0x5: {  	_ = 	snop  }
0x6: {  	_ = 	snop  }
0x7: {  	_ = 	snop  }
__scs_overlays_trampoline_lowered:
0x8: {  	[smem:$0x3FAD] =	sst s0  }
0x9: {  	[smem:$0x3FAE] =	sst s1  }
0xa: {  	[smem:$0x3FAF] =	sst s2  }
0xb: {  	[smem:$0x3FB0] =	sst s3  }
0xc: {  	[smem:$0x3FB1] =	sst s4  }
0xd: {  	[smem:$0x3FB2] =	sst s5  }
0xe: {  	[smem:$0x3FB3] =	sst s6  }
0xf: {  	[smem:$0x3FB4] =	sst s7  }
0x10: {  	[smem:$0x3FB5] =	sst s8  }
0x11: {  	[smem:$0x3FB6] =	sst s9;
	s0 =	simm.s32 @!p0 $0x0  }
0x12: {  	s1 =	sld [smem:$0x3F9C];
	s0 =	simm.s32 @p0 $0x1  }
0x13: {  	[smem:$0x3FB7] =	sst s0;
	s0 =	simm.s32 @!p1 $0x0  }
0x14: {  	s2 =	sld [smem:$0x3F9B];
	s0 =	simm.s32 @p1 $0x1  }
0x15: {  	[smem:$0x3FB8] =	sst s0;
	s0 =	simm.s32 @!p2 $0x0  }
0x16: {  	s3 =	sld [smem:$0x3FDB];
	s0 =	simm.s32 @p2 $0x1  }
0x17: {  	s4 =	simm.s32 $0x1BF5;
	[smem:$0x3FBA] =	sst s0  }
0x18: {  	s0 =	sld [smem:$0x3F9D];
	_ =	swait.ge [sflag:s4], $0x0  }
0x19: {  	s7 =	sld [smem:$0x3F9E]  }
0x1a: {  	s8 =	sadd.s32 $0xFFFFE003, lr  }
0x1b: {  	s9 =	sadd.s32 $0xFFFFFEF7, lr;
	s5 =	simm.s32 $0xFFFFFFFF;
	p2 =	slt.u32 s8, $0xFFFFF086  }
0x1c: {  	p1 =	slt.u32 s9, $0xF7A;
	s5 =	simm.s32 @!p2 $0x0  }
0x1d: {  	s5 =	simm.s32 @p1 $0x1;
	p0 =	seq.s32 s7, s2  }
0x1e: {  	s7 =	smul.u32 @!p0 $0xF7A, s2;
	p2 =	seq.s32 @!p0 s5, $0x0  }
0x1f: {  	s9 =	smul.u32 $0xF7A, s1;
	s8 =	simm.s32 @!p0 $0x1BF5;
	p2 =	por !p2, p0  }
0x20: {  	[sflag:s8] =	ssyncset.s32 @!p0 $0xFFFFF086;
	s6 =	sadd.s32 @!p0 s3, s7;
	s7 =	simm.s32 @!p0 $0x108  }
0x21: {  	s3 =	sadd.s32 s3, s9;
	s6 =	sadd.s32 @!p0 $0x88, s6;
	s7 =	simm.s32 @p2 $0x1082  }
0x22: {  	[simem:s7], [sflag:s8] =	dma.local @!p0 [hbm:s6], $0xF7A  }
0x23: {  	s9 =	sor.u32 $0xD0000000, s2;
	s6 =	simm.s32 $0x108;
	_ =	swait.ge @!p0 [sflag:s8], $0x0  }
0x24: {  	s3 =	sadd.s32 $0x88, s3;
	s6 =	simm.s32 @!p1 $0x1082;
	[sflag:s4] =	ssyncset.s32 $0xFFFFF086  }
0x25: {  	[simem:s6], [sflag:s4] =	dma.local [hbm:s3], $0xF7A  }
0x26: {  	[smem:$0x3F9E] =	sst s1;
	(tag) =	ssettag s2;
	_ =	strace s9  }
0x27: {  	s1 =	sld [smem:$0x3FAE]  }
0x28: {  	s2 =	sld [smem:$0x3FAF]  }
0x29: {  	s4 =	sld [smem:$0x3FB1]  }
0x2a: {  	p0 =	seq.s32 s5, $0x0;
	s5 =	sld [smem:$0x3FB2]  }
0x2b: {  	s6 =	sld [smem:$0x3FB3]  }
0x2c: {  	s7 =	sld [smem:$0x3FB4]  }
0x2d: {  	s3 =	simm.s32 $0x108;
	s8 =	sld [smem:$0x3FB5]  }
0x2e: {  	s3 =	simm.s32 @!p0 $0x1082;
	s9 =	sld [smem:$0x3FB6]  }
0x2f: {  	lr =	sadd.s32 s0, s3;
	s0 =	sld [smem:$0x3FAD]  }
0x30: {  	s3 =	sld [smem:$0x3FB0]  }
0x31: {  	[smem:$0x3FB9] =	sst s10  }
0x32: {  	s10 =	sld [smem:$0x3FB7];
	_ =	sdelay $0x3  }
0x33: {  	p0 =	seq.s32 s10, $0x1;
	s10 =	sld [smem:$0x3FB9];
	_ =	sdelay $0x3  }
0x34: {  	[smem:$0x3FB9] =	sst s10  }
0x35: {  	s10 =	sld [smem:$0x3FB8];
	_ =	sdelay $0x3  }
0x36: {  	p1 =	seq.s32 s10, $0x1;
	s10 =	sld [smem:$0x3FB9];
	_ =	sdelay $0x3  }
0x37: {  	[smem:$0x3FB9] =	sst s10  }
0x38: {  	s10 =	sld [smem:$0x3FBA]  }
0x39: {  	_ = 	snop;
	(pc) =	sbr.ind lr, $3  }
0x3a: {  	_ = 	snop  }
0x3b: {  	_ = 	snop  }
0x3c: {  	p2 =	seq.s32 s10, $0x1;
	s10 =	sld [smem:$0x3FB9]  }
0x3d: {  	_ =	shalt  }
0x3e: {  	_ =	shalt  }
0x3f: {  	_ =	shalt  }
0x40: {  	_ =	shalt  }
0x41: {  	_ =	shalt  }
0x42: {  	_ =	shalt  }
0x43: {  	_ =	shalt  }
0x44: {  	_ =	shalt  }
0x45: {  	_ =	shalt  }
0x46: {  	_ =	shalt  }
0x47: {  	_ =	shalt  }
0x48: {  	_ =	shalt  }
0x49: {  	_ =	shalt  }
0x4a: {  	_ =	shalt  }
0x4b: {  	_ =	shalt  }
0x4c: {  	_ =	shalt  }
0x4d: {  	_ =	shalt  }
0x4e: {  	_ =	shalt  }
0x4f: {  	_ =	shalt  }
0x50: {  	_ =	shalt  }
0x51: {  	_ =	shalt  }
0x52: {  	_ =	shalt  }
0x53: {  	_ =	shalt  }
0x54: {  	_ =	shalt  }
0x55: {  	_ =	shalt  }
0x56: {  	_ =	shalt  }
0x57: {  	_ =	shalt  }
0x58: {  	_ =	shalt  }
0x59: {  	_ =	shalt  }
0x5a: {  	_ =	shalt  }
0x5b: {  	_ =	shalt  }
0x5c: {  	_ =	shalt  }
0x5d: {  	_ =	shalt  }
0x5e: {  	_ =	shalt  }
0x5f: {  	_ =	shalt  }
0x60: {  	_ =	shalt  }
0x61: {  	_ =	shalt  }
0x62: {  	_ =	shalt  }
0x63: {  	_ =	shalt  }
0x64: {  	_ =	shalt  }
0x65: {  	_ =	shalt  }
0x66: {  	_ =	shalt  }
0x67: {  	_ =	shalt  }
0x68: {  	_ =	shalt  }
0x69: {  	_ =	shalt  }
0x6a: {  	_ =	shalt  }
0x6b: {  	_ =	shalt  }
0x6c: {  	_ =	shalt  }
0x6d: {  	_ =	shalt  }
0x6e: {  	_ =	shalt  }
0x6f: {  	_ =	shalt  }
0x70: {  	_ =	shalt  }
0x71: {  	_ =	shalt  }
0x72: {  	_ =	shalt  }
0x73: {  	_ =	shalt  }
0x74: {  	_ =	shalt  }
0x75: {  	_ =	shalt  }
0x76: {  	_ =	shalt  }
0x77: {  	_ =	shalt  }
0x78: {  	_ =	shalt  }
0x79: {  	_ =	shalt  }
0x7a: {  	_ =	shalt  }
0x7b: {  	_ =	shalt  }
0x7c: {  	_ =	shalt  }
0x7d: {  	_ =	shalt  }
0x7e: {  	_ =	shalt  }
0x7f: {  	_ =	shalt  }
0x80: {  	_ =	shalt  }
0x81: {  	_ =	shalt  }
0x82: {  	_ =	shalt  }
0x83: {  	_ =	shalt  }
0x84: {  	_ =	shalt  }
0x85: {  	_ =	shalt  }
0x86: {  	_ =	shalt  }
0x87: {  	_ =	shalt  }
.Lfunc_end0:
.L_simem_size_0:
called_computation_lowered:
.L_overlay_start_0:
0x88: {  	s2 =	sld [smem:$0x3FD9]  }
0x89: {  	s3 =	sld [smem:$0x3FFE];
	_ =	sdelay $0x1  }
0x8a: {  	s1 =	srdreg.scid  }
0x8b: {  	s0 =	sand.u32 $0x1, s1  }
0x8c: {  	s16 =	sshll.u32 s0, $0xA;
	s2 =	sadd.s32 s3, s2  }
0x8d: {  	s2 =	sadd.s32 s2, s16  }
0x8e: {  	[smem:$0x3FC5] =	sst s2  }
0x8f: {  	_ = 	snop  }
0x90: {  	(tm) =	ssettm $0x1  }
0x91: {  	s17 =	sld [smem:$0x3FFB];
	_ =	sdelay $0x3  }
0x92: {  	_ =	strace s17  }
0x93: {  	s2 =	sld [smem:$0x3FFC];
	_ =	sdelay $0x3  }
0x94: {  	_ =	strace s2  }
0x95: {  	s2 =	sld [smem:$0x3FFD];
	_ =	sdelay $0x3  }
0x96: {  	_ =	strace s2  }
0x97: {  	_ =	strace $0x8FFFFFFF  }
0x98: {  	s18 =	sld [smem:$0x3FDB];
	_ =	sdelay $0x1  }
0x99: {  	s19 =	simm.s32 $_scs_section_size  }
0x9a: {  	s4 =	simm.s32 $_size__tile_overlayer_lowered;
	s5 =	simm.s32 $_tile_overlayer_lowered  }
0x9b: {  	s22 =	simm.s32 $0x1BFF;
	s21 =	sshll.u32 s5, $0x1;
	s2 =	sadd.s32 s19, s18  }
0x9c: {  	s6 =	simm.s32 $0x0;
	s20 =	sshll.u32 s4, $0x1;
	s4 =	sadd.s32 s21, s2  }
0x9d: {  	[timem:s6], [sflag:s22] =	dma.local [hbm:s4], s20  }
0x9e: {  	_ =	swait.ge [sflag:s22], s20  }
0x9f: {  	s3 =	ssub.s32 $0x0, s20;
	[sflag:s22] =	ssyncset.done $0x0  }
0xa0: {  	[sflag:s22] =	ssyncadd.s32 s3;
	_ =	sdelay $0x1  }
0xa1: {  	s23 =	simm.s32 $0x1B8B  }
0xa2: {  	_ =	swait.ge [sflag:s23], $0x1  }
0xa3: {  	[sflag:s23] =	ssyncset.done $0x0  }
0xa4: {  	s25 =	simm.s32 $0x1B8E;
	s24 =	sld [smem:$0x3FFE];
	[sflag:s23] =	ssyncadd.s32 $0xFFFFFFFF  }
0xa5: {  	s26 =	simm.s32 $execute0_lowered;
	[smem:$0x3FD2] =	sst s25  }
0xa6: {  	s4 =	sshll.u32 s26, $0x1;
	_ =	strace $0x80000046;
	[dreg:$0x1] =	wrdreg $0xFFFFFFFF  }
0xa7: {  	s28 =	simm.s32 $_size_execute0_lowered;
	s2 =	sadd.s32 s2, s4;
	[dreg:$0x0] =	wrdreg $0x0  }
0xa8: {  	s4 =	sshll.u32 s28, $0x1;
	[dreg:$0x2] =	wrdreg s2  }
0xa9: {  	[dreg:$0x3] =	wrdreg s4  }
0xaa: {  	[dreg:$0x4] =	wrdreg $0xC0  }
0xab: {  	_ =	task [dreg:s6], $0x5FFFF  }
0xac: {  	[dreg:$0x1] =	wrdreg $0xFFFFFFFF  }
0xad: {  	[dreg:$0x0] =	wrdreg $0x60  }
0xae: {  	[dreg:$0x2] =	wrdreg s24  }
0xaf: {  	[dreg:$0x3] =	wrdreg $0x9  }
0xb0: {  	_ =	task.clear_ibuf [dreg:s6], $0x4FFFF;
	_ =	strace $0x90000046  }
0xb1: {  	s29 =	simm.s32 $0x9;
	_ =	strace $0x80000048  }
0xb2: {  	_ =	swait.ge [sflag:s29], $0x1  }
0xb3: {  	[sflag:s29] =	ssyncadd.s32 $0xFFFFFFFF  }
0xb4: {  	_ =	strace $0x90000048  }
0xb5: {  	_ =	sfence  }
0xb6: {  	s30 =	sld [smem:$0x0];
	_ =	sdelay $0x2  }
0xb7: {  	s31 =	sshll.u32 s1, $0xD;
	s1 =	sshrl.u32 s1, $0x2  }
0xb8: {  	s3 =	sand.u32 $0x4000, s31;
	s1 =	sadd.s32 s1, s30  }
0xb9: {  	s0 =	sor.u32 s3, s0;
	s1 =	sshll.u32 s1, $0x11  }
0xba: {  	s0 =	sor.u32 s1, s0  }
0xbb: {  	s0 =	sadd.s32 $0x8F2B, s0  }
0xbc: {  	[sflag:s0] =	ssyncadd.remote.s32 $0x1  }
0xbd: {  	_ =	sfence.sel $0xFFFF  }
0xbe: {  	[dreg:$0x0] =	wrdreg $0xFFFFFFFF;
	(pc) =	sbr.abs _section_cstart, $3  }
0xbf: {  	[dreg:$0x1] =	wrdreg $0xFFFFFFFF  }
0xc0: {  	_ =	task.clear_ibuf [dreg:s6], $0x2FFFF;
	_ =	strace $0x9FFFFFFF  }
0xc1: {  	(tm) =	ssettm $0x7FFFFFFF  }
tec
execute0_lowered:
.L_overlay_start_1:
0x0: {  	(tag) =	ssettag $0x1  }
0x1: {  	v0 =	vlaneseq.u32  }
0x2: {  	s1 =	srdreg.scid;
	v0 =	vmul.u32 $0x48, v0  }
0x3: {  	s0 =	stileid.u32;
	s5 =	rddreg [dreg:$0x0];
	s2 =	simm.s32 $0x0  }
0x4: {  	s10 =	simm.s32 $0x1;
	s6 =	sand.u32 $0x1, s1;
	s3 =	sshll.u32 s0, $0x1;
	v1 =	vadd.s32 $0x480, v0;
	v2 =	vadd.s32 $0x900, v0;
	v3 =	vadd.s32 $0xD80, v0  }
0x5: {  	s11 =	simm.s32 $0x6400;
	s1 =	rddreg [dreg:$0x1];
	s3 =	sor.u32 s6, s3;
	v4 =	vadd.s32 $0x1200, v0;
	v5 =	vadd.s32 $0x1680, v0;
	v6 =	vadd.s32 $0x1B00, v0  }
0x6: {  	s12 =	simm.s32 $0x0;
	[smem:$0x7FF] =	sst s2;
	s7 =	smul.u32 $0x190, s3;
	v7 =	vadd.s32 $0x1F80, v0;
	v8 =	vadd.s32 $0x2400, v0;
	v9 =	vadd.s32 $0x2880, v0  }
.Ltmp0:
0x7: {  	s4 =	sadd.s32 $0xC00, s5;
	s6 =	ssub.s32 $0x2, s6;
	v10 =	vadd.s32 $0x2D00, v0;
	v11 =	vadd.s32 $0x3180, v0;
	v12 =	vadd.s32 $0x3600, v0;
	(pc) =	sbr.rel .LBB2_1-.Ltmp0, $4  }
0x8: {  	s5 =	sadd.s32 $0x7A1E00, s5;
	p0 =	sgt.u32 s0, $0x1;
	s8 =	sshrl.u32 s6, $0x1;
	v13 =	vadd.s32 $0x3A80, v0;
	v14 =	vadd.s32 $0x3F00, v0;
	v15 =	vadd.s32 $0x4380, v0  }
0x9: {  	_ =	strace $0x80000047;
	v16 =	vor.u32 $0x4800, v0;
	v17 =	vadd.s32 $0x4C80, v0;
	v18 =	vadd.s32 $0x5100, v0;
	s8 =	ssub.s32 s6, s8;
	s7 =	sadd.s32 $0xF3C00, s7  }
0xa: {  	v19 =	vadd.s32 $0x5580, v0;
	v20 =	vadd.s32 $0x5A00, v0;
	v21 =	vadd.s32 $0x5E80, v0;
	s8 =	smax.u32 s8, $0x1;
	s9 =	sshrl.u32 s7, $0x3;
	s7 =	sshll.u32 s7, $0x3  }
0xb: {  	v22 =	vadd.s32 $0x6300, v0;
	v23 =	vadd.s32 $0x6780, v0;
	v24 =	vadd.s32 $0x6C00, v0;
	s6 =	sadd.s32 s4, s9;
	s7 =	sadd.s32 s5, s7;
	s9 =	simm.s32 $0xF4240  }
.LBB2_13:
0xc: {  	s12 =	sadd.s32 $0x1, s12  }
0xd: {  	p1 =	sne.s32 s12, s8  }
.Ltmp1:
0xe: {  	_ = 	snop;
	(pc) =	sbr.rel @!p1 .LBB2_14-.Ltmp1, $1  }
0xf: {  	_ =	sdelay $0x3  }
.LBB2_1:
0x10: {  	s13 =	simm.s32 $0x0  }
.LBB2_2:
0x11: {  	s14 =	sshll.u32 s13, $0x5  }
0x12: {  	s14 =	sor.u32 s3, s14  }
0x13: {  	s15 =	smul.u32 $0x32, s14;
	_ =	sdelay $0x1  }
0x14: {  	s16 =	simm.s32 $0x190;
	s17 =	simm.s32 $0x0;
	s15 =	sadd.s32 s4, s15  }
0x15: {  	[tilespmem:s17], [sflag:$0x1] =	stream.strided.gather [hbm4b:s15+s16], $0x6400, s9, s16, $0x38;
	[tilespmem:$0xD480] =	vst v63  }
0x16: {  	s28 =	simm.s32 $0x1;
	_ =	swait.ge [sflag:s10], $0x6400  }
0x17: {  	v25 =	vmov s28;
	[sflag:s10] =	ssyncset.done $0x0  }
0x18: {  	v26 =	vmov s17;
	v29 =	vand.u32 $0x3F, v25;
	[sflag:s10] =	ssyncadd.s32 $0xFFFF9C00  }
0x19: {  	v30 =	vand.u32 $0x3E, v26;
	v26 =	vadd.s32 v0, v29;
	v25 =	vld [tilespmem:s16+$0x0]  }
0x1a: {  	v28 =	vadd.s32 v0, v30;
	v27 =	vld [tilespmem:s16+$0xFFFFFE70];
	_ =	sdelay $0x3  }
0x1b: {  	[tilespmem:v26+s11+$0x0] =	vst.idx.msk $0xffff, v25  }
0x1c: {  	[tilespmem:v28+s11+$0x0] =	vst.idx.msk $0xffff, v27;
	v26 =	vadd.s32 v1, v29;
	v25 =	vld [tilespmem:s16+$0x10]  }
0x1d: {  	v28 =	vadd.s32 v1, v30;
	v27 =	vld [tilespmem:s16+$0xFFFFFE80];
	_ =	sdelay $0x3  }
0x1e: {  	[tilespmem:v26+s11+$0x0] =	vst.idx.msk $0xffff, v25  }
0x1f: {  	[tilespmem:v28+s11+$0x0] =	vst.idx.msk $0xffff, v27;
	v26 =	vadd.s32 v2, v29;
	v25 =	vld [tilespmem:s16+$0x20]  }
0x20: {  	v28 =	vadd.s32 v2, v30;
	v27 =	vld [tilespmem:s16+$0xFFFFFE90];
	_ =	sdelay $0x3  }
0x21: {  	[tilespmem:v26+s11+$0x0] =	vst.idx.msk $0xffff, v25  }
0x22: {  	[tilespmem:v28+s11+$0x0] =	vst.idx.msk $0xffff, v27;
	v26 =	vadd.s32 v3, v29;
	v25 =	vld [tilespmem:s16+$0x30]  }
0x23: {  	v28 =	vadd.s32 v3, v30;
	v27 =	vld [tilespmem:s16+$0xFFFFFEA0];
	_ =	sdelay $0x3  }
0x24: {  	[tilespmem:v26+s11+$0x0] =	vst.idx.msk $0xffff, v25  }
0x25: {  	[tilespmem:v28+s11+$0x0] =	vst.idx.msk $0xffff, v27;
	v26 =	vadd.s32 v4, v29;
	v25 =	vld [tilespmem:s16+$0x40]  }
0x26: {  	v28 =	vadd.s32 v4, v30;
	v27 =	vld [tilespmem:s16+$0xFFFFFEB0];
	_ =	sdelay $0x3  }
0x27: {  	[tilespmem:v26+s11+$0x0] =	vst.idx.msk $0xffff, v25  }
0x28: {  	[tilespmem:v28+s11+$0x0] =	vst.idx.msk $0xffff, v27;
	v26 =	vadd.s32 v5, v29;
	v25 =	vld [tilespmem:s16+$0x50]  }
0x29: {  	v28 =	vadd.s32 v5, v30;
	v27 =	vld [tilespmem:s16+$0xFFFFFEC0];
	_ =	sdelay $0x3  }
0x2a: {  	[tilespmem:v26+s11+$0x0] =	vst.idx.msk $0xffff, v25  }
0x2b: {  	[tilespmem:v28+s11+$0x0] =	vst.idx.msk $0xffff, v27;
	v26 =	vadd.s32 v6, v29;
	v25 =	vld [tilespmem:s16+$0x60]  }
0x2c: {  	v28 =	vadd.s32 v6, v30;
	v27 =	vld [tilespmem:s16+$0xFFFFFED0];
	_ =	sdelay $0x3  }
0x2d: {  	[tilespmem:v26+s11+$0x0] =	vst.idx.msk $0xffff, v25  }
0x2e: {  	[tilespmem:v28+s11+$0x0] =	vst.idx.msk $0xffff, v27;
	v26 =	vadd.s32 v7, v29;
	v25 =	vld [tilespmem:s16+$0x70]  }
0x2f: {  	v28 =	vadd.s32 v7, v30;
	v27 =	vld [tilespmem:s16+$0xFFFFFEE0];
	_ =	sdelay $0x3  }
0x30: {  	s29 =	simm.s32 $0x3;
	[tilespmem:v26+s11+$0x0] =	vst.idx.msk $0xffff, v25  }
0x31: {  	s30 =	simm.s32 $0x2;
	v25 =	vmov s29;
	[tilespmem:v28+s11+$0x0] =	vst.idx.msk $0xffff, v27;
	v28 =	vadd.s32 v8, v29;
	v27 =	vld [tilespmem:s16+$0x80]  }
0x32: {  	v32 =	vadd.s32 v8, v30;
	s15 =	simm.s32 $0x4B0;
	v26 =	vmov s30;
	v25 =	vand.u32 $0x3F, v25;
	v31 =	vld [tilespmem:s16+$0xFFFFFEF0]  }
0x33: {  	v33 =	vld [tilespmem:s15+$0x0];
	v26 =	vand.u32 $0x3E, v26;
	v34 =	vadd.s32 v0, v25  }
0x34: {  	v35 =	vld [tilespmem:s15+$0xFFFFFE70];
	v36 =	vadd.s32 v0, v26;
	_ =	sdelay $0x1  }
0x35: {  	[tilespmem:v28+s11+$0x0] =	vst.idx.msk $0xffff, v27  }
0x36: {  	[tilespmem:v32+s11+$0x0] =	vst.idx.msk $0xffff, v31;
	v28 =	vadd.s32 v9, v29;
	v27 =	vld [tilespmem:s16+$0x90]  }
0x37: {  	v59 =	vadd.s32 v9, v30;
	[tilespmem:v34+s11+$0x0] =	vst.idx.msk $0xffff, v33;
	v31 =	vld [tilespmem:s16+$0xFFFFFF00]  }
0x38: {  	v60 =	vadd.s32 v1, v25;
	[tilespmem:v36+s11+$0x0] =	vst.idx.msk $0xffff, v35;
	v33 =	vld [tilespmem:s15+$0x10]  }
0x39: {  	v61 =	vadd.s32 v1, v26;
	v35 =	vld [tilespmem:s15+$0xFFFFFE80];
	_ =	sdelay $0x1  }
0x3a: {  	[tilespmem:v28+s11+$0x0] =	vst.idx.msk $0xffff, v27  }
0x3b: {  	[tilespmem:v59+s11+$0x0] =	vst.idx.msk $0xffff, v31;
	v28 =	vadd.s32 v10, v29;
	v27 =	vld [tilespmem:s16+$0xA0]  }
0x3c: {  	v62 =	vadd.s32 v10, v30;
	[tilespmem:v60+s11+$0x0] =	vst.idx.msk $0xffff, v33;
	v31 =	vld [tilespmem:s16+$0xFFFFFF10]  }
0x3d: {  	v63 =	vadd.s32 v2, v25;
	[tilespmem:v61+s11+$0x0] =	vst.idx.msk $0xffff, v35;
	v33 =	vld [tilespmem:s15+$0x20]  }
0x3e: {  	v40 =	vadd.s32 v2, v26;
	v35 =	vld [tilespmem:s15+$0xFFFFFE90];
	_ =	sdelay $0x1  }
0x3f: {  	[tilespmem:v28+s11+$0x0] =	vst.idx.msk $0xffff, v27  }
0x40: {  	[tilespmem:v62+s11+$0x0] =	vst.idx.msk $0xffff, v31;
	v28 =	vadd.s32 v11, v29;
	v27 =	vld [tilespmem:s16+$0xB0]  }
0x41: {  	v41 =	vadd.s32 v11, v30;
	[tilespmem:v63+s11+$0x0] =	vst.idx.msk $0xffff, v33;
	v31 =	vld [tilespmem:s16+$0xFFFFFF20]  }
0x42: {  	v42 =	vadd.s32 v3, v25;
	[tilespmem:v40+s11+$0x0] =	vst.idx.msk $0xffff, v35;
	v33 =	vld [tilespmem:s15+$0x30]  }
0x43: {  	v43 =	vadd.s32 v3, v26;
	v35 =	vld [tilespmem:s15+$0xFFFFFEA0];
	_ =	sdelay $0x1  }
0x44: {  	[tilespmem:v28+s11+$0x0] =	vst.idx.msk $0xffff, v27  }
0x45: {  	[tilespmem:v41+s11+$0x0] =	vst.idx.msk $0xffff, v31;
	v28 =	vadd.s32 v12, v29;
	v27 =	vld [tilespmem:s16+$0xC0]  }
0x46: {  	v44 =	vadd.s32 v12, v30;
	[tilespmem:v42+s11+$0x0] =	vst.idx.msk $0xffff, v33;
	v31 =	vld [tilespmem:s16+$0xFFFFFF30]  }
0x47: {  	v45 =	vadd.s32 v4, v25;
	[tilespmem:v43+s11+$0x0] =	vst.idx.msk $0xffff, v35;
	v33 =	vld [tilespmem:s15+$0x40]  }
0x48: {  	v46 =	vadd.s32 v4, v26;
	v35 =	vld [tilespmem:s15+$0xFFFFFEB0];
	_ =	sdelay $0x1  }
0x49: {  	[tilespmem:v28+s11+$0x0] =	vst.idx.msk $0xffff, v27  }
0x4a: {  	[tilespmem:v44+s11+$0x0] =	vst.idx.msk $0xffff, v31;
	v28 =	vadd.s32 v13, v29;
	v27 =	vld [tilespmem:s16+$0xD0]  }
0x4b: {  	v47 =	vadd.s32 v13, v30;
	[tilespmem:v45+s11+$0x0] =	vst.idx.msk $0xffff, v33;
	v31 =	vld [tilespmem:s16+$0xFFFFFF40]  }
0x4c: {  	v48 =	vadd.s32 v5, v25;
	[tilespmem:v46+s11+$0x0] =	vst.idx.msk $0xffff, v35;
	v33 =	vld [tilespmem:s15+$0x50]  }
0x4d: {  	v49 =	vadd.s32 v5, v26;
	v35 =	vld [tilespmem:s15+$0xFFFFFEC0];
	_ =	sdelay $0x1  }
0x4e: {  	[tilespmem:v28+s11+$0x0] =	vst.idx.msk $0xffff, v27  }
0x4f: {  	[tilespmem:v47+s11+$0x0] =	vst.idx.msk $0xffff, v31;
	v28 =	vadd.s32 v14, v29;
	v27 =	vld [tilespmem:s16+$0xE0]  }
0x50: {  	v50 =	vadd.s32 v14, v30;
	[tilespmem:v48+s11+$0x0] =	vst.idx.msk $0xffff, v33;
	v31 =	vld [tilespmem:s16+$0xFFFFFF50]  }
0x51: {  	v51 =	vadd.s32 v6, v25;
	[tilespmem:v49+s11+$0x0] =	vst.idx.msk $0xffff, v35;
	v33 =	vld [tilespmem:s15+$0x60]  }
0x52: {  	v52 =	vadd.s32 v6, v26;
	v35 =	vld [tilespmem:s15+$0xFFFFFED0];
	_ =	sdelay $0x1  }
0x53: {  	[tilespmem:v28+s11+$0x0] =	vst.idx.msk $0xffff, v27  }
0x54: {  	[tilespmem:v50+s11+$0x0] =	vst.idx.msk $0xffff, v31;
	v28 =	vadd.s32 v15, v29;
	v27 =	vld [tilespmem:s16+$0xF0]  }
0x55: {  	v53 =	vadd.s32 v15, v30;
	[tilespmem:v51+s11+$0x0] =	vst.idx.msk $0xffff, v33;
	v31 =	vld [tilespmem:s16+$0xFFFFFF60]  }
0x56: {  	v54 =	vadd.s32 v7, v25;
	[tilespmem:v52+s11+$0x0] =	vst.idx.msk $0xffff, v35;
	v33 =	vld [tilespmem:s15+$0x70]  }
0x57: {  	v55 =	vadd.s32 v7, v26;
	v35 =	vld [tilespmem:s15+$0xFFFFFEE0];
	_ =	sdelay $0x1  }
0x58: {  	[tilespmem:v28+s11+$0x0] =	vst.idx.msk $0xffff, v27  }
0x59: {  	v56 =	vadd.s32 v16, v29;
	[tilespmem:v53+s11+$0x0] =	vst.idx.msk $0xffff, v31;
	v31 =	vld [tilespmem:s16+$0x100]  }
0x5a: {  	s31 =	simm.s32 $0x5;
	v58 =	vadd.s32 v16, v30;
	[tilespmem:v54+s11+$0x0] =	vst.idx.msk $0xffff, v33;
	v57 =	vld [tilespmem:s16+$0xFFFFFF70]  }
0x5b: {  	s18 =	simm.s32 $0x4;
	v60 =	vadd.s32 v8, v25;
	v27 =	vmov s31;
	[tilespmem:v55+s11+$0x0] =	vst.idx.msk $0xffff, v35;
	v59 =	vld [tilespmem:s15+$0x80]  }
0x5c: {  	s17 =	simm.s32 $0x7D0;
	v38 =	vadd.s32 v8, v26;
	v28 =	vmov s18;
	v27 =	vand.u32 $0x3F, v27;
	v37 =	vld [tilespmem:s15+$0xFFFFFEF0]  }
0x5d: {  	v39 =	vld [tilespmem:s17+$0x0];
	v28 =	vand.u32 $0x3E, v28;
	v40 =	vadd.s32 v0, v27  }
0x5e: {  	v41 =	vld [tilespmem:s17+$0xFFFFFE70];
	v42 =	vadd.s32 v0, v28;
	[tilespmem:v56+s11+$0x0] =	vst.idx.msk $0xffff, v31  }
0x5f: {  	v61 =	vadd.s32 v17, v29;
	[tilespmem:v58+s11+$0x0] =	vst.idx.msk $0xffff, v57;
	v31 =	vld [tilespmem:s16+$0x110]  }
0x60: {  	v62 =	vadd.s32 v17, v30;
	[tilespmem:v60+s11+$0x0] =	vst.idx.msk $0xffff, v59;
	v33 =	vld [tilespmem:s16+$0xFFFFFF80]  }
0x61: {  	v63 =	vadd.s32 v9, v25;
	[tilespmem:v38+s11+$0x0] =	vst.idx.msk $0xffff, v37;
	v35 =	vld [tilespmem:s15+$0x90]  }
0x62: {  	v45 =	vadd.s32 v9, v26;
	[tilespmem:v40+s11+$0x0] =	vst.idx.msk $0xffff, v39;
	v37 =	vld [tilespmem:s15+$0xFFFFFF00]  }
0x63: {  	v46 =	vadd.s32 v1, v27;
	[tilespmem:v42+s11+$0x0] =	vst.idx.msk $0xffff, v41;
	v39 =	vld [tilespmem:s17+$0x10]  }
0x64: {  	v47 =	vadd.s32 v1, v28;
	v41 =	vld [tilespmem:s17+$0xFFFFFE80];
	[tilespmem:v61+s11+$0x0] =	vst.idx.msk $0xffff, v31  }
0x65: {  	v48 =	vadd.s32 v18, v29;
	[tilespmem:v62+s11+$0x0] =	vst.idx.msk $0xffff, v33;
	v31 =	vld [tilespmem:s16+$0x120]  }
0x66: {  	v49 =	vadd.s32 v18, v30;
	[tilespmem:v63+s11+$0x0] =	vst.idx.msk $0xffff, v35;
	v33 =	vld [tilespmem:s16+$0xFFFFFF90]  }
0x67: {  	v50 =	vadd.s32 v10, v25;
	[tilespmem:v45+s11+$0x0] =	vst.idx.msk $0xffff, v37;
	v35 =	vld [tilespmem:s15+$0xA0]  }
0x68: {  	v51 =	vadd.s32 v10, v26;
	[tilespmem:v46+s11+$0x0] =	vst.idx.msk $0xffff, v39;
	v37 =	vld [tilespmem:s15+$0xFFFFFF10]  }
0x69: {  	v52 =	vadd.s32 v2, v27;
	[tilespmem:v47+s11+$0x0] =	vst.idx.msk $0xffff, v41;
	v39 =	vld [tilespmem:s17+$0x20]  }
0x6a: {  	v53 =	vadd.s32 v2, v28;
	v41 =	vld [tilespmem:s17+$0xFFFFFE90];
	[tilespmem:v48+s11+$0x0] =	vst.idx.msk $0xffff, v31  }
0x6b: {  	v54 =	vadd.s32 v19, v29;
	[tilespmem:v49+s11+$0x0] =	vst.idx.msk $0xffff, v33;
	v31 =	vld [tilespmem:s16+$0x130]  }
0x6c: {  	v55 =	vadd.s32 v19, v30;
	[tilespmem:v50+s11+$0x0] =	vst.idx.msk $0xffff, v35;
	v33 =	vld [tilespmem:s16+$0xFFFFFFA0]  }
0x6d: {  	v56 =	vadd.s32 v11, v25;
	[tilespmem:v51+s11+$0x0] =	vst.idx.msk $0xffff, v37;
	v35 =	vld [tilespmem:s15+$0xB0]  }
0x6e: {  	v57 =	vadd.s32 v11, v26;
	[tilespmem:v52+s11+$0x0] =	vst.idx.msk $0xffff, v39;
	v37 =	vld [tilespmem:s15+$0xFFFFFF20]  }
0x6f: {  	v58 =	vadd.s32 v3, v27;
	[tilespmem:v53+s11+$0x0] =	vst.idx.msk $0xffff, v41;
	v39 =	vld [tilespmem:s17+$0x30]  }
0x70: {  	v59 =	vadd.s32 v3, v28;
	v41 =	vld [tilespmem:s17+$0xFFFFFEA0];
	[tilespmem:v54+s11+$0x0] =	vst.idx.msk $0xffff, v31  }
0x71: {  	v60 =	vadd.s32 v20, v29;
	[tilespmem:v55+s11+$0x0] =	vst.idx.msk $0xffff, v33;
	v31 =	vld [tilespmem:s16+$0x140]  }
0x72: {  	v61 =	vadd.s32 v20, v30;
	[tilespmem:v56+s11+$0x0] =	vst.idx.msk $0xffff, v35;
	v33 =	vld [tilespmem:s16+$0xFFFFFFB0]  }
0x73: {  	v62 =	vadd.s32 v12, v25;
	[tilespmem:v57+s11+$0x0] =	vst.idx.msk $0xffff, v37;
	v35 =	vld [tilespmem:s15+$0xC0]  }
0x74: {  	v63 =	vadd.s32 v12, v26;
	[tilespmem:v58+s11+$0x0] =	vst.idx.msk $0xffff, v39;
	v37 =	vld [tilespmem:s15+$0xFFFFFF30]  }
0x75: {  	v45 =	vadd.s32 v4, v27;
	[tilespmem:v59+s11+$0x0] =	vst.idx.msk $0xffff, v41;
	v39 =	vld [tilespmem:s17+$0x40]  }
0x76: {  	v46 =	vadd.s32 v4, v28;
	v41 =	vld [tilespmem:s17+$0xFFFFFEB0];
	[tilespmem:v60+s11+$0x0] =	vst.idx.msk $0xffff, v31  }
0x77: {  	v47 =	vadd.s32 v21, v29;
	[tilespmem:v61+s11+$0x0] =	vst.idx.msk $0xffff, v33;
	v31 =	vld [tilespmem:s16+$0x150]  }
0x78: {  	v48 =	vadd.s32 v21, v30;
	[tilespmem:v62+s11+$0x0] =	vst.idx.msk $0xffff, v35;
	v33 =	vld [tilespmem:s16+$0xFFFFFFC0]  }
0x79: {  	v49 =	vadd.s32 v13, v25;
	[tilespmem:v63+s11+$0x0] =	vst.idx.msk $0xffff, v37;
	v35 =	vld [tilespmem:s15+$0xD0]  }
0x7a: {  	v50 =	vadd.s32 v13, v26;
	[tilespmem:v45+s11+$0x0] =	vst.idx.msk $0xffff, v39;
	v37 =	vld [tilespmem:s15+$0xFFFFFF40]  }
0x7b: {  	v51 =	vadd.s32 v5, v27;
	[tilespmem:v46+s11+$0x0] =	vst.idx.msk $0xffff, v41;
	v39 =	vld [tilespmem:s17+$0x50]  }
0x7c: {  	v52 =	vadd.s32 v5, v28;
	v41 =	vld [tilespmem:s17+$0xFFFFFEC0];
	[tilespmem:v47+s11+$0x0] =	vst.idx.msk $0xffff, v31  }
0x7d: {  	v53 =	vadd.s32 v22, v29;
	[tilespmem:v48+s11+$0x0] =	vst.idx.msk $0xffff, v33;
	v31 =	vld [tilespmem:s16+$0x160]  }
0x7e: {  	v54 =	vadd.s32 v22, v30;
	[tilespmem:v49+s11+$0x0] =	vst.idx.msk $0xffff, v35;
	v33 =	vld [tilespmem:s16+$0xFFFFFFD0]  }
0x7f: {  	v55 =	vadd.s32 v14, v25;
	[tilespmem:v50+s11+$0x0] =	vst.idx.msk $0xffff, v37;
	v35 =	vld [tilespmem:s15+$0xE0]  }
0x80: {  	v56 =	vadd.s32 v14, v26;
	[tilespmem:v51+s11+$0x0] =	vst.idx.msk $0xffff, v39;
	v37 =	vld [tilespmem:s15+$0xFFFFFF50]  }
0x81: {  	v57 =	vadd.s32 v6, v27;
	[tilespmem:v52+s11+$0x0] =	vst.idx.msk $0xffff, v41;
	v39 =	vld [tilespmem:s17+$0x60]  }
0x82: {  	v58 =	vadd.s32 v6, v28;
	v41 =	vld [tilespmem:s17+$0xFFFFFED0];
	[tilespmem:v53+s11+$0x0] =	vst.idx.msk $0xffff, v31  }
0x83: {  	v59 =	vadd.s32 v23, v29;
	[tilespmem:v54+s11+$0x0] =	vst.idx.msk $0xffff, v33;
	v31 =	vld [tilespmem:s16+$0x170]  }
0x84: {  	v60 =	vadd.s32 v23, v30;
	[tilespmem:v55+s11+$0x0] =	vst.idx.msk $0xffff, v35;
	v33 =	vld [tilespmem:s16+$0xFFFFFFE0]  }
0x85: {  	v61 =	vadd.s32 v15, v25;
	[tilespmem:v56+s11+$0x0] =	vst.idx.msk $0xffff, v37;
	v35 =	vld [tilespmem:s15+$0xF0]  }
0x86: {  	v43 =	vadd.s32 v15, v26;
	[tilespmem:v57+s11+$0x0] =	vst.idx.msk $0xffff, v39;
	v38 =	vld [tilespmem:s15+$0xFFFFFF60]  }
0x87: {  	v63 =	vadd.s32 v7, v27;
	[tilespmem:v58+s11+$0x0] =	vst.idx.msk $0xffff, v41;
	v62 =	vld [tilespmem:s17+$0x70]  }
0x88: {  	v40 =	vadd.s32 v7, v28;
	v39 =	vld [tilespmem:s17+$0xFFFFFEE0];
	[tilespmem:v59+s11+$0x0] =	vst.idx.msk $0xffff, v31  }
0x89: {  	v37 =	vadd.s32 v24, v29;
	[tilespmem:v60+s11+$0x0] =	vst.idx.msk $0xffff, v33;
	v32 =	vld [tilespmem:s16+$0x180]  }
0x8a: {  	[tilespmem:v61+s11+$0x0] =	vst.idx.msk $0xffff, v35;
	v33 =	vld [tilespmem:s16+$0xFFFFFFF0];
	v35 =	vadd.s32 v24, v30  }
0x8b: {  	s20 =	simm.s32 $0x7;
	v34 =	vadd.s32 v16, v25;
	[tilespmem:v43+s11+$0x0] =	vst.idx.msk $0xffff, v38;
	v31 =	vld [tilespmem:s15+$0x100]  }
0x8c: {  	s19 =	simm.s32 $0x8;
	s18 =	simm.s32 $0x6;
	[tilespmem:v63+s11+$0x0] =	vst.idx.msk $0xffff, v62;
	v38 =	vadd.s32 v16, v26;
	s16 =	simm.s32 $0x7D0;
	v36 =	vld [tilespmem:s15+$0xFFFFFF70]  }
.LBB2_3:
0x8d: {  	p1 =	slt.u32 s19, $0x3E;
	v29 =	vmov s20;
	[tilespmem:v40+s11+$0x0] =	vst.idx.msk $0xffff, v39;
	v39 =	vld [tilespmem:s17+$0x80];
	v40 =	vadd.s32 v8, v27  }
0x8e: {  	v30 =	vmov s18;
	v42 =	vadd.s32 v8, v28;
	s17 =	sadd.s32 $0x320, s17;
	s18 =	smov.u32 s19;
	v29 =	vand.u32 $0x3F, v29;
	v41 =	vld [tilespmem:s16+$0xFFFFFEF0];
	[tilespmem:v37+s11+$0x0] =	vst.idx.msk $0xffff, v32  }
0x8f: {  	v30 =	vand.u32 $0x3E, v30;
	v32 =	vld [tilespmem:s17+$0x0];
	v37 =	vadd.s32 v0, v29;
	[tilespmem:v35+s11+$0x0] =	vst.idx.msk $0xffff, v33  }
0x90: {  	v35 =	vadd.s32 v0, v30;
	v33 =	vld [tilespmem:s17+$0xFFFFFE70];
	[tilespmem:v34+s11+$0x0] =	vst.idx.msk $0xffff, v31  }
0x91: {  	v34 =	vadd.s32 v17, v25;
	[tilespmem:v38+s11+$0x0] =	vst.idx.msk $0xffff, v36;
	v31 =	vld [tilespmem:s15+$0x110]  }
0x92: {  	v38 =	vadd.s32 v17, v26;
	[tilespmem:v40+s11+$0x0] =	vst.idx.msk $0xffff, v39;
	v36 =	vld [tilespmem:s15+$0xFFFFFF80]  }
0x93: {  	v40 =	vadd.s32 v9, v27;
	[tilespmem:v42+s11+$0x0] =	vst.idx.msk $0xffff, v41;
	v39 =	vld [tilespmem:s16+$0x90]  }
0x94: {  	[tilespmem:v37+s11+$0x0] =	vst.idx.msk $0xffff, v32;
	v32 =	vld [tilespmem:s16+$0xFFFFFF00];
	v37 =	vadd.s32 v9, v28  }
0x95: {  	[tilespmem:v35+s11+$0x0] =	vst.idx.msk $0xffff, v33;
	v33 =	vld [tilespmem:s17+$0x10];
	v35 =	vadd.s32 v1, v29  }
0x96: {  	v42 =	vadd.s32 v1, v30;
	v41 =	vld [tilespmem:s17+$0xFFFFFE80];
	[tilespmem:v34+s11+$0x0] =	vst.idx.msk $0xffff, v31  }
0x97: {  	v34 =	vadd.s32 v18, v25;
	[tilespmem:v38+s11+$0x0] =	vst.idx.msk $0xffff, v36;
	v31 =	vld [tilespmem:s15+$0x120]  }
0x98: {  	v38 =	vadd.s32 v18, v26;
	[tilespmem:v40+s11+$0x0] =	vst.idx.msk $0xffff, v39;
	v36 =	vld [tilespmem:s15+$0xFFFFFF90]  }
0x99: {  	[tilespmem:v37+s11+$0x0] =	vst.idx.msk $0xffff, v32;
	v32 =	vld [tilespmem:s16+$0xA0];
	v37 =	vadd.s32 v10, v27  }
0x9a: {  	[tilespmem:v35+s11+$0x0] =	vst.idx.msk $0xffff, v33;
	v33 =	vld [tilespmem:s16+$0xFFFFFF10];
	v35 =	vadd.s32 v10, v28  }
0x9b: {  	v40 =	vadd.s32 v2, v29;
	[tilespmem:v42+s11+$0x0] =	vst.idx.msk $0xffff, v41;
	v39 =	vld [tilespmem:s17+$0x20]  }
0x9c: {  	v42 =	vadd.s32 v2, v30;
	v41 =	vld [tilespmem:s17+$0xFFFFFE90];
	[tilespmem:v34+s11+$0x0] =	vst.idx.msk $0xffff, v31  }
0x9d: {  	v34 =	vadd.s32 v19, v25;
	[tilespmem:v38+s11+$0x0] =	vst.idx.msk $0xffff, v36;
	v31 =	vld [tilespmem:s15+$0x130]  }
0x9e: {  	v36 =	vadd.s32 v19, v26;
	[tilespmem:v37+s11+$0x0] =	vst.idx.msk $0xffff, v32;
	v32 =	vld [tilespmem:s15+$0xFFFFFFA0]  }
0x9f: {  	[tilespmem:v35+s11+$0x0] =	vst.idx.msk $0xffff, v33;
	v33 =	vld [tilespmem:s16+$0xB0];
	v35 =	vadd.s32 v11, v27  }
0xa0: {  	v38 =	vadd.s32 v11, v28;
	[tilespmem:v40+s11+$0x0] =	vst.idx.msk $0xffff, v39;
	v37 =	vld [tilespmem:s16+$0xFFFFFF20]  }
0xa1: {  	v40 =	vadd.s32 v3, v29;
	[tilespmem:v42+s11+$0x0] =	vst.idx.msk $0xffff, v41;
	v39 =	vld [tilespmem:s17+$0x30]  }
0xa2: {  	v42 =	vadd.s32 v3, v30;
	v41 =	vld [tilespmem:s17+$0xFFFFFEA0];
	[tilespmem:v34+s11+$0x0] =	vst.idx.msk $0xffff, v31  }
0xa3: {  	[tilespmem:v36+s11+$0x0] =	vst.idx.msk $0xffff, v32;
	v31 =	vld [tilespmem:s15+$0x140];
	v32 =	vadd.s32 v20, v25  }
0xa4: {  	v34 =	vadd.s32 v20, v26;
	[tilespmem:v35+s11+$0x0] =	vst.idx.msk $0xffff, v33;
	v33 =	vld [tilespmem:s15+$0xFFFFFFB0]  }
0xa5: {  	v36 =	vadd.s32 v12, v27;
	[tilespmem:v38+s11+$0x0] =	vst.idx.msk $0xffff, v37;
	v35 =	vld [tilespmem:s16+$0xC0]  }
0xa6: {  	v38 =	vadd.s32 v12, v28;
	[tilespmem:v40+s11+$0x0] =	vst.idx.msk $0xffff, v39;
	v37 =	vld [tilespmem:s16+$0xFFFFFF30]  }
0xa7: {  	v40 =	vadd.s32 v4, v29;
	[tilespmem:v42+s11+$0x0] =	vst.idx.msk $0xffff, v41;
	v39 =	vld [tilespmem:s17+$0x40]  }
0xa8: {  	v42 =	vadd.s32 v4, v30;
	v41 =	vld [tilespmem:s17+$0xFFFFFEB0];
	[tilespmem:v32+s11+$0x0] =	vst.idx.msk $0xffff, v31  }
0xa9: {  	v32 =	vadd.s32 v21, v25;
	[tilespmem:v34+s11+$0x0] =	vst.idx.msk $0xffff, v33;
	v31 =	vld [tilespmem:s15+$0x150]  }
0xaa: {  	v34 =	vadd.s32 v21, v26;
	[tilespmem:v36+s11+$0x0] =	vst.idx.msk $0xffff, v35;
	v33 =	vld [tilespmem:s15+$0xFFFFFFC0]  }
0xab: {  	v36 =	vadd.s32 v13, v27;
	[tilespmem:v38+s11+$0x0] =	vst.idx.msk $0xffff, v37;
	v35 =	vld [tilespmem:s16+$0xD0]  }
0xac: {  	v38 =	vadd.s32 v13, v28;
	[tilespmem:v40+s11+$0x0] =	vst.idx.msk $0xffff, v39;
	v37 =	vld [tilespmem:s16+$0xFFFFFF40]  }
0xad: {  	v40 =	vadd.s32 v5, v29;
	[tilespmem:v42+s11+$0x0] =	vst.idx.msk $0xffff, v41;
	v39 =	vld [tilespmem:s17+$0x50]  }
0xae: {  	v42 =	vadd.s32 v5, v30;
	v41 =	vld [tilespmem:s17+$0xFFFFFEC0];
	[tilespmem:v32+s11+$0x0] =	vst.idx.msk $0xffff, v31  }
0xaf: {  	v32 =	vadd.s32 v22, v25;
	[tilespmem:v34+s11+$0x0] =	vst.idx.msk $0xffff, v33;
	v31 =	vld [tilespmem:s15+$0x160]  }
0xb0: {  	v34 =	vadd.s32 v22, v26;
	[tilespmem:v36+s11+$0x0] =	vst.idx.msk $0xffff, v35;
	v33 =	vld [tilespmem:s15+$0xFFFFFFD0]  }
0xb1: {  	v36 =	vadd.s32 v14, v27;
	[tilespmem:v38+s11+$0x0] =	vst.idx.msk $0xffff, v37;
	v35 =	vld [tilespmem:s16+$0xE0]  }
0xb2: {  	v38 =	vadd.s32 v14, v28;
	[tilespmem:v40+s11+$0x0] =	vst.idx.msk $0xffff, v39;
	v37 =	vld [tilespmem:s16+$0xFFFFFF50]  }
0xb3: {  	v40 =	vadd.s32 v6, v29;
	[tilespmem:v42+s11+$0x0] =	vst.idx.msk $0xffff, v41;
	v39 =	vld [tilespmem:s17+$0x60]  }
0xb4: {  	v42 =	vadd.s32 v6, v30;
	v41 =	vld [tilespmem:s17+$0xFFFFFED0];
	[tilespmem:v32+s11+$0x0] =	vst.idx.msk $0xffff, v31  }
0xb5: {  	v32 =	vadd.s32 v23, v25;
	[tilespmem:v34+s11+$0x0] =	vst.idx.msk $0xffff, v33;
	v31 =	vld [tilespmem:s15+$0x170]  }
0xb6: {  	v34 =	vadd.s32 v23, v26;
	[tilespmem:v36+s11+$0x0] =	vst.idx.msk $0xffff, v35;
	v33 =	vld [tilespmem:s15+$0xFFFFFFE0]  }
0xb7: {  	v36 =	vadd.s32 v15, v27;
	[tilespmem:v38+s11+$0x0] =	vst.idx.msk $0xffff, v37;
	v35 =	vld [tilespmem:s16+$0xF0]  }
0xb8: {  	v43 =	vadd.s32 v15, v28;
	[tilespmem:v40+s11+$0x0] =	vst.idx.msk $0xffff, v39;
	v38 =	vld [tilespmem:s16+$0xFFFFFF60]  }
0xb9: {  	[tilespmem:v42+s11+$0x0] =	vst.idx.msk $0xffff, v41;
	v41 =	vld [tilespmem:s17+$0x70];
	v42 =	vadd.s32 v7, v29  }
.Ltmp2:
0xba: {  	v40 =	vadd.s32 v7, v30;
	v39 =	vld [tilespmem:s17+$0xFFFFFEE0];
	[tilespmem:v32+s11+$0x0] =	vst.idx.msk $0xffff, v31;
	(pc) =	sbr.rel @p1 .LBB2_3-.Ltmp2, $4  }
0xbb: {  	v37 =	vadd.s32 v24, v25;
	v25 =	vmov v27;
	v27 =	vmov v29;
	[tilespmem:v34+s11+$0x0] =	vst.idx.msk $0xffff, v33;
	v32 =	vld [tilespmem:s15+$0x180]  }
0xbc: {  	[tilespmem:v36+s11+$0x0] =	vst.idx.msk $0xffff, v35;
	v33 =	vld [tilespmem:s15+$0xFFFFFFF0];
	v35 =	vadd.s32 v24, v26;
	v26 =	vmov v28;
	v28 =	vmov v30;
	s15 =	smov.u32 s16;
	s16 =	smov.u32 s17  }
0xbd: {  	v34 =	vadd.s32 v16, v25;
	[tilespmem:v43+s11+$0x0] =	vst.idx.msk $0xffff, v38;
	v31 =	vld [tilespmem:s15+$0x100]  }
0xbe: {  	s19 =	sadd.s32 $0x2, s19;
	s20 =	sadd.s32 $0x1, s18;
	v38 =	vadd.s32 v16, v26;
	[tilespmem:v42+s11+$0x0] =	vst.idx.msk $0xffff, v41;
	v36 =	vld [tilespmem:s15+$0xFFFFFF70]  }
0xbf: {  	v29 =	vmov s20  }
0xc0: {  	v41 =	vmov s18;
	s31 =	sadd.s32 $0x320, s17;
	v30 =	vand.u32 $0x3F, v29  }
0xc1: {  	v29 =	vand.u32 $0x3E, v41;
	v62 =	vld [tilespmem:s31+$0x0];
	v42 =	vadd.s32 v0, v30  }
0xc2: {  	v43 =	vld [tilespmem:s31+$0xFFFFFE70];
	v44 =	vadd.s32 v0, v29;
	_ =	sdelay $0x3  }
0xc3: {  	[tilespmem:v42+s11+$0x0] =	vst.idx.msk $0xffff, v62  }
0xc4: {  	v63 =	vadd.s32 v1, v30;
	[tilespmem:v44+s11+$0x0] =	vst.idx.msk $0xffff, v43;
	v41 =	vld [tilespmem:s31+$0x10]  }
0xc5: {  	v48 =	vadd.s32 v1, v29;
	v43 =	vld [tilespmem:s31+$0xFFFFFE80];
	_ =	sdelay $0x3  }
0xc6: {  	[tilespmem:v63+s11+$0x0] =	vst.idx.msk $0xffff, v41  }
0xc7: {  	v49 =	vadd.s32 v2, v30;
	[tilespmem:v48+s11+$0x0] =	vst.idx.msk $0xffff, v43;
	v41 =	vld [tilespmem:s31+$0x20]  }
0xc8: {  	v50 =	vadd.s32 v2, v29;
	v43 =	vld [tilespmem:s31+$0xFFFFFE90];
	_ =	sdelay $0x3  }
0xc9: {  	[tilespmem:v49+s11+$0x0] =	vst.idx.msk $0xffff, v41  }
0xca: {  	v51 =	vadd.s32 v3, v30;
	[tilespmem:v50+s11+$0x0] =	vst.idx.msk $0xffff, v43;
	v41 =	vld [tilespmem:s31+$0x30]  }
0xcb: {  	v52 =	vadd.s32 v3, v29;
	v43 =	vld [tilespmem:s31+$0xFFFFFEA0];
	_ =	sdelay $0x3  }
0xcc: {  	[tilespmem:v51+s11+$0x0] =	vst.idx.msk $0xffff, v41  }
0xcd: {  	v53 =	vadd.s32 v4, v30;
	[tilespmem:v52+s11+$0x0] =	vst.idx.msk $0xffff, v43;
	v41 =	vld [tilespmem:s31+$0x40]  }
0xce: {  	v54 =	vadd.s32 v4, v29;
	v43 =	vld [tilespmem:s31+$0xFFFFFEB0];
	_ =	sdelay $0x3  }
0xcf: {  	[tilespmem:v53+s11+$0x0] =	vst.idx.msk $0xffff, v41  }
0xd0: {  	v55 =	vadd.s32 v5, v30;
	[tilespmem:v54+s11+$0x0] =	vst.idx.msk $0xffff, v43;
	v41 =	vld [tilespmem:s31+$0x50]  }
0xd1: {  	v56 =	vadd.s32 v5, v29;
	v43 =	vld [tilespmem:s31+$0xFFFFFEC0];
	_ =	sdelay $0x3  }
0xd2: {  	[tilespmem:v55+s11+$0x0] =	vst.idx.msk $0xffff, v41  }
0xd3: {  	v57 =	vadd.s32 v6, v30;
	[tilespmem:v56+s11+$0x0] =	vst.idx.msk $0xffff, v43;
	v41 =	vld [tilespmem:s31+$0x60]  }
0xd4: {  	v58 =	vadd.s32 v6, v29;
	v43 =	vld [tilespmem:s31+$0xFFFFFED0];
	_ =	sdelay $0x3  }
0xd5: {  	[tilespmem:v57+s11+$0x0] =	vst.idx.msk $0xffff, v41  }
0xd6: {  	v59 =	vadd.s32 v7, v30;
	[tilespmem:v58+s11+$0x0] =	vst.idx.msk $0xffff, v43;
	v41 =	vld [tilespmem:s31+$0x70]  }
0xd7: {  	v60 =	vadd.s32 v7, v29;
	v43 =	vld [tilespmem:s31+$0xFFFFFEE0];
	_ =	sdelay $0x2  }
0xd8: {  	[tilespmem:v40+s11+$0x0] =	vst.idx.msk $0xffff, v39;
	v61 =	vld [tilespmem:s17+$0x80];
	v62 =	vadd.s32 v8, v27  }
0xd9: {  	v46 =	vadd.s32 v8, v28;
	v45 =	vld [tilespmem:s16+$0xFFFFFEF0];
	[tilespmem:v59+s11+$0x0] =	vst.idx.msk $0xffff, v41  }
0xda: {  	v63 =	vadd.s32 v8, v30;
	[tilespmem:v60+s11+$0x0] =	vst.idx.msk $0xffff, v43;
	v41 =	vld [tilespmem:s31+$0x80]  }
0xdb: {  	v48 =	vadd.s32 v8, v29;
	v43 =	vld [tilespmem:s31+$0xFFFFFEF0];
	_ =	sdelay $0x1  }
0xdc: {  	[tilespmem:v62+s11+$0x0] =	vst.idx.msk $0xffff, v61  }
0xdd: {  	[tilespmem:v46+s11+$0x0] =	vst.idx.msk $0xffff, v45;
	v39 =	vld [tilespmem:s16+$0x90];
	v49 =	vadd.s32 v9, v27  }
0xde: {  	v45 =	vld [tilespmem:s16+$0xFFFFFF00];
	v50 =	vadd.s32 v9, v28;
	[tilespmem:v63+s11+$0x0] =	vst.idx.msk $0xffff, v41  }
0xdf: {  	v51 =	vadd.s32 v9, v30;
	[tilespmem:v48+s11+$0x0] =	vst.idx.msk $0xffff, v43;
	v41 =	vld [tilespmem:s31+$0x90]  }
0xe0: {  	v52 =	vadd.s32 v9, v29;
	v43 =	vld [tilespmem:s31+$0xFFFFFF00];
	_ =	sdelay $0x1  }
0xe1: {  	[tilespmem:v49+s11+$0x0] =	vst.idx.msk $0xffff, v39  }
0xe2: {  	[tilespmem:v50+s11+$0x0] =	vst.idx.msk $0xffff, v45;
	v39 =	vld [tilespmem:s16+$0xA0];
	v53 =	vadd.s32 v10, v27  }
0xe3: {  	v45 =	vld [tilespmem:s16+$0xFFFFFF10];
	v54 =	vadd.s32 v10, v28;
	[tilespmem:v51+s11+$0x0] =	vst.idx.msk $0xffff, v41  }
0xe4: {  	v55 =	vadd.s32 v10, v30;
	[tilespmem:v52+s11+$0x0] =	vst.idx.msk $0xffff, v43;
	v41 =	vld [tilespmem:s31+$0xA0]  }
0xe5: {  	v56 =	vadd.s32 v10, v29;
	v43 =	vld [tilespmem:s31+$0xFFFFFF10];
	_ =	sdelay $0x1  }
0xe6: {  	[tilespmem:v53+s11+$0x0] =	vst.idx.msk $0xffff, v39  }
0xe7: {  	[tilespmem:v54+s11+$0x0] =	vst.idx.msk $0xffff, v45;
	v39 =	vld [tilespmem:s16+$0xB0];
	v57 =	vadd.s32 v11, v27  }
0xe8: {  	v45 =	vld [tilespmem:s16+$0xFFFFFF20];
	v58 =	vadd.s32 v11, v28;
	[tilespmem:v55+s11+$0x0] =	vst.idx.msk $0xffff, v41  }
0xe9: {  	v59 =	vadd.s32 v11, v30;
	[tilespmem:v56+s11+$0x0] =	vst.idx.msk $0xffff, v43;
	v41 =	vld [tilespmem:s31+$0xB0]  }
0xea: {  	v60 =	vadd.s32 v11, v29;
	v43 =	vld [tilespmem:s31+$0xFFFFFF20];
	_ =	sdelay $0x1  }
0xeb: {  	[tilespmem:v57+s11+$0x0] =	vst.idx.msk $0xffff, v39  }
0xec: {  	v61 =	vadd.s32 v12, v27;
	[tilespmem:v58+s11+$0x0] =	vst.idx.msk $0xffff, v45;
	v39 =	vld [tilespmem:s16+$0xC0]  }
0xed: {  	v62 =	vadd.s32 v12, v28;
	v45 =	vld [tilespmem:s16+$0xFFFFFF30];
	[tilespmem:v59+s11+$0x0] =	vst.idx.msk $0xffff, v41  }
0xee: {  	v63 =	vadd.s32 v12, v30;
	[tilespmem:v60+s11+$0x0] =	vst.idx.msk $0xffff, v43;
	v41 =	vld [tilespmem:s31+$0xC0]  }
0xef: {  	v48 =	vadd.s32 v12, v29;
	v43 =	vld [tilespmem:s31+$0xFFFFFF30];
	_ =	sdelay $0x1  }
0xf0: {  	[tilespmem:v61+s11+$0x0] =	vst.idx.msk $0xffff, v39  }
0xf1: {  	v49 =	vadd.s32 v13, v27;
	[tilespmem:v62+s11+$0x0] =	vst.idx.msk $0xffff, v45;
	v39 =	vld [tilespmem:s16+$0xD0]  }
0xf2: {  	v50 =	vadd.s32 v13, v28;
	v45 =	vld [tilespmem:s16+$0xFFFFFF40];
	[tilespmem:v63+s11+$0x0] =	vst.idx.msk $0xffff, v41  }
0xf3: {  	v51 =	vadd.s32 v13, v30;
	[tilespmem:v48+s11+$0x0] =	vst.idx.msk $0xffff, v43;
	v41 =	vld [tilespmem:s31+$0xD0]  }
0xf4: {  	v52 =	vadd.s32 v13, v29;
	v43 =	vld [tilespmem:s31+$0xFFFFFF40];
	_ =	sdelay $0x1  }
0xf5: {  	[tilespmem:v49+s11+$0x0] =	vst.idx.msk $0xffff, v39  }
0xf6: {  	v53 =	vadd.s32 v14, v27;
	[tilespmem:v50+s11+$0x0] =	vst.idx.msk $0xffff, v45;
	v39 =	vld [tilespmem:s16+$0xE0]  }
0xf7: {  	v54 =	vadd.s32 v14, v28;
	v45 =	vld [tilespmem:s16+$0xFFFFFF50];
	[tilespmem:v51+s11+$0x0] =	vst.idx.msk $0xffff, v41  }
0xf8: {  	v55 =	vadd.s32 v14, v30;
	[tilespmem:v52+s11+$0x0] =	vst.idx.msk $0xffff, v43;
	v41 =	vld [tilespmem:s31+$0xE0]  }
0xf9: {  	v56 =	vadd.s32 v14, v29;
	v43 =	vld [tilespmem:s31+$0xFFFFFF50];
	_ =	sdelay $0x1  }
0xfa: {  	[tilespmem:v53+s11+$0x0] =	vst.idx.msk $0xffff, v39  }
0xfb: {  	v57 =	vadd.s32 v15, v27;
	[tilespmem:v54+s11+$0x0] =	vst.idx.msk $0xffff, v45;
	v39 =	vld [tilespmem:s16+$0xF0]  }
0xfc: {  	v58 =	vld [tilespmem:s16+$0xFFFFFF60];
	v59 =	vadd.s32 v15, v28;
	[tilespmem:v55+s11+$0x0] =	vst.idx.msk $0xffff, v41  }
0xfd: {  	v61 =	vadd.s32 v15, v30;
	[tilespmem:v56+s11+$0x0] =	vst.idx.msk $0xffff, v43;
	v60 =	vld [tilespmem:s31+$0xF0]  }
0xfe: {  	[tilespmem:v37+s11+$0x0] =	vst.idx.msk $0xffff, v32;
	v63 =	vadd.s32 v15, v29;
	v62 =	vld [tilespmem:s31+$0xFFFFFF60]  }
0xff: {  	[tilespmem:v35+s11+$0x0] =	vst.idx.msk $0xffff, v33  }
0x100: {  	[tilespmem:v57+s11+$0x0] =	vst.idx.msk $0xffff, v39  }
0x101: {  	v46 =	vadd.s32 v16, v27;
	v45 =	vld [tilespmem:s16+$0x100];
	[tilespmem:v59+s11+$0x0] =	vst.idx.msk $0xffff, v58  }
0x102: {  	v47 =	vld [tilespmem:s16+$0xFFFFFF70];
	v48 =	vadd.s32 v16, v28;
	[tilespmem:v61+s11+$0x0] =	vst.idx.msk $0xffff, v60  }
0x103: {  	v50 =	vadd.s32 v16, v30;
	[tilespmem:v63+s11+$0x0] =	vst.idx.msk $0xffff, v62;
	v49 =	vld [tilespmem:s31+$0x100]  }
0x104: {  	[tilespmem:v34+s11+$0x0] =	vst.idx.msk $0xffff, v31;
	v52 =	vadd.s32 v16, v29;
	v51 =	vld [tilespmem:s31+$0xFFFFFF70]  }
0x105: {  	[tilespmem:v38+s11+$0x0] =	vst.idx.msk $0xffff, v36;
	v53 =	vld [tilespmem:s15+$0x110];
	v54 =	vadd.s32 v17, v25  }
0x106: {  	[tilespmem:v46+s11+$0x0] =	vst.idx.msk $0xffff, v45;
	v55 =	vld [tilespmem:s15+$0xFFFFFF80];
	v56 =	vadd.s32 v17, v26  }
0x107: {  	v57 =	vadd.s32 v17, v27;
	v33 =	vld [tilespmem:s16+$0x110];
	[tilespmem:v48+s11+$0x0] =	vst.idx.msk $0xffff, v47  }
0x108: {  	v58 =	vadd.s32 v17, v28;
	v39 =	vld [tilespmem:s16+$0xFFFFFF80];
	[tilespmem:v50+s11+$0x0] =	vst.idx.msk $0xffff, v49  }
0x109: {  	v60 =	vadd.s32 v17, v30;
	[tilespmem:v52+s11+$0x0] =	vst.idx.msk $0xffff, v51;
	v59 =	vld [tilespmem:s31+$0x110]  }
0x10a: {  	[tilespmem:v54+s11+$0x0] =	vst.idx.msk $0xffff, v53;
	v61 =	vadd.s32 v17, v29;
	v34 =	vld [tilespmem:s31+$0xFFFFFF80]  }
0x10b: {  	[tilespmem:v56+s11+$0x0] =	vst.idx.msk $0xffff, v55;
	v62 =	vld [tilespmem:s15+$0x120];
	v63 =	vadd.s32 v18, v25  }
0x10c: {  	v45 =	vadd.s32 v18, v26;
	[tilespmem:v57+s11+$0x0] =	vst.idx.msk $0xffff, v33;
	v41 =	vld [tilespmem:s15+$0xFFFFFF90]  }
0x10d: {  	v46 =	vadd.s32 v18, v27;
	v33 =	vld [tilespmem:s16+$0x120];
	[tilespmem:v58+s11+$0x0] =	vst.idx.msk $0xffff, v39  }
0x10e: {  	v47 =	vadd.s32 v18, v28;
	v39 =	vld [tilespmem:s16+$0xFFFFFF90];
	[tilespmem:v60+s11+$0x0] =	vst.idx.msk $0xffff, v59  }
0x10f: {  	v48 =	vadd.s32 v18, v30;
	[tilespmem:v61+s11+$0x0] =	vst.idx.msk $0xffff, v34;
	v31 =	vld [tilespmem:s31+$0x120]  }
0x110: {  	[tilespmem:v63+s11+$0x0] =	vst.idx.msk $0xffff, v62;
	v49 =	vadd.s32 v18, v29;
	v34 =	vld [tilespmem:s31+$0xFFFFFF90]  }
0x111: {  	[tilespmem:v45+s11+$0x0] =	vst.idx.msk $0xffff, v41;
	v37 =	vld [tilespmem:s15+$0x130];
	v50 =	vadd.s32 v19, v25  }
0x112: {  	[tilespmem:v46+s11+$0x0] =	vst.idx.msk $0xffff, v33;
	v41 =	vld [tilespmem:s15+$0xFFFFFFA0];
	v51 =	vadd.s32 v19, v26  }
0x113: {  	v33 =	vld [tilespmem:s16+$0x130];
	[tilespmem:v47+s11+$0x0] =	vst.idx.msk $0xffff, v39;
	v52 =	vadd.s32 v19, v27  }
0x114: {  	v53 =	vadd.s32 v19, v28;
	v39 =	vld [tilespmem:s16+$0xFFFFFFA0];
	[tilespmem:v48+s11+$0x0] =	vst.idx.msk $0xffff, v31  }
0x115: {  	v54 =	vadd.s32 v19, v30;
	[tilespmem:v49+s11+$0x0] =	vst.idx.msk $0xffff, v34;
	v31 =	vld [tilespmem:s31+$0x130]  }
0x116: {  	v55 =	vadd.s32 v19, v29;
	[tilespmem:v50+s11+$0x0] =	vst.idx.msk $0xffff, v37;
	v34 =	vld [tilespmem:s31+$0xFFFFFFA0]  }
0x117: {  	v56 =	vadd.s32 v20, v25;
	[tilespmem:v51+s11+$0x0] =	vst.idx.msk $0xffff, v41;
	v37 =	vld [tilespmem:s15+$0x140]  }
0x118: {  	v57 =	vadd.s32 v20, v26;
	[tilespmem:v52+s11+$0x0] =	vst.idx.msk $0xffff, v33;
	v41 =	vld [tilespmem:s15+$0xFFFFFFB0]  }
0x119: {  	v58 =	vadd.s32 v20, v27;
	[tilespmem:v53+s11+$0x0] =	vst.idx.msk $0xffff, v39;
	v33 =	vld [tilespmem:s16+$0x140]  }
0x11a: {  	v39 =	vld [tilespmem:s16+$0xFFFFFFB0];
	v59 =	vadd.s32 v20, v28;
	[tilespmem:v54+s11+$0x0] =	vst.idx.msk $0xffff, v31  }
0x11b: {  	v60 =	vadd.s32 v20, v30;
	[tilespmem:v55+s11+$0x0] =	vst.idx.msk $0xffff, v34;
	v31 =	vld [tilespmem:s31+$0x140]  }
0x11c: {  	v61 =	vadd.s32 v20, v29;
	[tilespmem:v56+s11+$0x0] =	vst.idx.msk $0xffff, v37;
	v34 =	vld [tilespmem:s31+$0xFFFFFFB0]  }
0x11d: {  	v62 =	vadd.s32 v21, v25;
	[tilespmem:v57+s11+$0x0] =	vst.idx.msk $0xffff, v41;
	v37 =	vld [tilespmem:s15+$0x150]  }
0x11e: {  	v63 =	vadd.s32 v21, v26;
	[tilespmem:v58+s11+$0x0] =	vst.idx.msk $0xffff, v33;
	v41 =	vld [tilespmem:s15+$0xFFFFFFC0]  }
0x11f: {  	v45 =	vadd.s32 v21, v27;
	[tilespmem:v59+s11+$0x0] =	vst.idx.msk $0xffff, v39;
	v33 =	vld [tilespmem:s16+$0x150]  }
0x120: {  	v46 =	vadd.s32 v21, v28;
	v39 =	vld [tilespmem:s16+$0xFFFFFFC0];
	[tilespmem:v60+s11+$0x0] =	vst.idx.msk $0xffff, v31  }
0x121: {  	v47 =	vadd.s32 v21, v30;
	[tilespmem:v61+s11+$0x0] =	vst.idx.msk $0xffff, v34;
	v31 =	vld [tilespmem:s31+$0x150]  }
0x122: {  	v48 =	vadd.s32 v21, v29;
	[tilespmem:v62+s11+$0x0] =	vst.idx.msk $0xffff, v37;
	v34 =	vld [tilespmem:s31+$0xFFFFFFC0]  }
0x123: {  	v49 =	vadd.s32 v22, v25;
	[tilespmem:v63+s11+$0x0] =	vst.idx.msk $0xffff, v41;
	v37 =	vld [tilespmem:s15+$0x160]  }
0x124: {  	v50 =	vadd.s32 v22, v26;
	[tilespmem:v45+s11+$0x0] =	vst.idx.msk $0xffff, v33;
	v41 =	vld [tilespmem:s15+$0xFFFFFFD0]  }
0x125: {  	v51 =	vadd.s32 v22, v27;
	[tilespmem:v46+s11+$0x0] =	vst.idx.msk $0xffff, v39;
	v33 =	vld [tilespmem:s16+$0x160]  }
0x126: {  	v52 =	vadd.s32 v22, v28;
	v39 =	vld [tilespmem:s16+$0xFFFFFFD0];
	[tilespmem:v47+s11+$0x0] =	vst.idx.msk $0xffff, v31  }
0x127: {  	v53 =	vadd.s32 v22, v30;
	[tilespmem:v48+s11+$0x0] =	vst.idx.msk $0xffff, v34;
	v31 =	vld [tilespmem:s31+$0x160]  }
0x128: {  	v54 =	vadd.s32 v22, v29;
	[tilespmem:v49+s11+$0x0] =	vst.idx.msk $0xffff, v37;
	v34 =	vld [tilespmem:s31+$0xFFFFFFD0]  }
0x129: {  	v55 =	vadd.s32 v23, v25;
	[tilespmem:v50+s11+$0x0] =	vst.idx.msk $0xffff, v41;
	v37 =	vld [tilespmem:s15+$0x170]  }
0x12a: {  	v56 =	vadd.s32 v23, v26;
	[tilespmem:v51+s11+$0x0] =	vst.idx.msk $0xffff, v33;
	v41 =	vld [tilespmem:s15+$0xFFFFFFE0]  }
0x12b: {  	v57 =	vadd.s32 v23, v27;
	[tilespmem:v52+s11+$0x0] =	vst.idx.msk $0xffff, v39;
	v33 =	vld [tilespmem:s16+$0x170]  }
0x12c: {  	v58 =	vadd.s32 v23, v28;
	v39 =	vld [tilespmem:s16+$0xFFFFFFE0];
	[tilespmem:v53+s11+$0x0] =	vst.idx.msk $0xffff, v31  }
0x12d: {  	v59 =	vadd.s32 v23, v30;
	[tilespmem:v54+s11+$0x0] =	vst.idx.msk $0xffff, v34;
	v31 =	vld [tilespmem:s31+$0x170]  }
0x12e: {  	v60 =	vadd.s32 v23, v29;
	[tilespmem:v55+s11+$0x0] =	vst.idx.msk $0xffff, v37;
	v34 =	vld [tilespmem:s31+$0xFFFFFFE0]  }
0x12f: {  	v25 =	vadd.s32 v24, v25;
	[tilespmem:v56+s11+$0x0] =	vst.idx.msk $0xffff, v41;
	v37 =	vld [tilespmem:s15+$0x180]  }
0x130: {  	v26 =	vadd.s32 v24, v26;
	[tilespmem:v57+s11+$0x0] =	vst.idx.msk $0xffff, v33;
	v61 =	vld [tilespmem:s15+$0xFFFFFFF0]  }
0x131: {  	v27 =	vadd.s32 v24, v27;
	[tilespmem:v58+s11+$0x0] =	vst.idx.msk $0xffff, v39;
	v33 =	vld [tilespmem:s16+$0x180]  }
0x132: {  	v63 =	vadd.s32 v24, v28;
	v62 =	vld [tilespmem:s16+$0xFFFFFFF0];
	[tilespmem:v59+s11+$0x0] =	vst.idx.msk $0xffff, v31  }
0x133: {  	v30 =	vadd.s32 v24, v30;
	[tilespmem:v60+s11+$0x0] =	vst.idx.msk $0xffff, v34;
	v31 =	vld [tilespmem:s31+$0x180]  }
0x134: {  	v29 =	vadd.s32 v24, v29;
	[tilespmem:v25+s11+$0x0] =	vst.idx.msk $0xffff, v37;
	v25 =	vld [tilespmem:s31+$0xFFFFFFF0]  }
0x135: {  	[tilespmem:v26+s11+$0x0] =	vst.idx.msk $0xffff, v61  }
0x136: {  	s14 =	smul.u32 $0xC80, s14;
	[tilespmem:v27+s11+$0x0] =	vst.idx.msk $0xffff, v33  }
0x137: {  	[tilespmem:v63+s11+$0x0] =	vst.idx.msk $0xffff, v62  }
0x138: {  	s17 =	simm.s32 $0x6448;
	s14 =	sadd.s32 s5, s14;
	[tilespmem:v30+s11+$0x0] =	vst.idx.msk $0xffff, v31  }
0x139: {  	s18 =	sadd.s32 $0x0, s14;
	s15 =	simm.s32 $0x6400;
	s16 =	simm.s32 $0x8;
	[tilespmem:v29+s11+$0x0] =	vst.idx.msk $0xffff, v25  }
.LBB2_5:
0x13a: {  	[hbm4b:s18+s2] =	stream.linear.scatter [tilespmem:s15], [sflag:$0x1], $0x40, $0x38;
	[tilespmem:$0xD480] =	vst v63  }
0x13b: {  	s18 =	smov.u32 s16;
	s15 =	smov.u32 s17;
	p1 =	sne.s32 s16, $0xC78  }
.Ltmp3:
0x13c: {  	s16 =	sadd.s32 $0x8, s16;
	(pc) =	sbr.rel @p1 .LBB2_5-.Ltmp3, $2  }
0x13d: {  	_ =	sdelay $0x2  }
0x13e: {  	s17 =	sadd.s32 $0x48, s17;
	s18 =	sadd.s32 s18, s14  }
0x13f: {  	s13 =	sadd.s32 $0x1, s13  }
0x140: {  	p1 =	sne.s32 s13, $0x4E  }
.Ltmp4:
0x141: {  	_ = 	snop;
	(pc) =	sbr.rel @p1 .LBB2_2-.Ltmp4, $4  }
0x142: {  	[hbm4b:s18+s2] =	stream.linear.scatter [tilespmem:s15], [sflag:$0x1], $0x40, $0x38;
	[tilespmem:$0xD480] =	vst v63  }
0x143: {  	_ =	swait.ge [sflag:s10], $0x6400  }
0x144: {  	[sflag:s10] =	ssyncset.done $0x0  }
0x145: {  	[sflag:s10] =	ssyncadd.s32 $0xFFFF9C00  }
.Ltmp5:
0x146: {  	(pc) =	sbr.rel @p0 .LBB2_13-.Ltmp5, $1  }
0x147: {  	_ =	sdelay $0x3  }
0x148: {  	s14 =	simm.s32 $0x190;
	s13 =	simm.s32 $0x0  }
0x149: {  	[tilespmem:s13], [sflag:$0x1] =	stream.strided.gather [hbm4b:s6+s14], $0x6400, s9, s14, $0x38;
	[tilespmem:$0xD480] =	vst v63  }
0x14a: {  	s15 =	simm.s32 $0x1;
	_ =	swait.ge [sflag:s10], $0x6400  }
0x14b: {  	v25 =	vmov s15;
	[sflag:s10] =	ssyncset.done $0x0  }
0x14c: {  	v26 =	vmov s13;
	v29 =	vand.u32 $0x3F, v25;
	[sflag:s10] =	ssyncadd.s32 $0xFFFF9C00  }
0x14d: {  	v30 =	vand.u32 $0x3E, v26;
	v26 =	vadd.s32 v0, v29;
	v25 =	vld [tilespmem:s14+$0x0]  }
0x14e: {  	v28 =	vadd.s32 v0, v30;
	v27 =	vld [tilespmem:s14+$0xFFFFFE70];
	_ =	sdelay $0x3  }
0x14f: {  	[tilespmem:v26+s11+$0x0] =	vst.idx.msk $0xffff, v25  }
0x150: {  	[tilespmem:v28+s11+$0x0] =	vst.idx.msk $0xffff, v27;
	v26 =	vadd.s32 v1, v29;
	v25 =	vld [tilespmem:s14+$0x10]  }
0x151: {  	v28 =	vadd.s32 v1, v30;
	v27 =	vld [tilespmem:s14+$0xFFFFFE80];
	_ =	sdelay $0x3  }
0x152: {  	[tilespmem:v26+s11+$0x0] =	vst.idx.msk $0xffff, v25  }
0x153: {  	[tilespmem:v28+s11+$0x0] =	vst.idx.msk $0xffff, v27;
	v26 =	vadd.s32 v2, v29;
	v25 =	vld [tilespmem:s14+$0x20]  }
0x154: {  	v28 =	vadd.s32 v2, v30;
	v27 =	vld [tilespmem:s14+$0xFFFFFE90];
	_ =	sdelay $0x3  }
0x155: {  	[tilespmem:v26+s11+$0x0] =	vst.idx.msk $0xffff, v25  }
0x156: {  	[tilespmem:v28+s11+$0x0] =	vst.idx.msk $0xffff, v27;
	v26 =	vadd.s32 v3, v29;
	v25 =	vld [tilespmem:s14+$0x30]  }
0x157: {  	v28 =	vadd.s32 v3, v30;
	v27 =	vld [tilespmem:s14+$0xFFFFFEA0];
	_ =	sdelay $0x3  }
0x158: {  	[tilespmem:v26+s11+$0x0] =	vst.idx.msk $0xffff, v25  }
0x159: {  	[tilespmem:v28+s11+$0x0] =	vst.idx.msk $0xffff, v27;
	v26 =	vadd.s32 v4, v29;
	v25 =	vld [tilespmem:s14+$0x40]  }
0x15a: {  	v28 =	vadd.s32 v4, v30;
	v27 =	vld [tilespmem:s14+$0xFFFFFEB0];
	_ =	sdelay $0x3  }
0x15b: {  	[tilespmem:v26+s11+$0x0] =	vst.idx.msk $0xffff, v25  }
0x15c: {  	[tilespmem:v28+s11+$0x0] =	vst.idx.msk $0xffff, v27;
	v26 =	vadd.s32 v5, v29;
	v25 =	vld [tilespmem:s14+$0x50]  }
0x15d: {  	v28 =	vadd.s32 v5, v30;
	v27 =	vld [tilespmem:s14+$0xFFFFFEC0];
	_ =	sdelay $0x3  }
0x15e: {  	[tilespmem:v26+s11+$0x0] =	vst.idx.msk $0xffff, v25  }
0x15f: {  	[tilespmem:v28+s11+$0x0] =	vst.idx.msk $0xffff, v27;
	v26 =	vadd.s32 v6, v29;
	v25 =	vld [tilespmem:s14+$0x60]  }
0x160: {  	v28 =	vadd.s32 v6, v30;
	v27 =	vld [tilespmem:s14+$0xFFFFFED0];
	_ =	sdelay $0x3  }
0x161: {  	[tilespmem:v26+s11+$0x0] =	vst.idx.msk $0xffff, v25  }
0x162: {  	[tilespmem:v28+s11+$0x0] =	vst.idx.msk $0xffff, v27;
	v26 =	vadd.s32 v7, v29;
	v25 =	vld [tilespmem:s14+$0x70]  }
0x163: {  	v28 =	vadd.s32 v7, v30;
	v27 =	vld [tilespmem:s14+$0xFFFFFEE0];
	_ =	sdelay $0x3  }
0x164: {  	s29 =	simm.s32 $0x3;
	[tilespmem:v26+s11+$0x0] =	vst.idx.msk $0xffff, v25  }
0x165: {  	s30 =	simm.s32 $0x2;
	v25 =	vmov s29;
	[tilespmem:v28+s11+$0x0] =	vst.idx.msk $0xffff, v27;
	v28 =	vadd.s32 v8, v29;
	v27 =	vld [tilespmem:s14+$0x80]  }
0x166: {  	s13 =	simm.s32 $0x4B0;
	v32 =	vadd.s32 v8, v30;
	v26 =	vmov s30;
	v25 =	vand.u32 $0x3F, v25;
	v31 =	vld [tilespmem:s14+$0xFFFFFEF0]  }
0x167: {  	v33 =	vld [tilespmem:s13+$0x0];
	v26 =	vand.u32 $0x3E, v26;
	v34 =	vadd.s32 v0, v25  }
0x168: {  	v35 =	vld [tilespmem:s13+$0xFFFFFE70];
	v36 =	vadd.s32 v0, v26;
	_ =	sdelay $0x1  }
0x169: {  	[tilespmem:v28+s11+$0x0] =	vst.idx.msk $0xffff, v27  }
0x16a: {  	[tilespmem:v32+s11+$0x0] =	vst.idx.msk $0xffff, v31;
	v28 =	vadd.s32 v9, v29;
	v27 =	vld [tilespmem:s14+$0x90]  }
0x16b: {  	v59 =	vadd.s32 v9, v30;
	[tilespmem:v34+s11+$0x0] =	vst.idx.msk $0xffff, v33;
	v31 =	vld [tilespmem:s14+$0xFFFFFF00]  }
0x16c: {  	v60 =	vadd.s32 v1, v25;
	[tilespmem:v36+s11+$0x0] =	vst.idx.msk $0xffff, v35;
	v33 =	vld [tilespmem:s13+$0x10]  }
0x16d: {  	v61 =	vadd.s32 v1, v26;
	v35 =	vld [tilespmem:s13+$0xFFFFFE80];
	_ =	sdelay $0x1  }
0x16e: {  	[tilespmem:v28+s11+$0x0] =	vst.idx.msk $0xffff, v27  }
0x16f: {  	[tilespmem:v59+s11+$0x0] =	vst.idx.msk $0xffff, v31;
	v28 =	vadd.s32 v10, v29;
	v27 =	vld [tilespmem:s14+$0xA0]  }
0x170: {  	v62 =	vadd.s32 v10, v30;
	[tilespmem:v60+s11+$0x0] =	vst.idx.msk $0xffff, v33;
	v31 =	vld [tilespmem:s14+$0xFFFFFF10]  }
0x171: {  	v63 =	vadd.s32 v2, v25;
	[tilespmem:v61+s11+$0x0] =	vst.idx.msk $0xffff, v35;
	v33 =	vld [tilespmem:s13+$0x20]  }
0x172: {  	v40 =	vadd.s32 v2, v26;
	v35 =	vld [tilespmem:s13+$0xFFFFFE90];
	_ =	sdelay $0x1  }
0x173: {  	[tilespmem:v28+s11+$0x0] =	vst.idx.msk $0xffff, v27  }
0x174: {  	[tilespmem:v62+s11+$0x0] =	vst.idx.msk $0xffff, v31;
	v28 =	vadd.s32 v11, v29;
	v27 =	vld [tilespmem:s14+$0xB0]  }
0x175: {  	v41 =	vadd.s32 v11, v30;
	[tilespmem:v63+s11+$0x0] =	vst.idx.msk $0xffff, v33;
	v31 =	vld [tilespmem:s14+$0xFFFFFF20]  }
0x176: {  	v42 =	vadd.s32 v3, v25;
	[tilespmem:v40+s11+$0x0] =	vst.idx.msk $0xffff, v35;
	v33 =	vld [tilespmem:s13+$0x30]  }
0x177: {  	v43 =	vadd.s32 v3, v26;
	v35 =	vld [tilespmem:s13+$0xFFFFFEA0];
	_ =	sdelay $0x1  }
0x178: {  	[tilespmem:v28+s11+$0x0] =	vst.idx.msk $0xffff, v27  }
0x179: {  	[tilespmem:v41+s11+$0x0] =	vst.idx.msk $0xffff, v31;
	v28 =	vadd.s32 v12, v29;
	v27 =	vld [tilespmem:s14+$0xC0]  }
0x17a: {  	v44 =	vadd.s32 v12, v30;
	[tilespmem:v42+s11+$0x0] =	vst.idx.msk $0xffff, v33;
	v31 =	vld [tilespmem:s14+$0xFFFFFF30]  }
0x17b: {  	v45 =	vadd.s32 v4, v25;
	[tilespmem:v43+s11+$0x0] =	vst.idx.msk $0xffff, v35;
	v33 =	vld [tilespmem:s13+$0x40]  }
0x17c: {  	v46 =	vadd.s32 v4, v26;
	v35 =	vld [tilespmem:s13+$0xFFFFFEB0];
	_ =	sdelay $0x1  }
0x17d: {  	[tilespmem:v28+s11+$0x0] =	vst.idx.msk $0xffff, v27  }
0x17e: {  	[tilespmem:v44+s11+$0x0] =	vst.idx.msk $0xffff, v31;
	v28 =	vadd.s32 v13, v29;
	v27 =	vld [tilespmem:s14+$0xD0]  }
0x17f: {  	v47 =	vadd.s32 v13, v30;
	[tilespmem:v45+s11+$0x0] =	vst.idx.msk $0xffff, v33;
	v31 =	vld [tilespmem:s14+$0xFFFFFF40]  }
0x180: {  	v48 =	vadd.s32 v5, v25;
	[tilespmem:v46+s11+$0x0] =	vst.idx.msk $0xffff, v35;
	v33 =	vld [tilespmem:s13+$0x50]  }
0x181: {  	v49 =	vadd.s32 v5, v26;
	v35 =	vld [tilespmem:s13+$0xFFFFFEC0];
	_ =	sdelay $0x1  }
0x182: {  	[tilespmem:v28+s11+$0x0] =	vst.idx.msk $0xffff, v27  }
0x183: {  	[tilespmem:v47+s11+$0x0] =	vst.idx.msk $0xffff, v31;
	v28 =	vadd.s32 v14, v29;
	v27 =	vld [tilespmem:s14+$0xE0]  }
0x184: {  	v50 =	vadd.s32 v14, v30;
	[tilespmem:v48+s11+$0x0] =	vst.idx.msk $0xffff, v33;
	v31 =	vld [tilespmem:s14+$0xFFFFFF50]  }
0x185: {  	v51 =	vadd.s32 v6, v25;
	[tilespmem:v49+s11+$0x0] =	vst.idx.msk $0xffff, v35;
	v33 =	vld [tilespmem:s13+$0x60]  }
0x186: {  	v52 =	vadd.s32 v6, v26;
	v35 =	vld [tilespmem:s13+$0xFFFFFED0];
	_ =	sdelay $0x1  }
0x187: {  	[tilespmem:v28+s11+$0x0] =	vst.idx.msk $0xffff, v27  }
0x188: {  	[tilespmem:v50+s11+$0x0] =	vst.idx.msk $0xffff, v31;
	v28 =	vadd.s32 v15, v29;
	v27 =	vld [tilespmem:s14+$0xF0]  }
0x189: {  	v53 =	vadd.s32 v15, v30;
	[tilespmem:v51+s11+$0x0] =	vst.idx.msk $0xffff, v33;
	v31 =	vld [tilespmem:s14+$0xFFFFFF60]  }
0x18a: {  	v54 =	vadd.s32 v7, v25;
	[tilespmem:v52+s11+$0x0] =	vst.idx.msk $0xffff, v35;
	v33 =	vld [tilespmem:s13+$0x70]  }
0x18b: {  	v55 =	vadd.s32 v7, v26;
	v35 =	vld [tilespmem:s13+$0xFFFFFEE0];
	_ =	sdelay $0x1  }
0x18c: {  	[tilespmem:v28+s11+$0x0] =	vst.idx.msk $0xffff, v27  }
0x18d: {  	v56 =	vadd.s32 v16, v29;
	[tilespmem:v53+s11+$0x0] =	vst.idx.msk $0xffff, v31;
	v31 =	vld [tilespmem:s14+$0x100]  }
0x18e: {  	s31 =	simm.s32 $0x5;
	v58 =	vadd.s32 v16, v30;
	[tilespmem:v54+s11+$0x0] =	vst.idx.msk $0xffff, v33;
	v57 =	vld [tilespmem:s14+$0xFFFFFF70]  }
0x18f: {  	s16 =	simm.s32 $0x4;
	v60 =	vadd.s32 v8, v25;
	v27 =	vmov s31;
	[tilespmem:v55+s11+$0x0] =	vst.idx.msk $0xffff, v35;
	v59 =	vld [tilespmem:s13+$0x80]  }
0x190: {  	s15 =	simm.s32 $0x7D0;
	v38 =	vadd.s32 v8, v26;
	v28 =	vmov s16;
	v27 =	vand.u32 $0x3F, v27;
	v37 =	vld [tilespmem:s13+$0xFFFFFEF0]  }
0x191: {  	v39 =	vld [tilespmem:s15+$0x0];
	v28 =	vand.u32 $0x3E, v28;
	v40 =	vadd.s32 v0, v27  }
0x192: {  	v41 =	vld [tilespmem:s15+$0xFFFFFE70];
	v42 =	vadd.s32 v0, v28;
	[tilespmem:v56+s11+$0x0] =	vst.idx.msk $0xffff, v31  }
0x193: {  	v61 =	vadd.s32 v17, v29;
	[tilespmem:v58+s11+$0x0] =	vst.idx.msk $0xffff, v57;
	v31 =	vld [tilespmem:s14+$0x110]  }
0x194: {  	v62 =	vadd.s32 v17, v30;
	[tilespmem:v60+s11+$0x0] =	vst.idx.msk $0xffff, v59;
	v33 =	vld [tilespmem:s14+$0xFFFFFF80]  }
0x195: {  	v63 =	vadd.s32 v9, v25;
	[tilespmem:v38+s11+$0x0] =	vst.idx.msk $0xffff, v37;
	v35 =	vld [tilespmem:s13+$0x90]  }
0x196: {  	v45 =	vadd.s32 v9, v26;
	[tilespmem:v40+s11+$0x0] =	vst.idx.msk $0xffff, v39;
	v37 =	vld [tilespmem:s13+$0xFFFFFF00]  }
0x197: {  	v46 =	vadd.s32 v1, v27;
	[tilespmem:v42+s11+$0x0] =	vst.idx.msk $0xffff, v41;
	v39 =	vld [tilespmem:s15+$0x10]  }
0x198: {  	v47 =	vadd.s32 v1, v28;
	v41 =	vld [tilespmem:s15+$0xFFFFFE80];
	[tilespmem:v61+s11+$0x0] =	vst.idx.msk $0xffff, v31  }
0x199: {  	v48 =	vadd.s32 v18, v29;
	[tilespmem:v62+s11+$0x0] =	vst.idx.msk $0xffff, v33;
	v31 =	vld [tilespmem:s14+$0x120]  }
0x19a: {  	v49 =	vadd.s32 v18, v30;
	[tilespmem:v63+s11+$0x0] =	vst.idx.msk $0xffff, v35;
	v33 =	vld [tilespmem:s14+$0xFFFFFF90]  }
0x19b: {  	v50 =	vadd.s32 v10, v25;
	[tilespmem:v45+s11+$0x0] =	vst.idx.msk $0xffff, v37;
	v35 =	vld [tilespmem:s13+$0xA0]  }
0x19c: {  	v51 =	vadd.s32 v10, v26;
	[tilespmem:v46+s11+$0x0] =	vst.idx.msk $0xffff, v39;
	v37 =	vld [tilespmem:s13+$0xFFFFFF10]  }
0x19d: {  	v52 =	vadd.s32 v2, v27;
	[tilespmem:v47+s11+$0x0] =	vst.idx.msk $0xffff, v41;
	v39 =	vld [tilespmem:s15+$0x20]  }
0x19e: {  	v53 =	vadd.s32 v2, v28;
	v41 =	vld [tilespmem:s15+$0xFFFFFE90];
	[tilespmem:v48+s11+$0x0] =	vst.idx.msk $0xffff, v31  }
0x19f: {  	v54 =	vadd.s32 v19, v29;
	[tilespmem:v49+s11+$0x0] =	vst.idx.msk $0xffff, v33;
	v31 =	vld [tilespmem:s14+$0x130]  }
0x1a0: {  	v55 =	vadd.s32 v19, v30;
	[tilespmem:v50+s11+$0x0] =	vst.idx.msk $0xffff, v35;
	v33 =	vld [tilespmem:s14+$0xFFFFFFA0]  }
0x1a1: {  	v56 =	vadd.s32 v11, v25;
	[tilespmem:v51+s11+$0x0] =	vst.idx.msk $0xffff, v37;
	v35 =	vld [tilespmem:s13+$0xB0]  }
0x1a2: {  	v57 =	vadd.s32 v11, v26;
	[tilespmem:v52+s11+$0x0] =	vst.idx.msk $0xffff, v39;
	v37 =	vld [tilespmem:s13+$0xFFFFFF20]  }
0x1a3: {  	v58 =	vadd.s32 v3, v27;
	[tilespmem:v53+s11+$0x0] =	vst.idx.msk $0xffff, v41;
	v39 =	vld [tilespmem:s15+$0x30]  }
0x1a4: {  	v59 =	vadd.s32 v3, v28;
	v41 =	vld [tilespmem:s15+$0xFFFFFEA0];
	[tilespmem:v54+s11+$0x0] =	vst.idx.msk $0xffff, v31  }
0x1a5: {  	v60 =	vadd.s32 v20, v29;
	[tilespmem:v55+s11+$0x0] =	vst.idx.msk $0xffff, v33;
	v31 =	vld [tilespmem:s14+$0x140]  }
0x1a6: {  	v61 =	vadd.s32 v20, v30;
	[tilespmem:v56+s11+$0x0] =	vst.idx.msk $0xffff, v35;
	v33 =	vld [tilespmem:s14+$0xFFFFFFB0]  }
0x1a7: {  	v62 =	vadd.s32 v12, v25;
	[tilespmem:v57+s11+$0x0] =	vst.idx.msk $0xffff, v37;
	v35 =	vld [tilespmem:s13+$0xC0]  }
0x1a8: {  	v63 =	vadd.s32 v12, v26;
	[tilespmem:v58+s11+$0x0] =	vst.idx.msk $0xffff, v39;
	v37 =	vld [tilespmem:s13+$0xFFFFFF30]  }
0x1a9: {  	v45 =	vadd.s32 v4, v27;
	[tilespmem:v59+s11+$0x0] =	vst.idx.msk $0xffff, v41;
	v39 =	vld [tilespmem:s15+$0x40]  }
0x1aa: {  	v46 =	vadd.s32 v4, v28;
	v41 =	vld [tilespmem:s15+$0xFFFFFEB0];
	[tilespmem:v60+s11+$0x0] =	vst.idx.msk $0xffff, v31  }
0x1ab: {  	v47 =	vadd.s32 v21, v29;
	[tilespmem:v61+s11+$0x0] =	vst.idx.msk $0xffff, v33;
	v31 =	vld [tilespmem:s14+$0x150]  }
0x1ac: {  	v48 =	vadd.s32 v21, v30;
	[tilespmem:v62+s11+$0x0] =	vst.idx.msk $0xffff, v35;
	v33 =	vld [tilespmem:s14+$0xFFFFFFC0]  }
0x1ad: {  	v49 =	vadd.s32 v13, v25;
	[tilespmem:v63+s11+$0x0] =	vst.idx.msk $0xffff, v37;
	v35 =	vld [tilespmem:s13+$0xD0]  }
0x1ae: {  	v50 =	vadd.s32 v13, v26;
	[tilespmem:v45+s11+$0x0] =	vst.idx.msk $0xffff, v39;
	v37 =	vld [tilespmem:s13+$0xFFFFFF40]  }
0x1af: {  	v51 =	vadd.s32 v5, v27;
	[tilespmem:v46+s11+$0x0] =	vst.idx.msk $0xffff, v41;
	v39 =	vld [tilespmem:s15+$0x50]  }
0x1b0: {  	v52 =	vadd.s32 v5, v28;
	v41 =	vld [tilespmem:s15+$0xFFFFFEC0];
	[tilespmem:v47+s11+$0x0] =	vst.idx.msk $0xffff, v31  }
0x1b1: {  	v53 =	vadd.s32 v22, v29;
	[tilespmem:v48+s11+$0x0] =	vst.idx.msk $0xffff, v33;
	v31 =	vld [tilespmem:s14+$0x160]  }
0x1b2: {  	v54 =	vadd.s32 v22, v30;
	[tilespmem:v49+s11+$0x0] =	vst.idx.msk $0xffff, v35;
	v33 =	vld [tilespmem:s14+$0xFFFFFFD0]  }
0x1b3: {  	v55 =	vadd.s32 v14, v25;
	[tilespmem:v50+s11+$0x0] =	vst.idx.msk $0xffff, v37;
	v35 =	vld [tilespmem:s13+$0xE0]  }
0x1b4: {  	v56 =	vadd.s32 v14, v26;
	[tilespmem:v51+s11+$0x0] =	vst.idx.msk $0xffff, v39;
	v37 =	vld [tilespmem:s13+$0xFFFFFF50]  }
0x1b5: {  	v57 =	vadd.s32 v6, v27;
	[tilespmem:v52+s11+$0x0] =	vst.idx.msk $0xffff, v41;
	v39 =	vld [tilespmem:s15+$0x60]  }
0x1b6: {  	v58 =	vadd.s32 v6, v28;
	v41 =	vld [tilespmem:s15+$0xFFFFFED0];
	[tilespmem:v53+s11+$0x0] =	vst.idx.msk $0xffff, v31  }
0x1b7: {  	v59 =	vadd.s32 v23, v29;
	[tilespmem:v54+s11+$0x0] =	vst.idx.msk $0xffff, v33;
	v31 =	vld [tilespmem:s14+$0x170]  }
0x1b8: {  	v60 =	vadd.s32 v23, v30;
	[tilespmem:v55+s11+$0x0] =	vst.idx.msk $0xffff, v35;
	v33 =	vld [tilespmem:s14+$0xFFFFFFE0]  }
0x1b9: {  	v61 =	vadd.s32 v15, v25;
	[tilespmem:v56+s11+$0x0] =	vst.idx.msk $0xffff, v37;
	v35 =	vld [tilespmem:s13+$0xF0]  }
0x1ba: {  	v43 =	vadd.s32 v15, v26;
	[tilespmem:v57+s11+$0x0] =	vst.idx.msk $0xffff, v39;
	v38 =	vld [tilespmem:s13+$0xFFFFFF60]  }
0x1bb: {  	v63 =	vadd.s32 v7, v27;
	[tilespmem:v58+s11+$0x0] =	vst.idx.msk $0xffff, v41;
	v62 =	vld [tilespmem:s15+$0x70]  }
0x1bc: {  	v40 =	vadd.s32 v7, v28;
	v39 =	vld [tilespmem:s15+$0xFFFFFEE0];
	[tilespmem:v59+s11+$0x0] =	vst.idx.msk $0xffff, v31  }
0x1bd: {  	v37 =	vadd.s32 v24, v29;
	[tilespmem:v60+s11+$0x0] =	vst.idx.msk $0xffff, v33;
	v32 =	vld [tilespmem:s14+$0x180]  }
0x1be: {  	[tilespmem:v61+s11+$0x0] =	vst.idx.msk $0xffff, v35;
	v33 =	vld [tilespmem:s14+$0xFFFFFFF0];
	v35 =	vadd.s32 v24, v30  }
0x1bf: {  	s18 =	simm.s32 $0x7;
	v34 =	vadd.s32 v16, v25;
	[tilespmem:v43+s11+$0x0] =	vst.idx.msk $0xffff, v38;
	v31 =	vld [tilespmem:s13+$0x100]  }
0x1c0: {  	s17 =	simm.s32 $0x8;
	s16 =	simm.s32 $0x6;
	[tilespmem:v63+s11+$0x0] =	vst.idx.msk $0xffff, v62;
	v38 =	vadd.s32 v16, v26;
	s14 =	simm.s32 $0x7D0;
	v36 =	vld [tilespmem:s13+$0xFFFFFF70]  }
.LBB2_9:
0x1c1: {  	p1 =	slt.u32 s17, $0x3E;
	v29 =	vmov s18;
	[tilespmem:v40+s11+$0x0] =	vst.idx.msk $0xffff, v39;
	v39 =	vld [tilespmem:s15+$0x80];
	v40 =	vadd.s32 v8, v27  }
0x1c2: {  	v30 =	vmov s16;
	v42 =	vadd.s32 v8, v28;
	s15 =	sadd.s32 $0x320, s15;
	s16 =	smov.u32 s17;
	v29 =	vand.u32 $0x3F, v29;
	v41 =	vld [tilespmem:s14+$0xFFFFFEF0];
	[tilespmem:v37+s11+$0x0] =	vst.idx.msk $0xffff, v32  }
0x1c3: {  	v30 =	vand.u32 $0x3E, v30;
	v32 =	vld [tilespmem:s15+$0x0];
	v37 =	vadd.s32 v0, v29;
	[tilespmem:v35+s11+$0x0] =	vst.idx.msk $0xffff, v33  }
0x1c4: {  	v35 =	vadd.s32 v0, v30;
	v33 =	vld [tilespmem:s15+$0xFFFFFE70];
	[tilespmem:v34+s11+$0x0] =	vst.idx.msk $0xffff, v31  }
0x1c5: {  	v34 =	vadd.s32 v17, v25;
	[tilespmem:v38+s11+$0x0] =	vst.idx.msk $0xffff, v36;
	v31 =	vld [tilespmem:s13+$0x110]  }
0x1c6: {  	v38 =	vadd.s32 v17, v26;
	[tilespmem:v40+s11+$0x0] =	vst.idx.msk $0xffff, v39;
	v36 =	vld [tilespmem:s13+$0xFFFFFF80]  }
0x1c7: {  	v40 =	vadd.s32 v9, v27;
	[tilespmem:v42+s11+$0x0] =	vst.idx.msk $0xffff, v41;
	v39 =	vld [tilespmem:s14+$0x90]  }
0x1c8: {  	[tilespmem:v37+s11+$0x0] =	vst.idx.msk $0xffff, v32;
	v32 =	vld [tilespmem:s14+$0xFFFFFF00];
	v37 =	vadd.s32 v9, v28  }
0x1c9: {  	[tilespmem:v35+s11+$0x0] =	vst.idx.msk $0xffff, v33;
	v33 =	vld [tilespmem:s15+$0x10];
	v35 =	vadd.s32 v1, v29  }
0x1ca: {  	v42 =	vadd.s32 v1, v30;
	v41 =	vld [tilespmem:s15+$0xFFFFFE80];
	[tilespmem:v34+s11+$0x0] =	vst.idx.msk $0xffff, v31  }
0x1cb: {  	v34 =	vadd.s32 v18, v25;
	[tilespmem:v38+s11+$0x0] =	vst.idx.msk $0xffff, v36;
	v31 =	vld [tilespmem:s13+$0x120]  }
0x1cc: {  	v38 =	vadd.s32 v18, v26;
	[tilespmem:v40+s11+$0x0] =	vst.idx.msk $0xffff, v39;
	v36 =	vld [tilespmem:s13+$0xFFFFFF90]  }
0x1cd: {  	[tilespmem:v37+s11+$0x0] =	vst.idx.msk $0xffff, v32;
	v32 =	vld [tilespmem:s14+$0xA0];
	v37 =	vadd.s32 v10, v27  }
0x1ce: {  	[tilespmem:v35+s11+$0x0] =	vst.idx.msk $0xffff, v33;
	v33 =	vld [tilespmem:s14+$0xFFFFFF10];
	v35 =	vadd.s32 v10, v28  }
0x1cf: {  	v40 =	vadd.s32 v2, v29;
	[tilespmem:v42+s11+$0x0] =	vst.idx.msk $0xffff, v41;
	v39 =	vld [tilespmem:s15+$0x20]  }
0x1d0: {  	v42 =	vadd.s32 v2, v30;
	v41 =	vld [tilespmem:s15+$0xFFFFFE90];
	[tilespmem:v34+s11+$0x0] =	vst.idx.msk $0xffff, v31  }
0x1d1: {  	v34 =	vadd.s32 v19, v25;
	[tilespmem:v38+s11+$0x0] =	vst.idx.msk $0xffff, v36;
	v31 =	vld [tilespmem:s13+$0x130]  }
0x1d2: {  	v36 =	vadd.s32 v19, v26;
	[tilespmem:v37+s11+$0x0] =	vst.idx.msk $0xffff, v32;
	v32 =	vld [tilespmem:s13+$0xFFFFFFA0]  }
0x1d3: {  	[tilespmem:v35+s11+$0x0] =	vst.idx.msk $0xffff, v33;
	v33 =	vld [tilespmem:s14+$0xB0];
	v35 =	vadd.s32 v11, v27  }
0x1d4: {  	v38 =	vadd.s32 v11, v28;
	[tilespmem:v40+s11+$0x0] =	vst.idx.msk $0xffff, v39;
	v37 =	vld [tilespmem:s14+$0xFFFFFF20]  }
0x1d5: {  	v40 =	vadd.s32 v3, v29;
	[tilespmem:v42+s11+$0x0] =	vst.idx.msk $0xffff, v41;
	v39 =	vld [tilespmem:s15+$0x30]  }
0x1d6: {  	v42 =	vadd.s32 v3, v30;
	v41 =	vld [tilespmem:s15+$0xFFFFFEA0];
	[tilespmem:v34+s11+$0x0] =	vst.idx.msk $0xffff, v31  }
0x1d7: {  	[tilespmem:v36+s11+$0x0] =	vst.idx.msk $0xffff, v32;
	v31 =	vld [tilespmem:s13+$0x140];
	v32 =	vadd.s32 v20, v25  }
0x1d8: {  	v34 =	vadd.s32 v20, v26;
	[tilespmem:v35+s11+$0x0] =	vst.idx.msk $0xffff, v33;
	v33 =	vld [tilespmem:s13+$0xFFFFFFB0]  }
0x1d9: {  	v36 =	vadd.s32 v12, v27;
	[tilespmem:v38+s11+$0x0] =	vst.idx.msk $0xffff, v37;
	v35 =	vld [tilespmem:s14+$0xC0]  }
0x1da: {  	v38 =	vadd.s32 v12, v28;
	[tilespmem:v40+s11+$0x0] =	vst.idx.msk $0xffff, v39;
	v37 =	vld [tilespmem:s14+$0xFFFFFF30]  }
0x1db: {  	v40 =	vadd.s32 v4, v29;
	[tilespmem:v42+s11+$0x0] =	vst.idx.msk $0xffff, v41;
	v39 =	vld [tilespmem:s15+$0x40]  }
0x1dc: {  	v42 =	vadd.s32 v4, v30;
	v41 =	vld [tilespmem:s15+$0xFFFFFEB0];
	[tilespmem:v32+s11+$0x0] =	vst.idx.msk $0xffff, v31  }
0x1dd: {  	v32 =	vadd.s32 v21, v25;
	[tilespmem:v34+s11+$0x0] =	vst.idx.msk $0xffff, v33;
	v31 =	vld [tilespmem:s13+$0x150]  }
0x1de: {  	v34 =	vadd.s32 v21, v26;
	[tilespmem:v36+s11+$0x0] =	vst.idx.msk $0xffff, v35;
	v33 =	vld [tilespmem:s13+$0xFFFFFFC0]  }
0x1df: {  	v36 =	vadd.s32 v13, v27;
	[tilespmem:v38+s11+$0x0] =	vst.idx.msk $0xffff, v37;
	v35 =	vld [tilespmem:s14+$0xD0]  }
0x1e0: {  	v38 =	vadd.s32 v13, v28;
	[tilespmem:v40+s11+$0x0] =	vst.idx.msk $0xffff, v39;
	v37 =	vld [tilespmem:s14+$0xFFFFFF40]  }
0x1e1: {  	v40 =	vadd.s32 v5, v29;
	[tilespmem:v42+s11+$0x0] =	vst.idx.msk $0xffff, v41;
	v39 =	vld [tilespmem:s15+$0x50]  }
0x1e2: {  	v42 =	vadd.s32 v5, v30;
	v41 =	vld [tilespmem:s15+$0xFFFFFEC0];
	[tilespmem:v32+s11+$0x0] =	vst.idx.msk $0xffff, v31  }
0x1e3: {  	v32 =	vadd.s32 v22, v25;
	[tilespmem:v34+s11+$0x0] =	vst.idx.msk $0xffff, v33;
	v31 =	vld [tilespmem:s13+$0x160]  }
0x1e4: {  	v34 =	vadd.s32 v22, v26;
	[tilespmem:v36+s11+$0x0] =	vst.idx.msk $0xffff, v35;
	v33 =	vld [tilespmem:s13+$0xFFFFFFD0]  }
0x1e5: {  	v36 =	vadd.s32 v14, v27;
	[tilespmem:v38+s11+$0x0] =	vst.idx.msk $0xffff, v37;
	v35 =	vld [tilespmem:s14+$0xE0]  }
0x1e6: {  	v38 =	vadd.s32 v14, v28;
	[tilespmem:v40+s11+$0x0] =	vst.idx.msk $0xffff, v39;
	v37 =	vld [tilespmem:s14+$0xFFFFFF50]  }
0x1e7: {  	v40 =	vadd.s32 v6, v29;
	[tilespmem:v42+s11+$0x0] =	vst.idx.msk $0xffff, v41;
	v39 =	vld [tilespmem:s15+$0x60]  }
0x1e8: {  	v42 =	vadd.s32 v6, v30;
	v41 =	vld [tilespmem:s15+$0xFFFFFED0];
	[tilespmem:v32+s11+$0x0] =	vst.idx.msk $0xffff, v31  }
0x1e9: {  	v32 =	vadd.s32 v23, v25;
	[tilespmem:v34+s11+$0x0] =	vst.idx.msk $0xffff, v33;
	v31 =	vld [tilespmem:s13+$0x170]  }
0x1ea: {  	v34 =	vadd.s32 v23, v26;
	[tilespmem:v36+s11+$0x0] =	vst.idx.msk $0xffff, v35;
	v33 =	vld [tilespmem:s13+$0xFFFFFFE0]  }
0x1eb: {  	v36 =	vadd.s32 v15, v27;
	[tilespmem:v38+s11+$0x0] =	vst.idx.msk $0xffff, v37;
	v35 =	vld [tilespmem:s14+$0xF0]  }
0x1ec: {  	v43 =	vadd.s32 v15, v28;
	[tilespmem:v40+s11+$0x0] =	vst.idx.msk $0xffff, v39;
	v38 =	vld [tilespmem:s14+$0xFFFFFF60]  }
0x1ed: {  	[tilespmem:v42+s11+$0x0] =	vst.idx.msk $0xffff, v41;
	v41 =	vld [tilespmem:s15+$0x70];
	v42 =	vadd.s32 v7, v29  }
.Ltmp6:
0x1ee: {  	v40 =	vadd.s32 v7, v30;
	v39 =	vld [tilespmem:s15+$0xFFFFFEE0];
	[tilespmem:v32+s11+$0x0] =	vst.idx.msk $0xffff, v31;
	(pc) =	sbr.rel @p1 .LBB2_9-.Ltmp6, $4  }
0x1ef: {  	v37 =	vadd.s32 v24, v25;
	v25 =	vmov v27;
	v27 =	vmov v29;
	[tilespmem:v34+s11+$0x0] =	vst.idx.msk $0xffff, v33;
	v32 =	vld [tilespmem:s13+$0x180]  }
0x1f0: {  	[tilespmem:v36+s11+$0x0] =	vst.idx.msk $0xffff, v35;
	v33 =	vld [tilespmem:s13+$0xFFFFFFF0];
	v35 =	vadd.s32 v24, v26;
	v26 =	vmov v28;
	v28 =	vmov v30;
	s13 =	smov.u32 s14;
	s14 =	smov.u32 s15  }
0x1f1: {  	v34 =	vadd.s32 v16, v25;
	[tilespmem:v43+s11+$0x0] =	vst.idx.msk $0xffff, v38;
	v31 =	vld [tilespmem:s13+$0x100]  }
0x1f2: {  	s17 =	sadd.s32 $0x2, s17;
	s18 =	sadd.s32 $0x1, s16;
	v38 =	vadd.s32 v16, v26;
	[tilespmem:v42+s11+$0x0] =	vst.idx.msk $0xffff, v41;
	v36 =	vld [tilespmem:s13+$0xFFFFFF70]  }
0x1f3: {  	v29 =	vmov s18  }
0x1f4: {  	v41 =	vmov s16;
	s31 =	sadd.s32 $0x320, s15;
	v30 =	vand.u32 $0x3F, v29  }
0x1f5: {  	v29 =	vand.u32 $0x3E, v41;
	v62 =	vld [tilespmem:s31+$0x0];
	v42 =	vadd.s32 v0, v30  }
0x1f6: {  	v43 =	vld [tilespmem:s31+$0xFFFFFE70];
	v44 =	vadd.s32 v0, v29;
	_ =	sdelay $0x3  }
0x1f7: {  	[tilespmem:v42+s11+$0x0] =	vst.idx.msk $0xffff, v62  }
0x1f8: {  	v63 =	vadd.s32 v1, v30;
	[tilespmem:v44+s11+$0x0] =	vst.idx.msk $0xffff, v43;
	v41 =	vld [tilespmem:s31+$0x10]  }
0x1f9: {  	v48 =	vadd.s32 v1, v29;
	v43 =	vld [tilespmem:s31+$0xFFFFFE80];
	_ =	sdelay $0x3  }
0x1fa: {  	[tilespmem:v63+s11+$0x0] =	vst.idx.msk $0xffff, v41  }
0x1fb: {  	v49 =	vadd.s32 v2, v30;
	[tilespmem:v48+s11+$0x0] =	vst.idx.msk $0xffff, v43;
	v41 =	vld [tilespmem:s31+$0x20]  }
0x1fc: {  	v50 =	vadd.s32 v2, v29;
	v43 =	vld [tilespmem:s31+$0xFFFFFE90];
	_ =	sdelay $0x3  }
0x1fd: {  	[tilespmem:v49+s11+$0x0] =	vst.idx.msk $0xffff, v41  }
0x1fe: {  	v51 =	vadd.s32 v3, v30;
	[tilespmem:v50+s11+$0x0] =	vst.idx.msk $0xffff, v43;
	v41 =	vld [tilespmem:s31+$0x30]  }
0x1ff: {  	v52 =	vadd.s32 v3, v29;
	v43 =	vld [tilespmem:s31+$0xFFFFFEA0];
	_ =	sdelay $0x3  }
0x200: {  	[tilespmem:v51+s11+$0x0] =	vst.idx.msk $0xffff, v41  }
0x201: {  	v53 =	vadd.s32 v4, v30;
	[tilespmem:v52+s11+$0x0] =	vst.idx.msk $0xffff, v43;
	v41 =	vld [tilespmem:s31+$0x40]  }
0x202: {  	v54 =	vadd.s32 v4, v29;
	v43 =	vld [tilespmem:s31+$0xFFFFFEB0];
	_ =	sdelay $0x3  }
0x203: {  	[tilespmem:v53+s11+$0x0] =	vst.idx.msk $0xffff, v41  }
0x204: {  	v55 =	vadd.s32 v5, v30;
	[tilespmem:v54+s11+$0x0] =	vst.idx.msk $0xffff, v43;
	v41 =	vld [tilespmem:s31+$0x50]  }
0x205: {  	v56 =	vadd.s32 v5, v29;
	v43 =	vld [tilespmem:s31+$0xFFFFFEC0];
	_ =	sdelay $0x3  }
0x206: {  	[tilespmem:v55+s11+$0x0] =	vst.idx.msk $0xffff, v41  }
0x207: {  	v57 =	vadd.s32 v6, v30;
	[tilespmem:v56+s11+$0x0] =	vst.idx.msk $0xffff, v43;
	v41 =	vld [tilespmem:s31+$0x60]  }
0x208: {  	v58 =	vadd.s32 v6, v29;
	v43 =	vld [tilespmem:s31+$0xFFFFFED0];
	_ =	sdelay $0x3  }
0x209: {  	[tilespmem:v57+s11+$0x0] =	vst.idx.msk $0xffff, v41  }
0x20a: {  	v59 =	vadd.s32 v7, v30;
	[tilespmem:v58+s11+$0x0] =	vst.idx.msk $0xffff, v43;
	v41 =	vld [tilespmem:s31+$0x70]  }
0x20b: {  	v60 =	vadd.s32 v7, v29;
	v43 =	vld [tilespmem:s31+$0xFFFFFEE0];
	_ =	sdelay $0x2  }
0x20c: {  	[tilespmem:v40+s11+$0x0] =	vst.idx.msk $0xffff, v39;
	v61 =	vld [tilespmem:s15+$0x80];
	v62 =	vadd.s32 v8, v27  }
0x20d: {  	v46 =	vadd.s32 v8, v28;
	v45 =	vld [tilespmem:s14+$0xFFFFFEF0];
	[tilespmem:v59+s11+$0x0] =	vst.idx.msk $0xffff, v41  }
0x20e: {  	v63 =	vadd.s32 v8, v30;
	[tilespmem:v60+s11+$0x0] =	vst.idx.msk $0xffff, v43;
	v41 =	vld [tilespmem:s31+$0x80]  }
0x20f: {  	v48 =	vadd.s32 v8, v29;
	v43 =	vld [tilespmem:s31+$0xFFFFFEF0];
	_ =	sdelay $0x1  }
0x210: {  	[tilespmem:v62+s11+$0x0] =	vst.idx.msk $0xffff, v61  }
0x211: {  	[tilespmem:v46+s11+$0x0] =	vst.idx.msk $0xffff, v45;
	v39 =	vld [tilespmem:s14+$0x90];
	v49 =	vadd.s32 v9, v27  }
0x212: {  	v45 =	vld [tilespmem:s14+$0xFFFFFF00];
	v50 =	vadd.s32 v9, v28;
	[tilespmem:v63+s11+$0x0] =	vst.idx.msk $0xffff, v41  }
0x213: {  	v51 =	vadd.s32 v9, v30;
	[tilespmem:v48+s11+$0x0] =	vst.idx.msk $0xffff, v43;
	v41 =	vld [tilespmem:s31+$0x90]  }
0x214: {  	v52 =	vadd.s32 v9, v29;
	v43 =	vld [tilespmem:s31+$0xFFFFFF00];
	_ =	sdelay $0x1  }
0x215: {  	[tilespmem:v49+s11+$0x0] =	vst.idx.msk $0xffff, v39  }
0x216: {  	[tilespmem:v50+s11+$0x0] =	vst.idx.msk $0xffff, v45;
	v39 =	vld [tilespmem:s14+$0xA0];
	v53 =	vadd.s32 v10, v27  }
0x217: {  	v45 =	vld [tilespmem:s14+$0xFFFFFF10];
	v54 =	vadd.s32 v10, v28;
	[tilespmem:v51+s11+$0x0] =	vst.idx.msk $0xffff, v41  }
0x218: {  	v55 =	vadd.s32 v10, v30;
	[tilespmem:v52+s11+$0x0] =	vst.idx.msk $0xffff, v43;
	v41 =	vld [tilespmem:s31+$0xA0]  }
0x219: {  	v56 =	vadd.s32 v10, v29;
	v43 =	vld [tilespmem:s31+$0xFFFFFF10];
	_ =	sdelay $0x1  }
0x21a: {  	[tilespmem:v53+s11+$0x0] =	vst.idx.msk $0xffff, v39  }
0x21b: {  	[tilespmem:v54+s11+$0x0] =	vst.idx.msk $0xffff, v45;
	v39 =	vld [tilespmem:s14+$0xB0];
	v57 =	vadd.s32 v11, v27  }
0x21c: {  	v45 =	vld [tilespmem:s14+$0xFFFFFF20];
	v58 =	vadd.s32 v11, v28;
	[tilespmem:v55+s11+$0x0] =	vst.idx.msk $0xffff, v41  }
0x21d: {  	v59 =	vadd.s32 v11, v30;
	[tilespmem:v56+s11+$0x0] =	vst.idx.msk $0xffff, v43;
	v41 =	vld [tilespmem:s31+$0xB0]  }
0x21e: {  	v60 =	vadd.s32 v11, v29;
	v43 =	vld [tilespmem:s31+$0xFFFFFF20];
	_ =	sdelay $0x1  }
0x21f: {  	[tilespmem:v57+s11+$0x0] =	vst.idx.msk $0xffff, v39  }
0x220: {  	v61 =	vadd.s32 v12, v27;
	[tilespmem:v58+s11+$0x0] =	vst.idx.msk $0xffff, v45;
	v39 =	vld [tilespmem:s14+$0xC0]  }
0x221: {  	v62 =	vadd.s32 v12, v28;
	v45 =	vld [tilespmem:s14+$0xFFFFFF30];
	[tilespmem:v59+s11+$0x0] =	vst.idx.msk $0xffff, v41  }
0x222: {  	v63 =	vadd.s32 v12, v30;
	[tilespmem:v60+s11+$0x0] =	vst.idx.msk $0xffff, v43;
	v41 =	vld [tilespmem:s31+$0xC0]  }
0x223: {  	v48 =	vadd.s32 v12, v29;
	v43 =	vld [tilespmem:s31+$0xFFFFFF30];
	_ =	sdelay $0x1  }
0x224: {  	[tilespmem:v61+s11+$0x0] =	vst.idx.msk $0xffff, v39  }
0x225: {  	v49 =	vadd.s32 v13, v27;
	[tilespmem:v62+s11+$0x0] =	vst.idx.msk $0xffff, v45;
	v39 =	vld [tilespmem:s14+$0xD0]  }
0x226: {  	v50 =	vadd.s32 v13, v28;
	v45 =	vld [tilespmem:s14+$0xFFFFFF40];
	[tilespmem:v63+s11+$0x0] =	vst.idx.msk $0xffff, v41  }
0x227: {  	v51 =	vadd.s32 v13, v30;
	[tilespmem:v48+s11+$0x0] =	vst.idx.msk $0xffff, v43;
	v41 =	vld [tilespmem:s31+$0xD0]  }
0x228: {  	v52 =	vadd.s32 v13, v29;
	v43 =	vld [tilespmem:s31+$0xFFFFFF40];
	_ =	sdelay $0x1  }
0x229: {  	[tilespmem:v49+s11+$0x0] =	vst.idx.msk $0xffff, v39  }
0x22a: {  	v53 =	vadd.s32 v14, v27;
	[tilespmem:v50+s11+$0x0] =	vst.idx.msk $0xffff, v45;
	v39 =	vld [tilespmem:s14+$0xE0]  }
0x22b: {  	v54 =	vadd.s32 v14, v28;
	v45 =	vld [tilespmem:s14+$0xFFFFFF50];
	[tilespmem:v51+s11+$0x0] =	vst.idx.msk $0xffff, v41  }
0x22c: {  	v55 =	vadd.s32 v14, v30;
	[tilespmem:v52+s11+$0x0] =	vst.idx.msk $0xffff, v43;
	v41 =	vld [tilespmem:s31+$0xE0]  }
0x22d: {  	v56 =	vadd.s32 v14, v29;
	v43 =	vld [tilespmem:s31+$0xFFFFFF50];
	_ =	sdelay $0x1  }
0x22e: {  	[tilespmem:v53+s11+$0x0] =	vst.idx.msk $0xffff, v39  }
0x22f: {  	v57 =	vadd.s32 v15, v27;
	[tilespmem:v54+s11+$0x0] =	vst.idx.msk $0xffff, v45;
	v39 =	vld [tilespmem:s14+$0xF0]  }
0x230: {  	v58 =	vld [tilespmem:s14+$0xFFFFFF60];
	v59 =	vadd.s32 v15, v28;
	[tilespmem:v55+s11+$0x0] =	vst.idx.msk $0xffff, v41  }
0x231: {  	v61 =	vadd.s32 v15, v30;
	[tilespmem:v56+s11+$0x0] =	vst.idx.msk $0xffff, v43;
	v60 =	vld [tilespmem:s31+$0xF0]  }
0x232: {  	[tilespmem:v37+s11+$0x0] =	vst.idx.msk $0xffff, v32;
	v63 =	vadd.s32 v15, v29;
	v62 =	vld [tilespmem:s31+$0xFFFFFF60]  }
0x233: {  	[tilespmem:v35+s11+$0x0] =	vst.idx.msk $0xffff, v33  }
0x234: {  	[tilespmem:v57+s11+$0x0] =	vst.idx.msk $0xffff, v39  }
0x235: {  	v46 =	vadd.s32 v16, v27;
	v45 =	vld [tilespmem:s14+$0x100];
	[tilespmem:v59+s11+$0x0] =	vst.idx.msk $0xffff, v58  }
0x236: {  	v47 =	vld [tilespmem:s14+$0xFFFFFF70];
	v48 =	vadd.s32 v16, v28;
	[tilespmem:v61+s11+$0x0] =	vst.idx.msk $0xffff, v60  }
0x237: {  	v50 =	vadd.s32 v16, v30;
	[tilespmem:v63+s11+$0x0] =	vst.idx.msk $0xffff, v62;
	v49 =	vld [tilespmem:s31+$0x100]  }
0x238: {  	[tilespmem:v34+s11+$0x0] =	vst.idx.msk $0xffff, v31;
	v52 =	vadd.s32 v16, v29;
	v51 =	vld [tilespmem:s31+$0xFFFFFF70]  }
0x239: {  	[tilespmem:v38+s11+$0x0] =	vst.idx.msk $0xffff, v36;
	v53 =	vld [tilespmem:s13+$0x110];
	v54 =	vadd.s32 v17, v25  }
0x23a: {  	[tilespmem:v46+s11+$0x0] =	vst.idx.msk $0xffff, v45;
	v55 =	vld [tilespmem:s13+$0xFFFFFF80];
	v56 =	vadd.s32 v17, v26  }
0x23b: {  	v57 =	vadd.s32 v17, v27;
	v33 =	vld [tilespmem:s14+$0x110];
	[tilespmem:v48+s11+$0x0] =	vst.idx.msk $0xffff, v47  }
0x23c: {  	v58 =	vadd.s32 v17, v28;
	v39 =	vld [tilespmem:s14+$0xFFFFFF80];
	[tilespmem:v50+s11+$0x0] =	vst.idx.msk $0xffff, v49  }
0x23d: {  	v60 =	vadd.s32 v17, v30;
	[tilespmem:v52+s11+$0x0] =	vst.idx.msk $0xffff, v51;
	v59 =	vld [tilespmem:s31+$0x110]  }
0x23e: {  	[tilespmem:v54+s11+$0x0] =	vst.idx.msk $0xffff, v53;
	v61 =	vadd.s32 v17, v29;
	v34 =	vld [tilespmem:s31+$0xFFFFFF80]  }
0x23f: {  	[tilespmem:v56+s11+$0x0] =	vst.idx.msk $0xffff, v55;
	v62 =	vld [tilespmem:s13+$0x120];
	v63 =	vadd.s32 v18, v25  }
0x240: {  	v45 =	vadd.s32 v18, v26;
	[tilespmem:v57+s11+$0x0] =	vst.idx.msk $0xffff, v33;
	v41 =	vld [tilespmem:s13+$0xFFFFFF90]  }
0x241: {  	v46 =	vadd.s32 v18, v27;
	v33 =	vld [tilespmem:s14+$0x120];
	[tilespmem:v58+s11+$0x0] =	vst.idx.msk $0xffff, v39  }
0x242: {  	v47 =	vadd.s32 v18, v28;
	v39 =	vld [tilespmem:s14+$0xFFFFFF90];
	[tilespmem:v60+s11+$0x0] =	vst.idx.msk $0xffff, v59  }
0x243: {  	v48 =	vadd.s32 v18, v30;
	[tilespmem:v61+s11+$0x0] =	vst.idx.msk $0xffff, v34;
	v31 =	vld [tilespmem:s31+$0x120]  }
0x244: {  	[tilespmem:v63+s11+$0x0] =	vst.idx.msk $0xffff, v62;
	v49 =	vadd.s32 v18, v29;
	v34 =	vld [tilespmem:s31+$0xFFFFFF90]  }
0x245: {  	[tilespmem:v45+s11+$0x0] =	vst.idx.msk $0xffff, v41;
	v37 =	vld [tilespmem:s13+$0x130];
	v50 =	vadd.s32 v19, v25  }
0x246: {  	[tilespmem:v46+s11+$0x0] =	vst.idx.msk $0xffff, v33;
	v41 =	vld [tilespmem:s13+$0xFFFFFFA0];
	v51 =	vadd.s32 v19, v26  }
0x247: {  	v33 =	vld [tilespmem:s14+$0x130];
	[tilespmem:v47+s11+$0x0] =	vst.idx.msk $0xffff, v39;
	v52 =	vadd.s32 v19, v27  }
0x248: {  	v53 =	vadd.s32 v19, v28;
	v39 =	vld [tilespmem:s14+$0xFFFFFFA0];
	[tilespmem:v48+s11+$0x0] =	vst.idx.msk $0xffff, v31  }
0x249: {  	v54 =	vadd.s32 v19, v30;
	[tilespmem:v49+s11+$0x0] =	vst.idx.msk $0xffff, v34;
	v31 =	vld [tilespmem:s31+$0x130]  }
0x24a: {  	v55 =	vadd.s32 v19, v29;
	[tilespmem:v50+s11+$0x0] =	vst.idx.msk $0xffff, v37;
	v34 =	vld [tilespmem:s31+$0xFFFFFFA0]  }
0x24b: {  	v56 =	vadd.s32 v20, v25;
	[tilespmem:v51+s11+$0x0] =	vst.idx.msk $0xffff, v41;
	v37 =	vld [tilespmem:s13+$0x140]  }
0x24c: {  	v57 =	vadd.s32 v20, v26;
	[tilespmem:v52+s11+$0x0] =	vst.idx.msk $0xffff, v33;
	v41 =	vld [tilespmem:s13+$0xFFFFFFB0]  }
0x24d: {  	v58 =	vadd.s32 v20, v27;
	[tilespmem:v53+s11+$0x0] =	vst.idx.msk $0xffff, v39;
	v33 =	vld [tilespmem:s14+$0x140]  }
0x24e: {  	v39 =	vld [tilespmem:s14+$0xFFFFFFB0];
	v59 =	vadd.s32 v20, v28;
	[tilespmem:v54+s11+$0x0] =	vst.idx.msk $0xffff, v31  }
0x24f: {  	v60 =	vadd.s32 v20, v30;
	[tilespmem:v55+s11+$0x0] =	vst.idx.msk $0xffff, v34;
	v31 =	vld [tilespmem:s31+$0x140]  }
0x250: {  	v61 =	vadd.s32 v20, v29;
	[tilespmem:v56+s11+$0x0] =	vst.idx.msk $0xffff, v37;
	v34 =	vld [tilespmem:s31+$0xFFFFFFB0]  }
0x251: {  	v62 =	vadd.s32 v21, v25;
	[tilespmem:v57+s11+$0x0] =	vst.idx.msk $0xffff, v41;
	v37 =	vld [tilespmem:s13+$0x150]  }
0x252: {  	v63 =	vadd.s32 v21, v26;
	[tilespmem:v58+s11+$0x0] =	vst.idx.msk $0xffff, v33;
	v41 =	vld [tilespmem:s13+$0xFFFFFFC0]  }
0x253: {  	v45 =	vadd.s32 v21, v27;
	[tilespmem:v59+s11+$0x0] =	vst.idx.msk $0xffff, v39;
	v33 =	vld [tilespmem:s14+$0x150]  }
0x254: {  	v46 =	vadd.s32 v21, v28;
	v39 =	vld [tilespmem:s14+$0xFFFFFFC0];
	[tilespmem:v60+s11+$0x0] =	vst.idx.msk $0xffff, v31  }
0x255: {  	v47 =	vadd.s32 v21, v30;
	[tilespmem:v61+s11+$0x0] =	vst.idx.msk $0xffff, v34;
	v31 =	vld [tilespmem:s31+$0x150]  }
0x256: {  	v48 =	vadd.s32 v21, v29;
	[tilespmem:v62+s11+$0x0] =	vst.idx.msk $0xffff, v37;
	v34 =	vld [tilespmem:s31+$0xFFFFFFC0]  }
0x257: {  	v49 =	vadd.s32 v22, v25;
	[tilespmem:v63+s11+$0x0] =	vst.idx.msk $0xffff, v41;
	v37 =	vld [tilespmem:s13+$0x160]  }
0x258: {  	v50 =	vadd.s32 v22, v26;
	[tilespmem:v45+s11+$0x0] =	vst.idx.msk $0xffff, v33;
	v41 =	vld [tilespmem:s13+$0xFFFFFFD0]  }
0x259: {  	v51 =	vadd.s32 v22, v27;
	[tilespmem:v46+s11+$0x0] =	vst.idx.msk $0xffff, v39;
	v33 =	vld [tilespmem:s14+$0x160]  }
0x25a: {  	v52 =	vadd.s32 v22, v28;
	v39 =	vld [tilespmem:s14+$0xFFFFFFD0];
	[tilespmem:v47+s11+$0x0] =	vst.idx.msk $0xffff, v31  }
0x25b: {  	v53 =	vadd.s32 v22, v30;
	[tilespmem:v48+s11+$0x0] =	vst.idx.msk $0xffff, v34;
	v31 =	vld [tilespmem:s31+$0x160]  }
0x25c: {  	v54 =	vadd.s32 v22, v29;
	[tilespmem:v49+s11+$0x0] =	vst.idx.msk $0xffff, v37;
	v34 =	vld [tilespmem:s31+$0xFFFFFFD0]  }
0x25d: {  	v55 =	vadd.s32 v23, v25;
	[tilespmem:v50+s11+$0x0] =	vst.idx.msk $0xffff, v41;
	v37 =	vld [tilespmem:s13+$0x170]  }
0x25e: {  	v56 =	vadd.s32 v23, v26;
	[tilespmem:v51+s11+$0x0] =	vst.idx.msk $0xffff, v33;
	v41 =	vld [tilespmem:s13+$0xFFFFFFE0]  }
0x25f: {  	v57 =	vadd.s32 v23, v27;
	[tilespmem:v52+s11+$0x0] =	vst.idx.msk $0xffff, v39;
	v33 =	vld [tilespmem:s14+$0x170]  }
0x260: {  	v58 =	vadd.s32 v23, v28;
	v39 =	vld [tilespmem:s14+$0xFFFFFFE0];
	[tilespmem:v53+s11+$0x0] =	vst.idx.msk $0xffff, v31  }
0x261: {  	v59 =	vadd.s32 v23, v30;
	[tilespmem:v54+s11+$0x0] =	vst.idx.msk $0xffff, v34;
	v31 =	vld [tilespmem:s31+$0x170]  }
0x262: {  	v60 =	vadd.s32 v23, v29;
	[tilespmem:v55+s11+$0x0] =	vst.idx.msk $0xffff, v37;
	v34 =	vld [tilespmem:s31+$0xFFFFFFE0]  }
0x263: {  	v25 =	vadd.s32 v24, v25;
	[tilespmem:v56+s11+$0x0] =	vst.idx.msk $0xffff, v41;
	v37 =	vld [tilespmem:s13+$0x180]  }
0x264: {  	v26 =	vadd.s32 v24, v26;
	[tilespmem:v57+s11+$0x0] =	vst.idx.msk $0xffff, v33;
	v61 =	vld [tilespmem:s13+$0xFFFFFFF0]  }
0x265: {  	v27 =	vadd.s32 v24, v27;
	[tilespmem:v58+s11+$0x0] =	vst.idx.msk $0xffff, v39;
	v33 =	vld [tilespmem:s14+$0x180]  }
0x266: {  	v63 =	vadd.s32 v24, v28;
	v62 =	vld [tilespmem:s14+$0xFFFFFFF0];
	[tilespmem:v59+s11+$0x0] =	vst.idx.msk $0xffff, v31  }
0x267: {  	v30 =	vadd.s32 v24, v30;
	[tilespmem:v60+s11+$0x0] =	vst.idx.msk $0xffff, v34;
	v31 =	vld [tilespmem:s31+$0x180]  }
0x268: {  	v29 =	vadd.s32 v24, v29;
	[tilespmem:v25+s11+$0x0] =	vst.idx.msk $0xffff, v37;
	v25 =	vld [tilespmem:s31+$0xFFFFFFF0]  }
0x269: {  	[tilespmem:v26+s11+$0x0] =	vst.idx.msk $0xffff, v61  }
0x26a: {  	[tilespmem:v27+s11+$0x0] =	vst.idx.msk $0xffff, v33  }
0x26b: {  	[tilespmem:v63+s11+$0x0] =	vst.idx.msk $0xffff, v62  }
0x26c: {  	s16 =	sadd.s32 $0x0, s7;
	[tilespmem:v30+s11+$0x0] =	vst.idx.msk $0xffff, v31  }
0x26d: {  	s15 =	simm.s32 $0x6448;
	s13 =	simm.s32 $0x6400;
	s14 =	simm.s32 $0x8;
	[tilespmem:v29+s11+$0x0] =	vst.idx.msk $0xffff, v25  }
.LBB2_11:
0x26e: {  	[hbm4b:s16+s2] =	stream.linear.scatter [tilespmem:s13], [sflag:$0x1], $0x40, $0x38;
	[tilespmem:$0xD480] =	vst v63  }
0x26f: {  	s16 =	smov.u32 s14;
	s13 =	smov.u32 s15;
	p1 =	sne.s32 s14, $0xC78  }
.Ltmp7:
0x270: {  	s14 =	sadd.s32 $0x8, s14;
	(pc) =	sbr.rel @p1 .LBB2_11-.Ltmp7, $2  }
0x271: {  	_ =	sdelay $0x2  }
0x272: {  	s15 =	sadd.s32 $0x48, s15;
	s16 =	sadd.s32 s16, s7  }
.Ltmp8:
0x273: {  	(pc) =	sbr.rel .LBB2_13-.Ltmp8, $4  }
0x274: {  	[hbm4b:s16+s2] =	stream.linear.scatter [tilespmem:s13], [sflag:$0x1], $0x40, $0x38;
	[tilespmem:$0xD480] =	vst v63  }
0x275: {  	_ =	swait.ge [sflag:s10], $0x6400  }
0x276: {  	[sflag:s10] =	ssyncset.done $0x0  }
0x277: {  	[sflag:s10] =	ssyncadd.s32 $0xFFFF9C00  }
.LBB2_14:
0x278: {  	_ =	sfence.sel $0x180000  }
0x279: {  	[bflag:$0x0] =	sbarrier.arrive $0xFFFF  }
0x27a: {  	p0 =	sne.s32 s0, $0x0;
	_ =	strace $0x90000047  }
0x27b: {  	s0 =	sadd.s32 @!p0 $0x100000, s1;
	[bflag:$0x2] =	sbarrier.arrive $0xFFFF  }
0x27c: {  	[sflag:s0] =	ssyncadd.tile.s32 @!p0 $0x1;
	_ =	shalt  }
.Lfunc_end2:
_tile_overlayer_lowered:
.L_overlay_start_2:
0x27d: {  	(tag) =	ssettag $0x2  }
0x27e: {  	s0 =	rddreg [dreg:$0x0];
	s2 =	stileid.u32  }
0x27f: {  	s1 =	rddreg [dreg:$0x1];
	p0 =	sne.s32 s2, $0x0  }
0x280: {  	s3 =	rddreg [dreg:$0x2];
	[bflag:$0x3] =	sbarrier.arrive $0xFFFF;
	s2 =	simm.s32 @!p0 $0x1C01  }
0x281: {  	[timem:s3], [sflag:s2] =	dma.local @!p0 [hbm:s0], s1  }
0x282: {  	s0 =	simm.s32 @!p0 $0x1  }
0x283: {  	_ =	swait.ge @!p0 [sflag:s0], s1  }
0x284: {  	s1 =	ssub.s32 @!p0 $0x0, s1;
	[sflag:s0] =	ssyncset.done @!p0 $0x0  }
0x285: {  	[sflag:s0] =	ssyncadd.s32 @!p0 s1  }
0x286: {  	[bflag:$0x3] =	sbarrier.arrive $0xFFFF  }
0x287: {  	_ =	shalt  }

// kernel: kernel.7.cloned.1.call-start
scs
__scs_entry_jumppad:
0x0: {  	(pc) =	sbr.rel $0x88, $3  }
0x1: {  	(tag) =	ssettag $0x0;
	lr =	simm.s32 $0x1  }
0x2: {  	[smem:$0x3F9E] =	sst lr;
	_ =	strace $0xD0000000  }
0x3: {  	_ = 	snop  }
0x4: {  	_ = 	snop  }
0x5: {  	_ = 	snop  }
0x6: {  	_ = 	snop  }
0x7: {  	_ = 	snop  }
__scs_overlays_trampoline_lowered:
0x8: {  	[smem:$0x3FAD] =	sst s0  }
0x9: {  	[smem:$0x3FAE] =	sst s1  }
0xa: {  	[smem:$0x3FAF] =	sst s2  }
0xb: {  	[smem:$0x3FB0] =	sst s3  }
0xc: {  	[smem:$0x3FB1] =	sst s4  }
0xd: {  	[smem:$0x3FB2] =	sst s5  }
0xe: {  	[smem:$0x3FB3] =	sst s6  }
0xf: {  	[smem:$0x3FB4] =	sst s7  }
0x10: {  	[smem:$0x3FB5] =	sst s8  }
0x11: {  	[smem:$0x3FB6] =	sst s9;
	s0 =	simm.s32 @!p0 $0x0  }
0x12: {  	s1 =	sld [smem:$0x3F9C];
	s0 =	simm.s32 @p0 $0x1  }
0x13: {  	[smem:$0x3FB7] =	sst s0;
	s0 =	simm.s32 @!p1 $0x0  }
0x14: {  	s2 =	sld [smem:$0x3F9B];
	s0 =	simm.s32 @p1 $0x1  }
0x15: {  	[smem:$0x3FB8] =	sst s0;
	s0 =	simm.s32 @!p2 $0x0  }
0x16: {  	s3 =	sld [smem:$0x3FDB];
	s0 =	simm.s32 @p2 $0x1  }
0x17: {  	s4 =	simm.s32 $0x1BF5;
	[smem:$0x3FBA] =	sst s0  }
0x18: {  	s0 =	sld [smem:$0x3F9D];
	_ =	swait.ge [sflag:s4], $0x0  }
0x19: {  	s7 =	sld [smem:$0x3F9E]  }
0x1a: {  	s8 =	sadd.s32 $0xFFFFE003, lr  }
0x1b: {  	s9 =	sadd.s32 $0xFFFFFEF7, lr;
	s5 =	simm.s32 $0xFFFFFFFF;
	p2 =	slt.u32 s8, $0xFFFFF086  }
0x1c: {  	p1 =	slt.u32 s9, $0xF7A;
	s5 =	simm.s32 @!p2 $0x0  }
0x1d: {  	s5 =	simm.s32 @p1 $0x1;
	p0 =	seq.s32 s7, s2  }
0x1e: {  	s7 =	smul.u32 @!p0 $0xF7A, s2;
	p2 =	seq.s32 @!p0 s5, $0x0  }
0x1f: {  	s9 =	smul.u32 $0xF7A, s1;
	s8 =	simm.s32 @!p0 $0x1BF5;
	p2 =	por !p2, p0  }
0x20: {  	[sflag:s8] =	ssyncset.s32 @!p0 $0xFFFFF086;
	s6 =	sadd.s32 @!p0 s3, s7;
	s7 =	simm.s32 @!p0 $0x108  }
0x21: {  	s3 =	sadd.s32 s3, s9;
	s6 =	sadd.s32 @!p0 $0x88, s6;
	s7 =	simm.s32 @p2 $0x1082  }
0x22: {  	[simem:s7], [sflag:s8] =	dma.local @!p0 [hbm:s6], $0xF7A  }
0x23: {  	s9 =	sor.u32 $0xD0000000, s2;
	s6 =	simm.s32 $0x108;
	_ =	swait.ge @!p0 [sflag:s8], $0x0  }
0x24: {  	s3 =	sadd.s32 $0x88, s3;
	s6 =	simm.s32 @!p1 $0x1082;
	[sflag:s4] =	ssyncset.s32 $0xFFFFF086  }
0x25: {  	[simem:s6], [sflag:s4] =	dma.local [hbm:s3], $0xF7A  }
0x26: {  	[smem:$0x3F9E] =	sst s1;
	(tag) =	ssettag s2;
	_ =	strace s9  }
0x27: {  	s1 =	sld [smem:$0x3FAE]  }
0x28: {  	s2 =	sld [smem:$0x3FAF]  }
0x29: {  	s4 =	sld [smem:$0x3FB1]  }
0x2a: {  	p0 =	seq.s32 s5, $0x0;
	s5 =	sld [smem:$0x3FB2]  }
0x2b: {  	s6 =	sld [smem:$0x3FB3]  }
0x2c: {  	s7 =	sld [smem:$0x3FB4]  }
0x2d: {  	s3 =	simm.s32 $0x108;
	s8 =	sld [smem:$0x3FB5]  }
0x2e: {  	s3 =	simm.s32 @!p0 $0x1082;
	s9 =	sld [smem:$0x3FB6]  }
0x2f: {  	lr =	sadd.s32 s0, s3;
	s0 =	sld [smem:$0x3FAD]  }
0x30: {  	s3 =	sld [smem:$0x3FB0]  }
0x31: {  	[smem:$0x3FB9] =	sst s10  }
0x32: {  	s10 =	sld [smem:$0x3FB7];
	_ =	sdelay $0x3  }
0x33: {  	p0 =	seq.s32 s10, $0x1;
	s10 =	sld [smem:$0x3FB9];
	_ =	sdelay $0x3  }
0x34: {  	[smem:$0x3FB9] =	sst s10  }
0x35: {  	s10 =	sld [smem:$0x3FB8];
	_ =	sdelay $0x3  }
0x36: {  	p1 =	seq.s32 s10, $0x1;
	s10 =	sld [smem:$0x3FB9];
	_ =	sdelay $0x3  }
0x37: {  	[smem:$0x3FB9] =	sst s10  }
0x38: {  	s10 =	sld [smem:$0x3FBA]  }
0x39: {  	_ = 	snop;
	(pc) =	sbr.ind lr, $3  }
0x3a: {  	_ = 	snop  }
0x3b: {  	_ = 	snop  }
0x3c: {  	p2 =	seq.s32 s10, $0x1;
	s10 =	sld [smem:$0x3FB9]  }
0x3d: {  	_ =	shalt  }
0x3e: {  	_ =	shalt  }
0x3f: {  	_ =	shalt  }
0x40: {  	_ =	shalt  }
0x41: {  	_ =	shalt  }
0x42: {  	_ =	shalt  }
0x43: {  	_ =	shalt  }
0x44: {  	_ =	shalt  }
0x45: {  	_ =	shalt  }
0x46: {  	_ =	shalt  }
0x47: {  	_ =	shalt  }
0x48: {  	_ =	shalt  }
0x49: {  	_ =	shalt  }
0x4a: {  	_ =	shalt  }
0x4b: {  	_ =	shalt  }
0x4c: {  	_ =	shalt  }
0x4d: {  	_ =	shalt  }
0x4e: {  	_ =	shalt  }
0x4f: {  	_ =	shalt  }
0x50: {  	_ =	shalt  }
0x51: {  	_ =	shalt  }
0x52: {  	_ =	shalt  }
0x53: {  	_ =	shalt  }
0x54: {  	_ =	shalt  }
0x55: {  	_ =	shalt  }
0x56: {  	_ =	shalt  }
0x57: {  	_ =	shalt  }
0x58: {  	_ =	shalt  }
0x59: {  	_ =	shalt  }
0x5a: {  	_ =	shalt  }
0x5b: {  	_ =	shalt  }
0x5c: {  	_ =	shalt  }
0x5d: {  	_ =	shalt  }
0x5e: {  	_ =	shalt  }
0x5f: {  	_ =	shalt  }
0x60: {  	_ =	shalt  }
0x61: {  	_ =	shalt  }
0x62: {  	_ =	shalt  }
0x63: {  	_ =	shalt  }
0x64: {  	_ =	shalt  }
0x65: {  	_ =	shalt  }
0x66: {  	_ =	shalt  }
0x67: {  	_ =	shalt  }
0x68: {  	_ =	shalt  }
0x69: {  	_ =	shalt  }
0x6a: {  	_ =	shalt  }
0x6b: {  	_ =	shalt  }
0x6c: {  	_ =	shalt  }
0x6d: {  	_ =	shalt  }
0x6e: {  	_ =	shalt  }
0x6f: {  	_ =	shalt  }
0x70: {  	_ =	shalt  }
0x71: {  	_ =	shalt  }
0x72: {  	_ =	shalt  }
0x73: {  	_ =	shalt  }
0x74: {  	_ =	shalt  }
0x75: {  	_ =	shalt  }
0x76: {  	_ =	shalt  }
0x77: {  	_ =	shalt  }
0x78: {  	_ =	shalt  }
0x79: {  	_ =	shalt  }
0x7a: {  	_ =	shalt  }
0x7b: {  	_ =	shalt  }
0x7c: {  	_ =	shalt  }
0x7d: {  	_ =	shalt  }
0x7e: {  	_ =	shalt  }
0x7f: {  	_ =	shalt  }
0x80: {  	_ =	shalt  }
0x81: {  	_ =	shalt  }
0x82: {  	_ =	shalt  }
0x83: {  	_ =	shalt  }
0x84: {  	_ =	shalt  }
0x85: {  	_ =	shalt  }
0x86: {  	_ =	shalt  }
0x87: {  	_ =	shalt  }
.Lfunc_end0:
.L_simem_size_0:
called_computation.1_lowered:
.L_overlay_start_0:
0x88: {  	s2 =	sld [smem:$0x3FD9]  }
0x89: {  	s3 =	sld [smem:$0x3FFE];
	_ =	sdelay $0x1  }
0x8a: {  	s1 =	srdreg.scid  }
0x8b: {  	s0 =	sand.u32 $0x1, s1  }
0x8c: {  	s14 =	sshll.u32 s0, $0xA;
	s2 =	sadd.s32 s3, s2  }
0x8d: {  	s2 =	sadd.s32 s2, s14  }
0x8e: {  	[smem:$0x3FC5] =	sst s2  }
0x8f: {  	_ = 	snop  }
0x90: {  	s2 =	sld [smem:$0x3FD0];
	_ =	sdelay $0x2  }
0x91: {  	s15 =	simm.s32 $0xA;
	s4 =	simm.s32 $0x10  }
0x92: {  	[smem:s4], [sflag:s15] =	dma.local [hbm:s2], $0x1  }
0x93: {  	_ =	swait.eq [sflag:s15], $0x1  }
0x94: {  	[sflag:s15] =	ssyncset.done $0x0  }
0x95: {  	s16 =	sld [smem:$0x10];
	[sflag:s15] =	ssyncadd.s32 $0xFFFFFFFF  }
0x96: {  	s17 =	sld [smem:$0x11];
	(tm) =	ssettm $0x1  }
0x97: {  	s18 =	sld [smem:$0x3FFB];
	_ =	sdelay $0x3  }
0x98: {  	_ =	strace s18  }
0x99: {  	s4 =	sld [smem:$0x3FFC];
	_ =	sdelay $0x3  }
0x9a: {  	_ =	strace s4  }
0x9b: {  	s4 =	sld [smem:$0x3FFD];
	_ =	sdelay $0x3  }
0x9c: {  	_ =	strace s4  }
0x9d: {  	_ =	strace $0x8FFFFFFF  }
0x9e: {  	s19 =	sld [smem:$0x3FDB];
	_ =	sdelay $0x1  }
0x9f: {  	s5 =	simm.s32 $_scs_section_size  }
0xa0: {  	s6 =	simm.s32 $_size__tile_overlayer_lowered;
	s7 =	simm.s32 $_tile_overlayer_lowered  }
0xa1: {  	s22 =	simm.s32 $0x1BFF;
	s21 =	sshll.u32 s7, $0x1;
	s4 =	sadd.s32 s5, s19  }
0xa2: {  	s8 =	simm.s32 $0x0;
	s20 =	sshll.u32 s6, $0x1;
	s6 =	sadd.s32 s21, s4  }
0xa3: {  	[timem:s8], [sflag:s22] =	dma.local [hbm:s6], s20  }
0xa4: {  	_ =	swait.ge [sflag:s22], s20  }
0xa5: {  	s5 =	ssub.s32 $0x0, s20;
	[sflag:s22] =	ssyncset.done $0x0  }
0xa6: {  	[sflag:s22] =	ssyncadd.s32 s5;
	_ =	sdelay $0x1  }
0xa7: {  	s23 =	simm.s32 $0x1B8B  }
0xa8: {  	_ =	swait.ge [sflag:s23], $0x1  }
0xa9: {  	[sflag:s23] =	ssyncset.done $0x0  }
0xaa: {  	s25 =	simm.s32 $0x1B8E;
	s24 =	sld [smem:$0x3FFE];
	[sflag:s23] =	ssyncadd.s32 $0xFFFFFFFF  }
0xab: {  	s26 =	simm.s32 $execute0_lowered;
	[smem:$0x3FD2] =	sst s25  }
0xac: {  	s6 =	sshll.u32 s26, $0x1;
	_ =	strace $0x80000049;
	[dreg:$0x1] =	wrdreg $0xFFFFFFFF  }
0xad: {  	s28 =	simm.s32 $_size_execute0_lowered;
	s4 =	sadd.s32 s4, s6;
	[dreg:$0x0] =	wrdreg $0x0  }
0xae: {  	s6 =	sshll.u32 s28, $0x1;
	[dreg:$0x2] =	wrdreg s4  }
0xaf: {  	[dreg:$0x3] =	wrdreg s6  }
0xb0: {  	[dreg:$0x4] =	wrdreg $0xC0  }
0xb1: {  	_ =	task [dreg:s8], $0x5FFFF  }
0xb2: {  	[dreg:$0x1] =	wrdreg $0xFFFFFFFF  }
0xb3: {  	[dreg:$0x0] =	wrdreg $0x60  }
0xb4: {  	[dreg:$0x2] =	wrdreg s24  }
0xb5: {  	[dreg:$0x3] =	wrdreg s16  }
0xb6: {  	[dreg:$0x4] =	wrdreg s17  }
0xb7: {  	[dreg:$0x5] =	wrdreg $0x9  }
0xb8: {  	_ =	task.clear_ibuf [dreg:s8], $0x6FFFF;
	_ =	strace $0x90000049  }
0xb9: {  	s29 =	simm.s32 $0x9;
	_ =	strace $0x8000004B  }
0xba: {  	_ =	swait.ge [sflag:s29], $0x1  }
0xbb: {  	[sflag:s29] =	ssyncadd.s32 $0xFFFFFFFF  }
0xbc: {  	_ =	strace $0x9000004B  }
0xbd: {  	_ =	sfence  }
0xbe: {  	s30 =	sld [smem:$0x0];
	_ =	sdelay $0x2  }
0xbf: {  	s31 =	sshll.u32 s1, $0xD;
	s1 =	sshrl.u32 s1, $0x2  }
0xc0: {  	s3 =	sand.u32 $0x4000, s31;
	s1 =	sadd.s32 s1, s30  }
0xc1: {  	s0 =	sor.u32 s3, s0;
	s1 =	sshll.u32 s1, $0x11  }
0xc2: {  	s0 =	sor.u32 s1, s0  }
0xc3: {  	s0 =	sadd.s32 $0x8F2B, s0  }
0xc4: {  	[sflag:s0] =	ssyncadd.remote.s32 $0x1  }
0xc5: {  	_ =	sfence.sel $0xFFFF  }
0xc6: {  	[dreg:$0x0] =	wrdreg $0xFFFFFFFF;
	(pc) =	sbr.abs _section_cstart, $3  }
0xc7: {  	[dreg:$0x1] =	wrdreg $0xFFFFFFFF  }
0xc8: {  	_ =	task.clear_ibuf [dreg:s8], $0x2FFFF;
	_ =	strace $0x9FFFFFFF  }
0xc9: {  	(tm) =	ssettm $0x7FFFFFFF  }
tec
execute0_lowered:
.L_overlay_start_1:
0x0: {  	(tag) =	ssettag $0x1  }
0x1: {  	s6 =	rddreg [dreg:$0x0]  }
0x2: {  	s7 =	rddreg [dreg:$0x1]  }
0x3: {  	s1 =	srdreg.scid;
	s0 =	stileid.u32  }
0x4: {  	s2 =	rddreg [dreg:$0x2];
	s3 =	simm.s32 $0x0;
	s10 =	simm.s32 $0x6400  }
0x5: {  	s11 =	simm.s32 $0x100;
	s12 =	simm.s32 $0x9600;
	s13 =	simm.s32 $0xD600  }
0x6: {  	s14 =	simm.s32 $0x1;
	s15 =	simm.s32 $0x11600;
	s16 =	simm.s32 $0x2  }
0x7: {  	s17 =	simm.s32 $0x4;
	s18 =	simm.s32 $0x15800;
	s19 =	simm.s32 $0x3  }
0x8: {  	s20 =	simm.s32 $0x0;
	s4 =	sand.u32 $0x1, s1;
	s5 =	sshll.u32 s0, $0x1  }
.Ltmp0:
0x9: {  	s1 =	rddreg [dreg:$0x3];
	s5 =	sor.u32 s4, s5;
	(pc) =	sbr.rel .LBB2_1-.Ltmp0, $4  }
0xa: {  	v0 =	vlaneseq.u32;
	[smem:$0x7FF] =	sst s3;
	s8 =	ssub.s32 $0x2, s4;
	s4 =	smul.u32 $0x6400, s5  }
0xb: {  	v0 =	vmul.u32 $0x108, v0;
	_ =	strace $0x8000004A;
	s9 =	sshrl.u32 s8, $0x1;
	s5 =	sadd.s32 $0x7A1E00, s6  }
0xc: {  	s6 =	sadd.s32 $0xC00, s6;
	s8 =	ssub.s32 s8, s9;
	s31 =	sshrl.u32 s4, $0x3  }
0xd: {  	v1 =	vadd.s32 $0x1080, v0;
	v2 =	vadd.s32 $0x2100, v0;
	v3 =	vadd.s32 $0x3180, v0;
	s9 =	simm.s32 $0x5;
	s8 =	smax.u32 s8, $0x1;
	s7 =	sadd.s32 s7, s31  }
.LBB2_16:
0xe: {  	s20 =	sadd.s32 $0x1, s20  }
0xf: {  	_ =	swait.ge [sflag:s19], $0x4000;
	p0 =	sne.s32 s20, s8  }
.Ltmp1:
0x10: {  	[sflag:s19] =	ssyncset.done $0x0;
	(pc) =	sbr.rel @!p0 .LBB2_17-.Ltmp1, $4  }
0x11: {  	[sflag:s19] =	ssyncadd.s32 $0xFFFFC000  }
0x12: {  	_ =	swait.ge [sflag:s17], $0x4000  }
0x13: {  	[sflag:s17] =	ssyncset.done $0x0  }
0x14: {  	[sflag:s17] =	ssyncadd.s32 $0xFFFFC000  }
.LBB2_1:
0x15: {  	[tilespmem:s3], [sflag:$0x5] =	stream.linear.gather [hbm4b:s7+s3], $0x6400, $0x38;
	[tilespmem:$0x19A00] =	vst v63  }
0x16: {  	_ =	swait.ge [sflag:s9], $0x6400  }
0x17: {  	[sflag:s9] =	ssyncset.done $0x0  }
0x18: {  	[sflag:s9] =	ssyncadd.s32 $0xFFFF9C00  }
0x19: {  	[tilespmem:s10], [sflag:$0x5] =	stream.linear.gather [hbm4b:s2+s3], $0x3200, $0x38;
	[tilespmem:$0x19A00] =	vst v63  }
0x1a: {  	_ =	swait.ge [sflag:s9], $0x3200  }
0x1b: {  	[sflag:s9] =	ssyncset.done $0x0  }
0x1c: {  	[sflag:s9] =	ssyncadd.s32 $0xFFFFCE00  }
0x1d: {  	[tilespmem:s12], [sflag:$0x1] =	stream.indirect.gather [hbm4b:s5+s11], $0x40, s3, s11, $0xb8;
	[tilespmem:$0x19A00] =	vst v63  }
0x1e: {  	s21 =	simm.s32 $0x0  }
0x1f: {  	[tilespmem:s13], [sflag:$0x2] =	stream.indirect.gather [hbm4b:s5+s11], $0x40, s11, s11, $0xb8;
	[tilespmem:$0x19A00] =	vst v63  }
.LBB2_2:
0x20: {  	_ =	swait.ge [sflag:s14], $0x4000  }
0x21: {  	p0 =	seq.s32 s21, $0x0;
	[sflag:s14] =	ssyncset.done $0x0  }
0x22: {  	s22 =	sshll.u32 s21, $0x9;
	s25 =	simm.s32 @!p0 $0x3;
	[sflag:s14] =	ssyncadd.s32 $0xFFFFC000  }
0x23: {  	s23 =	sadd.s32 s4, s22;
	_ =	swait.ge @!p0 [sflag:s25], $0x4000  }
0x24: {  	s24 =	sshrl.u32 s23, $0xC;
	[sflag:s25] =	ssyncset.done @!p0 $0x0  }
0x25: {  	[sflag:s25] =	ssyncadd.s32 @!p0 $0xFFFFC000;
	s25 =	sshll.u32 s24, $0x6  }
0x26: {  	s29 =	simm.s32 $0x9680;
	s26 =	simm.s32 $0x3;
	v9 =	vld [tilespmem:s25+$0x6400]  }
0x27: {  	v4 =	vmov s26;
	v7 =	vld [tilespmem:s29+$0x40]  }
0x28: {  	v13 =	vand.u32 $0xFF, v4  }
0x29: {  	s31 =	simm.s32 $0x0;
	v8 =	vadd.s32 v0, v13;
	v6 =	vld [tilespmem:s25+$0x6410]  }
0x2a: {  	s30 =	simm.s32 $0x1;
	s28 =	simm.s32 $0x2;
	v4 =	vmov s31;
	v10 =	vld [tilespmem:s29+$0xFFFFFF80]  }
0x2b: {  	v14 =	vmov s28;
	v12 =	vand.u32 $0xFC, v4;
	v4 =	vmov s30;
	v11 =	vld [tilespmem:s29+$0xFFFFFFC0]  }
0x2c: {  	v15 =	vadd.s32 v0, v12;
	v19 =	vand.u32 $0xFD, v4;
	v16 =	vld [tilespmem:s29+$0x0];
	v7 =	vadd.f32 v7, v9  }
0x2d: {  	v20 =	vand.u32 $0xFE, v14;
	v17 =	vadd.s32 v0, v19;
	v5 =	vld [tilespmem:s25+$0x6420]  }
0x2e: {  	v14 =	vadd.s32 v0, v20;
	v4 =	vld [tilespmem:s25+$0x6430];
	[tilespmem:v8+s15+$0x0] =	vst.idx.msk $0xffff, v7  }
0x2f: {  	v7 =	vadd.f32 v10, v9;
	v8 =	vld [tilespmem:s29+$0x50]  }
0x30: {  	v10 =	vadd.f32 v11, v9  }
0x31: {  	v11 =	vadd.s32 v1, v13;
	[tilespmem:v15+s15+$0x0] =	vst.idx.msk $0xffff, v7;
	v7 =	vadd.f32 v16, v9  }
0x32: {  	[tilespmem:v17+s15+$0x0] =	vst.idx.msk $0xffff, v10;
	v15 =	vld [tilespmem:s29+$0xFFFFFF90]  }
0x33: {  	v10 =	vld [tilespmem:s29+$0xFFFFFFD0];
	[tilespmem:v14+s15+$0x0] =	vst.idx.msk $0xffff, v7  }
0x34: {  	v14 =	vld [tilespmem:s29+$0x10];
	v7 =	vadd.f32 v8, v6  }
0x35: {  	s28 =	simm.s32 $0x7;
	s25 =	simm.s32 $0x9780;
	v16 =	vadd.s32 v1, v19  }
0x36: {  	s31 =	simm.s32 $0x4;
	v26 =	vadd.s32 v2, v13;
	v18 =	vld [tilespmem:s25+$0x40];
	v17 =	vadd.s32 v1, v20;
	[tilespmem:v11+s15+$0x0] =	vst.idx.msk $0xffff, v7;
	v7 =	vmov s28  }
0x37: {  	v21 =	vadd.s32 v1, v12;
	v8 =	vmov s31;
	v7 =	vand.u32 $0xFF, v7;
	v22 =	vld [tilespmem:s29+$0x60]  }
0x38: {  	s30 =	simm.s32 $0x5;
	v23 =	vld [tilespmem:s25+$0xFFFFFF80];
	v8 =	vand.u32 $0xFC, v8;
	v10 =	vadd.f32 v10, v6;
	v24 =	vadd.s32 v0, v7  }
0x39: {  	v25 =	vld [tilespmem:s25+$0xFFFFFFC0];
	s31 =	simm.s32 $0x6;
	v15 =	vadd.f32 v15, v6;
	v11 =	vadd.f32 v14, v6;
	v14 =	vmov s30  }
0x3a: {  	v27 =	vadd.s32 v0, v8;
	[tilespmem:v16+s15+$0x0] =	vst.idx.msk $0xffff, v10;
	v16 =	vmov s31;
	v10 =	vand.u32 $0xFD, v14;
	v14 =	vld [tilespmem:s25+$0x0]  }
0x3b: {  	[tilespmem:v17+s15+$0x0] =	vst.idx.msk $0xffff, v11;
	v17 =	vadd.s32 v0, v10;
	v11 =	vand.u32 $0xFE, v16;
	v16 =	vadd.f32 v18, v9;
	v18 =	vld [tilespmem:s29+$0xFFFFFFE0]  }
0x3c: {  	[tilespmem:v21+s15+$0x0] =	vst.idx.msk $0xffff, v15;
	v15 =	vadd.s32 v0, v11;
	v21 =	vld [tilespmem:s29+$0x20];
	v22 =	vadd.f32 v22, v5  }
0x3d: {  	v23 =	vadd.f32 v23, v9;
	[tilespmem:v24+s15+$0x0] =	vst.idx.msk $0xffff, v16;
	v16 =	vld [tilespmem:s29+$0xFFFFFFA0];
	v24 =	vadd.s32 v2, v19  }
0x3e: {  	v29 =	vadd.s32 v2, v20;
	v25 =	vadd.f32 v25, v9;
	v28 =	vld [tilespmem:s25+$0x50];
	[tilespmem:v26+s15+$0x0] =	vst.idx.msk $0xffff, v22  }
0x3f: {  	[tilespmem:v27+s15+$0x0] =	vst.idx.msk $0xffff, v23;
	v23 =	vadd.s32 v2, v12;
	v14 =	vadd.f32 v14, v9;
	v26 =	vld [tilespmem:s29+$0x70]  }
0x40: {  	v27 =	vld [tilespmem:s25+$0xFFFFFF90];
	[tilespmem:v17+s15+$0x0] =	vst.idx.msk $0xffff, v25;
	v25 =	vadd.s32 v1, v7;
	v18 =	vadd.f32 v18, v5  }
0x41: {  	v31 =	vadd.s32 v3, v13;
	v30 =	vld [tilespmem:s25+$0xFFFFFFD0];
	[tilespmem:v15+s15+$0x0] =	vst.idx.msk $0xffff, v14;
	v14 =	vadd.f32 v21, v5  }
0x42: {  	v22 =	vadd.s32 v1, v8;
	v17 =	vld [tilespmem:s25+$0x10];
	v13 =	vadd.f32 v16, v5;
	[tilespmem:v24+s15+$0x0] =	vst.idx.msk $0xffff, v18  }
0x43: {  	s28 =	simm.s32 $0x8;
	v21 =	vadd.s32 v1, v10;
	[tilespmem:v29+s15+$0x0] =	vst.idx.msk $0xffff, v14;
	v18 =	vadd.f32 v28, v6;
	v16 =	vld [tilespmem:s29+$0xFFFFFFF0]  }
0x44: {  	v24 =	vmov s28;
	v14 =	vadd.s32 v1, v11;
	v15 =	vld [tilespmem:s29+$0x30];
	[tilespmem:v23+s15+$0x0] =	vst.idx.msk $0xffff, v13;
	v63 =	vadd.f32 v26, v4  }
0x45: {  	s26 =	simm.s32 $0x9880;
	s30 =	simm.s32 $0xB;
	v19 =	vadd.s32 v3, v19;
	v13 =	vand.u32 $0xFC, v24;
	v24 =	vadd.f32 v27, v6;
	[tilespmem:v25+s15+$0x0] =	vst.idx.msk $0xffff, v18;
	v18 =	vld [tilespmem:s29+$0xFFFFFFB0]  }
0x46: {  	v20 =	vadd.s32 v3, v20;
	v26 =	vmov s30;
	v23 =	vld [tilespmem:s26+$0x40];
	s29 =	simm.s32 $0xC;
	v25 =	vadd.f32 v30, v6;
	[tilespmem:v31+s15+$0x0] =	vst.idx.msk $0xffff, v63  }
.LBB2_3:
0x47: {  	p1 =	slt.u32 s29, $0xFC;
	s30 =	sadd.s32 $0x1, s28;
	v26 =	vand.u32 $0xFF, v26;
	[tilespmem:v22+s15+$0x0] =	vst.idx.msk $0xffff, v24;
	v17 =	vadd.f32 v17, v6;
	v22 =	vld [tilespmem:s25+$0x60];
	v24 =	vadd.s32 v3, v12  }
0x48: {  	v30 =	vmovc v11;
	v27 =	vld [tilespmem:s26+$0xFFFFFF80];
	v28 =	vmov s30;
	s30 =	sadd.s32 $0x2, s28;
	v29 =	vadd.s32 v0, v26;
	[tilespmem:v21+s15+$0x0] =	vst.idx.msk $0xffff, v25;
	v16 =	vadd.f32 v16, v4;
	s28 =	smov.u32 s29  }
0x49: {  	v12 =	vmovc v8;
	v21 =	vld [tilespmem:s26+$0xFFFFFFC0];
	v11 =	vmov s30;
	[tilespmem:v14+s15+$0x0] =	vst.idx.msk $0xffff, v17;
	v14 =	vadd.s32 v2, v7;
	v15 =	vadd.f32 v15, v4  }
0x4a: {  	v17 =	vadd.s32 v0, v13;
	v28 =	vand.u32 $0xFD, v28;
	v25 =	vld [tilespmem:s26+$0x0];
	v31 =	vadd.f32 v18, v4;
	[tilespmem:v19+s15+$0x0] =	vst.idx.msk $0xffff, v16  }
0x4b: {  	v16 =	vadd.s32 v0, v28;
	v11 =	vand.u32 $0xFE, v11;
	v18 =	vadd.f32 v23, v9;
	v19 =	vld [tilespmem:s25+$0xFFFFFFE0];
	[tilespmem:v20+s15+$0x0] =	vst.idx.msk $0xffff, v15  }
0x4c: {  	v8 =	vmov v13;
	v15 =	vadd.s32 v0, v11;
	v20 =	vld [tilespmem:s25+$0x20];
	v22 =	vadd.f32 v22, v5;
	[tilespmem:v24+s15+$0x0] =	vst.idx.msk $0xffff, v31  }
0x4d: {  	v23 =	vadd.s32 v2, v10;
	v13 =	vadd.f32 v27, v9;
	[tilespmem:v29+s15+$0x0] =	vst.idx.msk $0xffff, v18;
	v18 =	vld [tilespmem:s25+$0xFFFFFFA0]  }
0x4e: {  	v27 =	vadd.s32 v2, v30;
	v21 =	vadd.f32 v21, v9;
	v24 =	vld [tilespmem:s26+$0x50];
	[tilespmem:v14+s15+$0x0] =	vst.idx.msk $0xffff, v22  }
0x4f: {  	[tilespmem:v17+s15+$0x0] =	vst.idx.msk $0xffff, v13;
	v13 =	vadd.f32 v25, v9;
	v25 =	vadd.s32 v2, v12;
	v29 =	vld [tilespmem:s25+$0x70]  }
0x50: {  	v32 =	vadd.s32 v1, v26;
	v31 =	vld [tilespmem:s26+$0xFFFFFF90];
	[tilespmem:v16+s15+$0x0] =	vst.idx.msk $0xffff, v21;
	v14 =	vadd.f32 v19, v5  }
0x51: {  	v34 =	vadd.s32 v3, v7;
	v7 =	vmov v26;
	v33 =	vld [tilespmem:s26+$0xFFFFFFD0];
	[tilespmem:v15+s15+$0x0] =	vst.idx.msk $0xffff, v13;
	v13 =	vadd.f32 v20, v5  }
.Ltmp2:
0x52: {  	v22 =	vadd.s32 v1, v8;
	v17 =	vld [tilespmem:s26+$0x10];
	v15 =	vadd.f32 v18, v5;
	[tilespmem:v23+s15+$0x0] =	vst.idx.msk $0xffff, v14;
	(pc) =	sbr.rel @p1 .LBB2_3-.Ltmp2, $4  }
0x53: {  	v21 =	vadd.s32 v1, v28;
	v18 =	vadd.f32 v24, v6;
	v16 =	vld [tilespmem:s25+$0xFFFFFFF0];
	[tilespmem:v27+s15+$0x0] =	vst.idx.msk $0xffff, v13  }
0x54: {  	v14 =	vadd.s32 v1, v11;
	v13 =	vmov s29;
	[tilespmem:v25+s15+$0x0] =	vst.idx.msk $0xffff, v15;
	v15 =	vld [tilespmem:s25+$0x30];
	v27 =	vadd.f32 v29, v4  }
0x55: {  	s30 =	sadd.s32 $0x3, s29;
	v19 =	vadd.s32 v3, v10;
	v13 =	vand.u32 $0xFC, v13;
	v24 =	vadd.f32 v31, v6;
	[tilespmem:v32+s15+$0x0] =	vst.idx.msk $0xffff, v18;
	v18 =	vld [tilespmem:s25+$0xFFFFFFB0];
	s25 =	smov.u32 s26;
	s26 =	sadd.s32 $0x100, s26  }
0x56: {  	v26 =	vmov s30;
	v10 =	vmovc v28;
	v20 =	vadd.s32 v3, v30;
	s29 =	sadd.s32 $0x4, s29;
	v23 =	vld [tilespmem:s26+$0x40];
	v25 =	vadd.f32 v33, v6;
	[tilespmem:v34+s15+$0x0] =	vst.idx.msk $0xffff, v27  }
0x57: {  	s29 =	sadd.s32 $0x1, s28  }
0x58: {  	v26 =	vand.u32 $0xFF, v26;
	s28 =	sadd.s32 $0x2, s28;
	v28 =	vld [tilespmem:s26+$0xFFFFFFC0];
	v27 =	vmov s29  }
0x59: {  	v31 =	vld [tilespmem:s26+$0x0];
	v29 =	vadd.s32 v0, v26;
	v30 =	vmov s28;
	v27 =	vand.u32 $0xFD, v27  }
0x5a: {  	v32 =	vld [tilespmem:s26+$0xFFFFFF80];
	v30 =	vand.u32 $0xFE, v30;
	v33 =	vadd.s32 v0, v27  }
0x5b: {  	v34 =	vadd.s32 v0, v30  }
0x5c: {  	[tilespmem:v22+s15+$0x0] =	vst.idx.msk $0xffff, v24;
	v44 =	vadd.s32 v0, v13;
	v23 =	vadd.f32 v23, v9  }
0x5d: {  	[tilespmem:v21+s15+$0x0] =	vst.idx.msk $0xffff, v25;
	v45 =	vadd.f32 v28, v9  }
0x5e: {  	v46 =	vadd.f32 v31, v9;
	[tilespmem:v29+s15+$0x0] =	vst.idx.msk $0xffff, v23  }
0x5f: {  	v47 =	vadd.f32 v32, v9;
	v48 =	vld [tilespmem:s26+$0x50];
	[tilespmem:v33+s15+$0x0] =	vst.idx.msk $0xffff, v45  }
0x60: {  	v17 =	vadd.f32 v17, v6;
	v12 =	vadd.s32 v3, v12;
	[tilespmem:v34+s15+$0x0] =	vst.idx.msk $0xffff, v46;
	v21 =	vld [tilespmem:s26+$0xFFFFFFD0]  }
0x61: {  	v16 =	vadd.f32 v16, v4;
	v49 =	vadd.s32 v1, v26;
	[tilespmem:v44+s15+$0x0] =	vst.idx.msk $0xffff, v47;
	v50 =	vld [tilespmem:s26+$0x10]  }
0x62: {  	[tilespmem:v14+s15+$0x0] =	vst.idx.msk $0xffff, v17;
	v51 =	vadd.f32 v15, v4;
	v53 =	vadd.s32 v1, v27;
	v52 =	vld [tilespmem:s26+$0xFFFFFF90]  }
0x63: {  	v54 =	vld [tilespmem:s25+$0x60];
	v18 =	vadd.f32 v18, v4;
	[tilespmem:v19+s15+$0x0] =	vst.idx.msk $0xffff, v16;
	v55 =	vadd.s32 v1, v30  }
0x64: {  	v57 =	vadd.s32 v1, v13;
	v60 =	vld [tilespmem:s25+$0x20];
	[tilespmem:v20+s15+$0x0] =	vst.idx.msk $0xffff, v51;
	v58 =	vadd.f32 v48, v6  }
0x65: {  	v59 =	vadd.s32 v2, v7;
	v56 =	vld [tilespmem:s25+$0xFFFFFFE0];
	[tilespmem:v12+s15+$0x0] =	vst.idx.msk $0xffff, v18;
	v61 =	vadd.f32 v21, v6  }
0x66: {  	v62 =	vld [tilespmem:s25+$0xFFFFFFA0];
	v29 =	vadd.s32 v2, v11;
	[tilespmem:v49+s15+$0x0] =	vst.idx.msk $0xffff, v58;
	v28 =	vadd.f32 v50, v6  }
0x67: {  	v63 =	vadd.s32 v2, v10;
	v31 =	vadd.f32 v52, v6;
	v32 =	vld [tilespmem:s26+$0x60];
	[tilespmem:v53+s15+$0x0] =	vst.idx.msk $0xffff, v61  }
0x68: {  	v33 =	vadd.f32 v54, v5;
	v34 =	vadd.s32 v2, v8;
	[tilespmem:v55+s15+$0x0] =	vst.idx.msk $0xffff, v28;
	v35 =	vld [tilespmem:s26+$0xFFFFFFE0]  }
0x69: {  	v37 =	vadd.s32 v2, v26;
	v39 =	vadd.f32 v60, v5;
	[tilespmem:v57+s15+$0x0] =	vst.idx.msk $0xffff, v31;
	v38 =	vld [tilespmem:s26+$0x20]  }
0x6a: {  	v41 =	vadd.s32 v2, v27;
	v36 =	vadd.f32 v56, v5;
	[tilespmem:v59+s15+$0x0] =	vst.idx.msk $0xffff, v33;
	v40 =	vld [tilespmem:s26+$0xFFFFFFA0]  }
0x6b: {  	v43 =	vadd.s32 v2, v30;
	v18 =	vadd.f32 v62, v5;
	v42 =	vld [tilespmem:s25+$0x70];
	[tilespmem:v29+s15+$0x0] =	vst.idx.msk $0xffff, v39  }
0x6c: {  	v45 =	vadd.s32 v2, v13;
	[tilespmem:v63+s15+$0x0] =	vst.idx.msk $0xffff, v36;
	v47 =	vld [tilespmem:s25+$0x30];
	v44 =	vadd.f32 v32, v5  }
0x6d: {  	v46 =	vadd.s32 v3, v7;
	[tilespmem:v34+s15+$0x0] =	vst.idx.msk $0xffff, v18;
	v21 =	vld [tilespmem:s25+$0xFFFFFFF0];
	v9 =	vadd.f32 v35, v5  }
0x6e: {  	v18 =	vld [tilespmem:s25+$0xFFFFFFB0];
	v50 =	vadd.s32 v3, v11;
	[tilespmem:v37+s15+$0x0] =	vst.idx.msk $0xffff, v44;
	v49 =	vadd.f32 v38, v5  }
0x6f: {  	v48 =	vadd.s32 v3, v10;
	v5 =	vadd.f32 v40, v5;
	v12 =	vld [tilespmem:s26+$0x70];
	[tilespmem:v41+s15+$0x0] =	vst.idx.msk $0xffff, v9  }
0x70: {  	v52 =	vadd.s32 v3, v8;
	v51 =	vadd.f32 v42, v4;
	[tilespmem:v43+s15+$0x0] =	vst.idx.msk $0xffff, v49;
	v53 =	vld [tilespmem:s26+$0xFFFFFFF0]  }
0x71: {  	v55 =	vadd.s32 v3, v26;
	v56 =	vadd.f32 v47, v4;
	[tilespmem:v45+s15+$0x0] =	vst.idx.msk $0xffff, v5;
	v5 =	vld [tilespmem:s26+$0x30]  }
0x72: {  	v58 =	vadd.s32 v3, v27;
	[tilespmem:v46+s15+$0x0] =	vst.idx.msk $0xffff, v51;
	v54 =	vadd.f32 v21, v4;
	v57 =	vld [tilespmem:s26+$0xFFFFFFB0]  }
0x73: {  	v60 =	vadd.s32 v3, v30;
	v59 =	vadd.f32 v18, v4;
	[tilespmem:v50+s15+$0x0] =	vst.idx.msk $0xffff, v56  }
0x74: {  	v62 =	vadd.s32 v3, v13;
	[tilespmem:v48+s15+$0x0] =	vst.idx.msk $0xffff, v54;
	v61 =	vadd.f32 v12, v4  }
0x75: {  	s23 =	sand.u32 $0xE00, s23;
	s24 =	sshll.u32 s24, $0x12;
	[tilespmem:v52+s15+$0x0] =	vst.idx.msk $0xffff, v59;
	v63 =	vadd.f32 v53, v4  }
0x76: {  	s23 =	sor.u32 s23, s24;
	[tilespmem:v55+s15+$0x0] =	vst.idx.msk $0xffff, v61;
	v5 =	vadd.f32 v5, v4  }
0x77: {  	s23 =	sshrl.u32 s23, $0x3;
	v4 =	vadd.f32 v57, v4;
	[tilespmem:v58+s15+$0x0] =	vst.idx.msk $0xffff, v63  }
0x78: {  	s24 =	simm.s32 $0x11600;
	s23 =	sadd.s32 s6, s23;
	[tilespmem:v60+s15+$0x0] =	vst.idx.msk $0xffff, v5  }
0x79: {  	s28 =	sadd.s32 $0x0, s23;
	s25 =	simm.s32 $0x200;
	s26 =	simm.s32 $0x11708;
	[tilespmem:v62+s15+$0x0] =	vst.idx.msk $0xffff, v4  }
.LBB2_5:
0x7a: {  	[hbm4b:s28+s3] =	stream.linear.scatter [tilespmem:s24], [sflag:$0x3], $0x100, $0x38;
	[tilespmem:$0x19A00] =	vst v63  }
0x7b: {  	s28 =	smov.u32 s25;
	s24 =	smov.u32 s26;
	p1 =	sne.s32 s25, $0x7E00  }
.Ltmp3:
0x7c: {  	s25 =	sadd.s32 $0x200, s25;
	(pc) =	sbr.rel @p1 .LBB2_5-.Ltmp3, $2  }
0x7d: {  	_ =	sdelay $0x2  }
0x7e: {  	s26 =	sadd.s32 $0x108, s26;
	s28 =	sadd.s32 s28, s23  }
0x7f: {  	p1 =	sne.s32 s21, $0x31  }
.Ltmp4:
0x80: {  	_ = 	snop;
	(pc) =	sbr.rel @p1 .LBB2_8-.Ltmp4, $2  }
0x81: {  	_ =	sdelay $0x2  }
0x82: {  	[hbm4b:s28+s3] =	stream.linear.scatter [tilespmem:s24], [sflag:$0x3], $0x100, $0x38;
	[tilespmem:$0x19A00] =	vst v63  }
.Ltmp5:
0x83: {  	(pc) =	sbr.rel .LBB2_9-.Ltmp5, $4  }
0x84: {  	_ = 	snop  }
0x85: {  	_ =	swait.ge [sflag:s16], $0x4000  }
0x86: {  	[sflag:s16] =	ssyncset.done $0x0  }
0x87: {  	[sflag:s16] =	ssyncadd.s32 $0xFFFFC000  }
.LBB2_8:
0x88: {  	s23 =	sand.u32 $0x3FFFFE00, s22  }
.Ltmp6:
0x89: {  	s23 =	sadd.s32 $0x200, s23;
	(pc) =	sbr.rel @p0 .LBB2_10-.Ltmp6, $4  }
0x8a: {  	[tilespmem:s12], [sflag:$0x1] =	stream.indirect.gather [hbm4b:s5+s11], $0x40, s23, s11, $0xb8;
	[tilespmem:$0x19A00] =	vst v63  }
0x8b: {  	_ =	swait.ge [sflag:s16], $0x4000  }
0x8c: {  	[sflag:s16] =	ssyncset.done $0x0  }
0x8d: {  	[sflag:s16] =	ssyncadd.s32 $0xFFFFC000  }
.LBB2_9:
0x8e: {  	_ =	swait.ge [sflag:s17], $0x4000  }
0x8f: {  	[sflag:s17] =	ssyncset.done $0x0  }
0x90: {  	[sflag:s17] =	ssyncadd.s32 $0xFFFFC000  }
.LBB2_10:
0x91: {  	s23 =	sadd.s32 s22, s4  }
0x92: {  	s23 =	sadd.s32 $0x100, s23  }
0x93: {  	s29 =	simm.s32 $0xD680;
	s24 =	sshrl.u32 s23, $0xC  }
0x94: {  	s26 =	simm.s32 $0x3;
	v7 =	vld [tilespmem:s29+$0x40];
	s25 =	sshll.u32 s24, $0x6  }
0x95: {  	v4 =	vmov s26;
	v9 =	vld [tilespmem:s25+$0x6400]  }
0x96: {  	v13 =	vand.u32 $0xFF, v4  }
0x97: {  	s31 =	simm.s32 $0x0;
	v10 =	vld [tilespmem:s29+$0xFFFFFF80];
	v8 =	vadd.s32 v0, v13  }
0x98: {  	s30 =	simm.s32 $0x1;
	s28 =	simm.s32 $0x2;
	v11 =	vld [tilespmem:s29+$0xFFFFFFC0];
	v4 =	vmov s31  }
0x99: {  	v14 =	vmov s28;
	v16 =	vld [tilespmem:s29+$0x0];
	v12 =	vand.u32 $0xFC, v4;
	v4 =	vmov s30  }
0x9a: {  	v6 =	vld [tilespmem:s25+$0x6410];
	v15 =	vadd.s32 v0, v12;
	v19 =	vand.u32 $0xFD, v4;
	v7 =	vadd.f32 v7, v9  }
0x9b: {  	v20 =	vand.u32 $0xFE, v14;
	v5 =	vld [tilespmem:s25+$0x6420];
	v17 =	vadd.s32 v0, v19  }
0x9c: {  	v14 =	vadd.s32 v0, v20;
	v4 =	vld [tilespmem:s25+$0x6430];
	[tilespmem:v8+s18+$0x0] =	vst.idx.msk $0xffff, v7  }
0x9d: {  	v7 =	vadd.f32 v10, v9;
	v8 =	vld [tilespmem:s29+$0x50]  }
0x9e: {  	v10 =	vadd.f32 v11, v9  }
0x9f: {  	v11 =	vadd.s32 v1, v13;
	[tilespmem:v15+s18+$0x0] =	vst.idx.msk $0xffff, v7;
	v7 =	vadd.f32 v16, v9  }
0xa0: {  	[tilespmem:v17+s18+$0x0] =	vst.idx.msk $0xffff, v10;
	v15 =	vld [tilespmem:s29+$0xFFFFFF90]  }
0xa1: {  	v10 =	vld [tilespmem:s29+$0xFFFFFFD0];
	[tilespmem:v14+s18+$0x0] =	vst.idx.msk $0xffff, v7  }
0xa2: {  	v14 =	vld [tilespmem:s29+$0x10];
	v7 =	vadd.f32 v8, v6  }
0xa3: {  	s28 =	simm.s32 $0x7;
	s25 =	simm.s32 $0xD780;
	v16 =	vadd.s32 v1, v19  }
0xa4: {  	s31 =	simm.s32 $0x4;
	v26 =	vadd.s32 v2, v13;
	v18 =	vld [tilespmem:s25+$0x40];
	v17 =	vadd.s32 v1, v20;
	[tilespmem:v11+s18+$0x0] =	vst.idx.msk $0xffff, v7;
	v7 =	vmov s28  }
0xa5: {  	v21 =	vadd.s32 v1, v12;
	v8 =	vmov s31;
	v7 =	vand.u32 $0xFF, v7;
	v22 =	vld [tilespmem:s29+$0x60]  }
0xa6: {  	s30 =	simm.s32 $0x5;
	v23 =	vld [tilespmem:s25+$0xFFFFFF80];
	v8 =	vand.u32 $0xFC, v8;
	v10 =	vadd.f32 v10, v6;
	v24 =	vadd.s32 v0, v7  }
0xa7: {  	v25 =	vld [tilespmem:s25+$0xFFFFFFC0];
	s31 =	simm.s32 $0x6;
	v15 =	vadd.f32 v15, v6;
	v11 =	vadd.f32 v14, v6;
	v14 =	vmov s30  }
0xa8: {  	v27 =	vadd.s32 v0, v8;
	[tilespmem:v16+s18+$0x0] =	vst.idx.msk $0xffff, v10;
	v16 =	vmov s31;
	v10 =	vand.u32 $0xFD, v14;
	v14 =	vld [tilespmem:s25+$0x0]  }
0xa9: {  	[tilespmem:v17+s18+$0x0] =	vst.idx.msk $0xffff, v11;
	v17 =	vadd.s32 v0, v10;
	v11 =	vand.u32 $0xFE, v16;
	v16 =	vadd.f32 v18, v9;
	v18 =	vld [tilespmem:s29+$0xFFFFFFE0]  }
0xaa: {  	[tilespmem:v21+s18+$0x0] =	vst.idx.msk $0xffff, v15;
	v15 =	vadd.s32 v0, v11;
	v21 =	vld [tilespmem:s29+$0x20];
	v22 =	vadd.f32 v22, v5  }
0xab: {  	v23 =	vadd.f32 v23, v9;
	[tilespmem:v24+s18+$0x0] =	vst.idx.msk $0xffff, v16;
	v16 =	vld [tilespmem:s29+$0xFFFFFFA0];
	v24 =	vadd.s32 v2, v19  }
0xac: {  	v29 =	vadd.s32 v2, v20;
	v25 =	vadd.f32 v25, v9;
	v28 =	vld [tilespmem:s25+$0x50];
	[tilespmem:v26+s18+$0x0] =	vst.idx.msk $0xffff, v22  }
0xad: {  	[tilespmem:v27+s18+$0x0] =	vst.idx.msk $0xffff, v23;
	v23 =	vadd.s32 v2, v12;
	v14 =	vadd.f32 v14, v9;
	v26 =	vld [tilespmem:s29+$0x70]  }
0xae: {  	v27 =	vld [tilespmem:s25+$0xFFFFFF90];
	[tilespmem:v17+s18+$0x0] =	vst.idx.msk $0xffff, v25;
	v25 =	vadd.s32 v1, v7;
	v18 =	vadd.f32 v18, v5  }
0xaf: {  	v31 =	vadd.s32 v3, v13;
	v30 =	vld [tilespmem:s25+$0xFFFFFFD0];
	[tilespmem:v15+s18+$0x0] =	vst.idx.msk $0xffff, v14;
	v14 =	vadd.f32 v21, v5  }
0xb0: {  	v22 =	vadd.s32 v1, v8;
	v17 =	vld [tilespmem:s25+$0x10];
	v13 =	vadd.f32 v16, v5;
	[tilespmem:v24+s18+$0x0] =	vst.idx.msk $0xffff, v18  }
0xb1: {  	s28 =	simm.s32 $0x8;
	v21 =	vadd.s32 v1, v10;
	[tilespmem:v29+s18+$0x0] =	vst.idx.msk $0xffff, v14;
	v18 =	vadd.f32 v28, v6;
	v16 =	vld [tilespmem:s29+$0xFFFFFFF0]  }
0xb2: {  	v24 =	vmov s28;
	v14 =	vadd.s32 v1, v11;
	v15 =	vld [tilespmem:s29+$0x30];
	[tilespmem:v23+s18+$0x0] =	vst.idx.msk $0xffff, v13;
	v63 =	vadd.f32 v26, v4  }
0xb3: {  	s26 =	simm.s32 $0xD880;
	s30 =	simm.s32 $0xB;
	v19 =	vadd.s32 v3, v19;
	v13 =	vand.u32 $0xFC, v24;
	v24 =	vadd.f32 v27, v6;
	[tilespmem:v25+s18+$0x0] =	vst.idx.msk $0xffff, v18;
	v18 =	vld [tilespmem:s29+$0xFFFFFFB0]  }
0xb4: {  	v20 =	vadd.s32 v3, v20;
	v26 =	vmov s30;
	v23 =	vld [tilespmem:s26+$0x40];
	s29 =	simm.s32 $0xC;
	v25 =	vadd.f32 v30, v6;
	[tilespmem:v31+s18+$0x0] =	vst.idx.msk $0xffff, v63  }
.LBB2_11:
0xb5: {  	p0 =	slt.u32 s29, $0xFC;
	s30 =	sadd.s32 $0x1, s28;
	v26 =	vand.u32 $0xFF, v26;
	[tilespmem:v22+s18+$0x0] =	vst.idx.msk $0xffff, v24;
	v17 =	vadd.f32 v17, v6;
	v22 =	vld [tilespmem:s25+$0x60];
	v24 =	vadd.s32 v3, v12  }
0xb6: {  	v30 =	vmovc v11;
	v27 =	vld [tilespmem:s26+$0xFFFFFF80];
	v28 =	vmov s30;
	s30 =	sadd.s32 $0x2, s28;
	v29 =	vadd.s32 v0, v26;
	[tilespmem:v21+s18+$0x0] =	vst.idx.msk $0xffff, v25;
	v16 =	vadd.f32 v16, v4;
	s28 =	smov.u32 s29  }
0xb7: {  	v12 =	vmovc v8;
	v21 =	vld [tilespmem:s26+$0xFFFFFFC0];
	v11 =	vmov s30;
	[tilespmem:v14+s18+$0x0] =	vst.idx.msk $0xffff, v17;
	v14 =	vadd.s32 v2, v7;
	v15 =	vadd.f32 v15, v4  }
0xb8: {  	v17 =	vadd.s32 v0, v13;
	v28 =	vand.u32 $0xFD, v28;
	v25 =	vld [tilespmem:s26+$0x0];
	v31 =	vadd.f32 v18, v4;
	[tilespmem:v19+s18+$0x0] =	vst.idx.msk $0xffff, v16  }
0xb9: {  	v16 =	vadd.s32 v0, v28;
	v11 =	vand.u32 $0xFE, v11;
	v18 =	vadd.f32 v23, v9;
	v19 =	vld [tilespmem:s25+$0xFFFFFFE0];
	[tilespmem:v20+s18+$0x0] =	vst.idx.msk $0xffff, v15  }
0xba: {  	v8 =	vmov v13;
	v15 =	vadd.s32 v0, v11;
	v20 =	vld [tilespmem:s25+$0x20];
	v22 =	vadd.f32 v22, v5;
	[tilespmem:v24+s18+$0x0] =	vst.idx.msk $0xffff, v31  }
0xbb: {  	v23 =	vadd.s32 v2, v10;
	v13 =	vadd.f32 v27, v9;
	[tilespmem:v29+s18+$0x0] =	vst.idx.msk $0xffff, v18;
	v18 =	vld [tilespmem:s25+$0xFFFFFFA0]  }
0xbc: {  	v27 =	vadd.s32 v2, v30;
	v21 =	vadd.f32 v21, v9;
	v24 =	vld [tilespmem:s26+$0x50];
	[tilespmem:v14+s18+$0x0] =	vst.idx.msk $0xffff, v22  }
0xbd: {  	[tilespmem:v17+s18+$0x0] =	vst.idx.msk $0xffff, v13;
	v13 =	vadd.f32 v25, v9;
	v25 =	vadd.s32 v2, v12;
	v29 =	vld [tilespmem:s25+$0x70]  }
0xbe: {  	v32 =	vadd.s32 v1, v26;
	v31 =	vld [tilespmem:s26+$0xFFFFFF90];
	[tilespmem:v16+s18+$0x0] =	vst.idx.msk $0xffff, v21;
	v14 =	vadd.f32 v19, v5  }
0xbf: {  	v34 =	vadd.s32 v3, v7;
	v7 =	vmov v26;
	v33 =	vld [tilespmem:s26+$0xFFFFFFD0];
	[tilespmem:v15+s18+$0x0] =	vst.idx.msk $0xffff, v13;
	v13 =	vadd.f32 v20, v5  }
.Ltmp7:
0xc0: {  	v22 =	vadd.s32 v1, v8;
	v17 =	vld [tilespmem:s26+$0x10];
	v15 =	vadd.f32 v18, v5;
	[tilespmem:v23+s18+$0x0] =	vst.idx.msk $0xffff, v14;
	(pc) =	sbr.rel @p0 .LBB2_11-.Ltmp7, $4  }
0xc1: {  	v21 =	vadd.s32 v1, v28;
	v18 =	vadd.f32 v24, v6;
	v16 =	vld [tilespmem:s25+$0xFFFFFFF0];
	[tilespmem:v27+s18+$0x0] =	vst.idx.msk $0xffff, v13  }
0xc2: {  	v14 =	vadd.s32 v1, v11;
	v13 =	vmov s29;
	[tilespmem:v25+s18+$0x0] =	vst.idx.msk $0xffff, v15;
	v15 =	vld [tilespmem:s25+$0x30];
	v27 =	vadd.f32 v29, v4  }
0xc3: {  	s30 =	sadd.s32 $0x3, s29;
	v19 =	vadd.s32 v3, v10;
	v13 =	vand.u32 $0xFC, v13;
	v24 =	vadd.f32 v31, v6;
	[tilespmem:v32+s18+$0x0] =	vst.idx.msk $0xffff, v18;
	v18 =	vld [tilespmem:s25+$0xFFFFFFB0];
	s25 =	smov.u32 s26;
	s26 =	sadd.s32 $0x100, s26  }
0xc4: {  	v26 =	vmov s30;
	v10 =	vmovc v28;
	v20 =	vadd.s32 v3, v30;
	s29 =	sadd.s32 $0x4, s29;
	v23 =	vld [tilespmem:s26+$0x40];
	v25 =	vadd.f32 v33, v6;
	[tilespmem:v34+s18+$0x0] =	vst.idx.msk $0xffff, v27  }
0xc5: {  	s29 =	sadd.s32 $0x1, s28  }
0xc6: {  	v26 =	vand.u32 $0xFF, v26;
	s28 =	sadd.s32 $0x2, s28;
	v28 =	vld [tilespmem:s26+$0xFFFFFFC0];
	v27 =	vmov s29  }
0xc7: {  	v31 =	vld [tilespmem:s26+$0x0];
	v29 =	vadd.s32 v0, v26;
	v30 =	vmov s28;
	v27 =	vand.u32 $0xFD, v27  }
0xc8: {  	v32 =	vld [tilespmem:s26+$0xFFFFFF80];
	v30 =	vand.u32 $0xFE, v30;
	v33 =	vadd.s32 v0, v27  }
0xc9: {  	v34 =	vadd.s32 v0, v30  }
0xca: {  	[tilespmem:v22+s18+$0x0] =	vst.idx.msk $0xffff, v24;
	v44 =	vadd.s32 v0, v13;
	v23 =	vadd.f32 v23, v9  }
0xcb: {  	[tilespmem:v21+s18+$0x0] =	vst.idx.msk $0xffff, v25;
	v45 =	vadd.f32 v28, v9  }
0xcc: {  	v46 =	vadd.f32 v31, v9;
	[tilespmem:v29+s18+$0x0] =	vst.idx.msk $0xffff, v23  }
0xcd: {  	v47 =	vadd.f32 v32, v9;
	v48 =	vld [tilespmem:s26+$0x50];
	[tilespmem:v33+s18+$0x0] =	vst.idx.msk $0xffff, v45  }
0xce: {  	v17 =	vadd.f32 v17, v6;
	v12 =	vadd.s32 v3, v12;
	[tilespmem:v34+s18+$0x0] =	vst.idx.msk $0xffff, v46;
	v21 =	vld [tilespmem:s26+$0xFFFFFFD0]  }
0xcf: {  	v16 =	vadd.f32 v16, v4;
	v49 =	vadd.s32 v1, v26;
	[tilespmem:v44+s18+$0x0] =	vst.idx.msk $0xffff, v47;
	v50 =	vld [tilespmem:s26+$0x10]  }
0xd0: {  	[tilespmem:v14+s18+$0x0] =	vst.idx.msk $0xffff, v17;
	v51 =	vadd.f32 v15, v4;
	v53 =	vadd.s32 v1, v27;
	v52 =	vld [tilespmem:s26+$0xFFFFFF90]  }
0xd1: {  	v54 =	vld [tilespmem:s25+$0x60];
	v18 =	vadd.f32 v18, v4;
	[tilespmem:v19+s18+$0x0] =	vst.idx.msk $0xffff, v16;
	v55 =	vadd.s32 v1, v30  }
0xd2: {  	v57 =	vadd.s32 v1, v13;
	v60 =	vld [tilespmem:s25+$0x20];
	[tilespmem:v20+s18+$0x0] =	vst.idx.msk $0xffff, v51;
	v58 =	vadd.f32 v48, v6  }
0xd3: {  	v59 =	vadd.s32 v2, v7;
	v56 =	vld [tilespmem:s25+$0xFFFFFFE0];
	[tilespmem:v12+s18+$0x0] =	vst.idx.msk $0xffff, v18;
	v61 =	vadd.f32 v21, v6  }
0xd4: {  	v62 =	vld [tilespmem:s25+$0xFFFFFFA0];
	v29 =	vadd.s32 v2, v11;
	[tilespmem:v49+s18+$0x0] =	vst.idx.msk $0xffff, v58;
	v28 =	vadd.f32 v50, v6  }
0xd5: {  	v63 =	vadd.s32 v2, v10;
	v31 =	vadd.f32 v52, v6;
	v32 =	vld [tilespmem:s26+$0x60];
	[tilespmem:v53+s18+$0x0] =	vst.idx.msk $0xffff, v61  }
0xd6: {  	v33 =	vadd.f32 v54, v5;
	v34 =	vadd.s32 v2, v8;
	[tilespmem:v55+s18+$0x0] =	vst.idx.msk $0xffff, v28;
	v35 =	vld [tilespmem:s26+$0xFFFFFFE0]  }
0xd7: {  	v37 =	vadd.s32 v2, v26;
	v39 =	vadd.f32 v60, v5;
	[tilespmem:v57+s18+$0x0] =	vst.idx.msk $0xffff, v31;
	v38 =	vld [tilespmem:s26+$0x20]  }
0xd8: {  	v41 =	vadd.s32 v2, v27;
	v36 =	vadd.f32 v56, v5;
	[tilespmem:v59+s18+$0x0] =	vst.idx.msk $0xffff, v33;
	v40 =	vld [tilespmem:s26+$0xFFFFFFA0]  }
0xd9: {  	v43 =	vadd.s32 v2, v30;
	v18 =	vadd.f32 v62, v5;
	v42 =	vld [tilespmem:s25+$0x70];
	[tilespmem:v29+s18+$0x0] =	vst.idx.msk $0xffff, v39  }
0xda: {  	v45 =	vadd.s32 v2, v13;
	[tilespmem:v63+s18+$0x0] =	vst.idx.msk $0xffff, v36;
	v47 =	vld [tilespmem:s25+$0x30];
	v44 =	vadd.f32 v32, v5  }
0xdb: {  	v46 =	vadd.s32 v3, v7;
	[tilespmem:v34+s18+$0x0] =	vst.idx.msk $0xffff, v18;
	v21 =	vld [tilespmem:s25+$0xFFFFFFF0];
	v9 =	vadd.f32 v35, v5  }
0xdc: {  	v18 =	vld [tilespmem:s25+$0xFFFFFFB0];
	v50 =	vadd.s32 v3, v11;
	[tilespmem:v37+s18+$0x0] =	vst.idx.msk $0xffff, v44;
	v49 =	vadd.f32 v38, v5  }
0xdd: {  	v48 =	vadd.s32 v3, v10;
	v5 =	vadd.f32 v40, v5;
	v12 =	vld [tilespmem:s26+$0x70];
	[tilespmem:v41+s18+$0x0] =	vst.idx.msk $0xffff, v9  }
0xde: {  	v52 =	vadd.s32 v3, v8;
	v51 =	vadd.f32 v42, v4;
	[tilespmem:v43+s18+$0x0] =	vst.idx.msk $0xffff, v49;
	v53 =	vld [tilespmem:s26+$0xFFFFFFF0]  }
0xdf: {  	v55 =	vadd.s32 v3, v26;
	v56 =	vadd.f32 v47, v4;
	[tilespmem:v45+s18+$0x0] =	vst.idx.msk $0xffff, v5;
	v5 =	vld [tilespmem:s26+$0x30]  }
0xe0: {  	v58 =	vadd.s32 v3, v27;
	[tilespmem:v46+s18+$0x0] =	vst.idx.msk $0xffff, v51;
	v54 =	vadd.f32 v21, v4;
	v57 =	vld [tilespmem:s26+$0xFFFFFFB0]  }
0xe1: {  	v60 =	vadd.s32 v3, v30;
	v59 =	vadd.f32 v18, v4;
	[tilespmem:v50+s18+$0x0] =	vst.idx.msk $0xffff, v56  }
0xe2: {  	v62 =	vadd.s32 v3, v13;
	[tilespmem:v48+s18+$0x0] =	vst.idx.msk $0xffff, v54;
	v61 =	vadd.f32 v12, v4  }
0xe3: {  	s23 =	sand.u32 $0xF00, s23;
	s24 =	sshll.u32 s24, $0x12;
	[tilespmem:v52+s18+$0x0] =	vst.idx.msk $0xffff, v59;
	v63 =	vadd.f32 v53, v4  }
0xe4: {  	s23 =	sor.u32 s23, s24;
	[tilespmem:v55+s18+$0x0] =	vst.idx.msk $0xffff, v61;
	v5 =	vadd.f32 v5, v4  }
0xe5: {  	s23 =	sshrl.u32 s23, $0x3;
	v4 =	vadd.f32 v57, v4;
	[tilespmem:v58+s18+$0x0] =	vst.idx.msk $0xffff, v63  }
0xe6: {  	s24 =	simm.s32 $0x15800;
	s23 =	sadd.s32 s6, s23;
	[tilespmem:v60+s18+$0x0] =	vst.idx.msk $0xffff, v5  }
0xe7: {  	s28 =	sadd.s32 $0x0, s23;
	s25 =	simm.s32 $0x200;
	s26 =	simm.s32 $0x15908;
	[tilespmem:v62+s18+$0x0] =	vst.idx.msk $0xffff, v4  }
.LBB2_13:
0xe8: {  	[hbm4b:s28+s3] =	stream.linear.scatter [tilespmem:s24], [sflag:$0x4], $0x100, $0x38;
	[tilespmem:$0x19A00] =	vst v63  }
0xe9: {  	s28 =	smov.u32 s25;
	s24 =	smov.u32 s26;
	p0 =	sne.s32 s25, $0x7E00  }
.Ltmp8:
0xea: {  	s25 =	sadd.s32 $0x200, s25;
	(pc) =	sbr.rel @p0 .LBB2_13-.Ltmp8, $2  }
0xeb: {  	_ =	sdelay $0x2  }
0xec: {  	s26 =	sadd.s32 $0x108, s26;
	s28 =	sadd.s32 s28, s23  }
0xed: {  	p0 =	seq.s32 s21, $0x31  }
.Ltmp9:
0xee: {  	_ = 	snop;
	(pc) =	sbr.rel @p0 .LBB2_16-.Ltmp9, $2  }
0xef: {  	_ =	sdelay $0x2  }
0xf0: {  	[hbm4b:s28+s3] =	stream.linear.scatter [tilespmem:s24], [sflag:$0x4], $0x100, $0x38;
	[tilespmem:$0x19A00] =	vst v63  }
.Ltmp10:
0xf1: {  	(pc) =	sbr.rel .LBB2_2-.Ltmp10, $4  }
0xf2: {  	_ = 	snop  }
0xf3: {  	s22 =	sand.u32 $0x3FFFFE00, s22  }
0xf4: {  	s21 =	sadd.s32 $0x1, s21;
	s22 =	sadd.s32 $0x300, s22  }
0xf5: {  	[tilespmem:s13], [sflag:$0x2] =	stream.indirect.gather [hbm4b:s5+s11], $0x40, s22, s11, $0xb8;
	[tilespmem:$0x19A00] =	vst v63  }
.LBB2_17:
0xf6: {  	_ =	sfence.sel $0x180000  }
0xf7: {  	[bflag:$0x0] =	sbarrier.arrive $0xFFFF  }
0xf8: {  	p0 =	sne.s32 s0, $0x0;
	_ =	strace $0x9000004A  }
0xf9: {  	s0 =	sadd.s32 @!p0 $0x100000, s1;
	[bflag:$0x2] =	sbarrier.arrive $0xFFFF  }
0xfa: {  	[sflag:s0] =	ssyncadd.tile.s32 @!p0 $0x1;
	_ =	shalt  }
.Lfunc_end2:
_tile_overlayer_lowered:
.L_overlay_start_2:
0xfb: {  	(tag) =	ssettag $0x2  }
0xfc: {  	s0 =	rddreg [dreg:$0x0];
	s2 =	stileid.u32  }
0xfd: {  	s1 =	rddreg [dreg:$0x1];
	p0 =	sne.s32 s2, $0x0  }
0xfe: {  	s3 =	rddreg [dreg:$0x2];
	[bflag:$0x3] =	sbarrier.arrive $0xFFFF;
	s2 =	simm.s32 @!p0 $0x1C05  }
0xff: {  	[timem:s3], [sflag:s2] =	dma.local @!p0 [hbm:s0], s1  }
0x100: {  	s0 =	simm.s32 @!p0 $0x5  }
0x101: {  	_ =	swait.ge @!p0 [sflag:s0], s1  }
0x102: {  	s1 =	ssub.s32 @!p0 $0x0, s1;
	[sflag:s0] =	ssyncset.done @!p0 $0x0  }
0x103: {  	[sflag:s0] =	ssyncadd.s32 @!p0 s1  }
0x104: {  	[bflag:$0x3] =	sbarrier.arrive $0xFFFF  }
0x105: {  	_ =	shalt  }

</sc_bundles>
